<compile_context>
chip_gen: v7x
topology: tpu7x:2x2x1
jax: 0.10.2.dev20260603
libtpu: 0.0.44.dev20260713+nightly
codegen_flags: <defaults>
</compile_context>

<pallas_src>
import functools

import jax
import jax.numpy as jnp
from jax import lax
from jax.experimental import pallas as pl
from jax.experimental.pallas import tpu as pltpu
from jax.experimental.pallas import tpu_sc as plsc

DEPTH = 100
CH = 16
B = 4096
T = 200
TS = 8
TR = T // TS
BL = 128
VH = DEPTH // 2

_info = plsc.get_sparse_core_info()
_NC, _NS, _L = _info.num_cores, _info.num_subcores, _info.num_lanes
NW = _NC * _NS
NGROUP = BL // _L


def _onehot_sc(net_rows):
    mesh = plsc.VectorSubcoreMesh(core_axis_name="c", subcore_axis_name="s")

    @functools.partial(
        pl.kernel,
        mesh=mesh,
        compiler_params=pltpu.CompilerParams(needs_layout_passes=False),
        out_type=jax.ShapeDtypeStruct((DEPTH, T, B), jnp.float32),
        scratch_types=[
            pltpu.VMEM((2 * TS, BL), jnp.float32),
            pltpu.VMEM((2 * TS, BL), jnp.float32),
            pltpu.VMEM((VH, TS, BL), jnp.float32),
            pltpu.VMEM((VH, TS, BL), jnp.float32),
            pltpu.VMEM((TS * BL,), jnp.int32),
            pltpu.VMEM((TS * BL,), jnp.int32),
            pltpu.SemaphoreType.DMA,
            pltpu.SemaphoreType.DMA,
            pltpu.SemaphoreType.DMA,
            pltpu.SemaphoreType.DMA,
        ],
    )
    def k(net_hbm, out_hbm, in0, in1, oh0, oh1, off0, off1,
          si0, si1, so0, so1):
        w = lax.axis_index("s") * _NC + lax.axis_index("c")
        bbase = w * BL

        lanes = lax.iota(jnp.int32, _L)
        zeros16 = jnp.zeros((_L,), jnp.float32)
        ones16 = jnp.ones((_L,), jnp.float32)

        def zero_buf(buf):
            def zb(v, carry):
                for ts in range(TS):
                    for kk in range(NGROUP):
                        buf[v, ts, pl.ds(kk * _L, _L)] = zeros16
                return carry
            lax.fori_loop(0, VH, zb, None)

        zero_buf(oh0)
        zero_buf(oh1)

        banks = ((oh0, off0, so0), (oh1, off1, so1))

        def fire_in(tr, in_b, isem):
            t16 = tr * TS + jnp.minimum(lanes, TS - 1)
            rows = t16 * (4 * BL) + 8 * w + (2 * BL + 7)
            pltpu.async_copy(net_hbm.at[rows], in_b, isem)

        def wait_in(in_b, isem):
            pltpu.make_async_copy(
                net_hbm.at[lanes], in_b, isem).wait()

        def half_pass(in_b, h):
            oh_b, off_b, _unused = banks[h]

            def tsb(ts, carry):
                t128 = ts * BL
                tt = jnp.full((_L,), ts, jnp.int32)
                for kk in range(NGROUP):
                    vals = in_b[ts, pl.ds(kk * _L, _L)]
                    vi = vals.astype(jnp.int32)
                    bb = kk * _L + lanes
                    if h == 0:
                        m = vi < VH
                        vv = jnp.where(m, vi, 0)
                    else:
                        m = vi >= VH
                        vv = jnp.where(m, vi - VH, 0)
                    off_b[pl.ds(t128 + kk * _L, _L)] = (
                        vv * (TS * BL) + t128 + bb)
                    plsc.store_scatter(oh_b, [vv, tt, bb], ones16, mask=m)
                return carry

            lax.fori_loop(0, TS, tsb, None)

        VQ = VH // 2

        def fire(tr, oh_b, sem, h):
            for q in range(2):
                pltpu.async_copy(
                    oh_b.at[pl.ds(q * VQ, VQ)],
                    out_hbm.at[pl.ds(h * VH + q * VQ, VQ),
                               pl.ds(tr * TS, TS), pl.ds(bbase, BL)],
                    sem)

        def wait_and_rezero(oh_b, off_b, sem):
            for q in range(2):
                pltpu.make_async_copy(
                    oh_b.at[pl.ds(0, VQ)],
                    out_hbm.at[pl.ds(0, VQ), pl.ds(0, TS), pl.ds(0, BL)],
                    sem).wait()

            def rz(g, carry):
                offr = off_b[pl.ds(g * _L, _L)]
                vv = lax.shift_right_logical(offr, 10)
                tt = lax.shift_right_logical(offr, 7) & 7
                bb = offr & (BL - 1)
                plsc.store_scatter(oh_b, [vv, tt, bb], zeros16)
                return carry

            lax.fori_loop(0, (TS * BL) // _L, rz, None)

        def process(tr, in_b, isem, first):
            wait_in(in_b, isem)
            for h in range(2):
                oh_b, off_b, sem = banks[h]
                if not first:
                    wait_and_rezero(oh_b, off_b, sem)
                half_pass(in_b, h)
                fire(tr, oh_b, sem, h)
            fire_in(jnp.minimum(tr + 2, TR - 1), in_b, isem)

        fire_in(0, in0, si0)
        fire_in(1, in1, si1)
        process(0, in0, si0, first=True)

        def outer(i, carry):
            process(2 * i + 1, in1, si1, first=False)
            process(2 * i + 2, in0, si0, first=False)
            return carry

        lax.fori_loop(0, (TR - 1) // 2, outer, None)

        wait_in(in0, si0)
        wait_in(in1, si1)
        for h in range(2):
            oh_b, _unused, sem = banks[h]
            for q in range(2):
                pltpu.make_async_copy(
                    oh_b.at[pl.ds(0, VQ)],
                    out_hbm.at[pl.ds(0, VQ), pl.ds(0, TS), pl.ds(0, BL)],
                    sem).wait()

    return k(net_rows)


def kernel(network):
    net_t = jnp.transpose(network, (1, 2, 0))
    net5 = net_t.reshape(T, 2, TS, B // BL, BL)
    net_rows = jnp.transpose(net5, (0, 1, 3, 2, 4)).reshape(-1, BL)
    out_p = _onehot_sc(net_rows)
    return jnp.transpose(out_p, (2, 1, 0))

# --- scband reference (transcript-rebuilt; emitter-appended) ---
"""Pipeline reference for scband-last-channel-one-hot-19765439496367 (READ-ONLY COPY).

The authoritative reference and input builder live on the scoring server;
editing this copy changes nothing except your own understanding.
"""

import jax, jax.numpy as jnp
import numpy as np

NUM_VALUES = 100


def setup_inputs(seed: int = 0) -> dict:
    key = jax.random.key(seed)
    # Last channel holds categorical values in [0, NUM_VALUES), encoded as floats.
    network = jax.random.randint(key, (4096, 200, 16), 0, NUM_VALUES).astype(jnp.float32)
    return {"network": network}


def reference(network):
    # network[..., -1] -> cast to int32 -> one_hot(depth=NUM_VALUES)
    idx = network[..., -1].astype(jnp.int32)
    onehot = (idx[..., None] == jnp.arange(NUM_VALUES, dtype=jnp.int32)).astype(jnp.float32)
    return onehot

if __name__ == "__main__":
    import jax
    _d = setup_inputs()
    print(jax.jit(kernel)(*tuple(_d.values())))

</pallas_src>

<mosaic_0001>
#map = affine_map<(d0, d1) -> (0, 0)>
#map1 = affine_map<(d0, d1) -> (0, 0, 0)>
module attributes {stable_mosaic.version = 14 : i64} {
  func.func @k(%arg0: i32, %arg1: i32, %arg2: memref<102400x128xf32, #tpu.memory_space<hbm>>, %arg3: memref<100x200x4096xf32, #tpu.memory_space<hbm>>, %arg4: memref<16x128xf32, #tpu.memory_space<vmem>>, %arg5: memref<16x128xf32, #tpu.memory_space<vmem>>, %arg6: memref<50x8x128xf32, #tpu.memory_space<vmem>>, %arg7: memref<50x8x128xf32, #tpu.memory_space<vmem>>, %arg8: memref<1024xi32, #tpu.memory_space<vmem>>, %arg9: memref<1024xi32, #tpu.memory_space<vmem>>, %arg10: memref<!tpu.dma_semaphore, #tpu.memory_space<semaphore_mem>>, %arg11: memref<!tpu.dma_semaphore, #tpu.memory_space<semaphore_mem>>, %arg12: memref<!tpu.dma_semaphore, #tpu.memory_space<semaphore_mem>>, %arg13: memref<!tpu.dma_semaphore, #tpu.memory_space<semaphore_mem>>) attributes {dimension_semantics = [#tpu.dimension_semantics<core_parallel>, #tpu.dimension_semantics<subcore_parallel>], iteration_bounds = array<i64: 2, 16>, scalar_prefetch = 0 : i64, scratch_operands = 10 : i64, tpu.core_type = #tpu.core_type<sc_vector_subcore>, window_params = [{transform_indices = #map}, {transform_indices = #map1}]} {
    %mul3A = arith.constant 2 : i32
    %mul3A_0 = arith.muli %arg1, %mul3A : i32
    %add3A = arith.addi %mul3A_0, %arg0 : i32
    %mul3A_1 = arith.constant 128 : i32
    %mul3A_2 = arith.muli %add3A, %mul3A_1 : i32
    %iota3A = tpu.iota {dimensions = array<i32: 0>} : vector<16xi32>
    %broadcast_in_dim3A = arith.constant 0.000000e+00 : f32
    %broadcast_in_dim3A_3 = vector.broadcast %broadcast_in_dim3A : f32 to vector<16xf32>
    %broadcast_in_dim3A_4 = arith.constant 1.000000e+00 : f32
    %broadcast_in_dim3A_5 = vector.broadcast %broadcast_in_dim3A_4 : f32 to vector<16xf32>
    %scan3A = arith.constant 0 : i32
    %scan3A_6 = arith.constant 50 : i32
    %scan3A_7 = arith.addi %scan3A, %scan3A_6 : i32
    %scan3A_8 = arith.constant 1 : i32
    scf.for %scan3A_217 = %scan3A to %scan3A_7 step %scan3A_8  : i32 {
      %swap3A = arith.constant 0 : i32
      %swap3A_218 = arith.index_cast %scan3A_217 : i32 to index
      %swap3A_219 = arith.index_cast %swap3A : i32 to index
      %swap3A_220 = arith.constant 0 : index
      %swap3A_221 = tpu.vector_load %arg6[%swap3A_218, %swap3A_219, %swap3A_220] {strides = array<i32>} : memref<50x8x128xf32, #tpu.memory_space<vmem>>, vector<16xf32>,
      tpu.vector_store %arg6[%swap3A_218, %swap3A_219, %swap3A_220], %broadcast_in_dim3A_3 {strides = array<i32>} : memref<50x8x128xf32, #tpu.memory_space<vmem>>, vector<16xf32>,
      %swap3A_222 = arith.constant 0 : i32
      %swap3A_223 = arith.index_cast %scan3A_217 : i32 to index
      %swap3A_224 = arith.index_cast %swap3A_222 : i32 to index
      %swap3A_225 = arith.constant 16 : index
      %swap3A_226 = tpu.vector_load %arg6[%swap3A_223, %swap3A_224, %swap3A_225] {strides = array<i32>} : memref<50x8x128xf32, #tpu.memory_space<vmem>>, vector<16xf32>,
      tpu.vector_store %arg6[%swap3A_223, %swap3A_224, %swap3A_225], %broadcast_in_dim3A_3 {strides = array<i32>} : memref<50x8x128xf32, #tpu.memory_space<vmem>>, vector<16xf32>,
      %swap3A_227 = arith.constant 0 : i32
      %swap3A_228 = arith.index_cast %scan3A_217 : i32 to index
      %swap3A_229 = arith.index_cast %swap3A_227 : i32 to index
      %swap3A_230 = arith.constant 32 : index
      %swap3A_231 = tpu.vector_load %arg6[%swap3A_228, %swap3A_229, %swap3A_230] {strides = array<i32>} : memref<50x8x128xf32, #tpu.memory_space<vmem>>, vector<16xf32>,
      tpu.vector_store %arg6[%swap3A_228, %swap3A_229, %swap3A_230], %broadcast_in_dim3A_3 {strides = array<i32>} : memref<50x8x128xf32, #tpu.memory_space<vmem>>, vector<16xf32>,
      %swap3A_232 = arith.constant 0 : i32
      %swap3A_233 = arith.index_cast %scan3A_217 : i32 to index
      %swap3A_234 = arith.index_cast %swap3A_232 : i32 to index
      %swap3A_235 = arith.constant 48 : index
      %swap3A_236 = tpu.vector_load %arg6[%swap3A_233, %swap3A_234, %swap3A_235] {strides = array<i32>} : memref<50x8x128xf32, #tpu.memory_space<vmem>>, vector<16xf32>,
      tpu.vector_store %arg6[%swap3A_233, %swap3A_234, %swap3A_235], %broadcast_in_dim3A_3 {strides = array<i32>} : memref<50x8x128xf32, #tpu.memory_space<vmem>>, vector<16xf32>,
      %swap3A_237 = arith.constant 0 : i32
      %swap3A_238 = arith.index_cast %scan3A_217 : i32 to index
      %swap3A_239 = arith.index_cast %swap3A_237 : i32 to index
      %swap3A_240 = arith.constant 64 : index
      %swap3A_241 = tpu.vector_load %arg6[%swap3A_238, %swap3A_239, %swap3A_240] {strides = array<i32>} : memref<50x8x128xf32, #tpu.memory_space<vmem>>, vector<16xf32>,
      tpu.vector_store %arg6[%swap3A_238, %swap3A_239, %swap3A_240], %broadcast_in_dim3A_3 {strides = array<i32>} : memref<50x8x128xf32, #tpu.memory_space<vmem>>, vector<16xf32>,
      %swap3A_242 = arith.constant 0 : i32
      %swap3A_243 = arith.index_cast %scan3A_217 : i32 to index
      %swap3A_244 = arith.index_cast %swap3A_242 : i32 to index
      %swap3A_245 = arith.constant 80 : index
      %swap3A_246 = tpu.vector_load %arg6[%swap3A_243, %swap3A_244, %swap3A_245] {strides = array<i32>} : memref<50x8x128xf32, #tpu.memory_space<vmem>>, vector<16xf32>,
      tpu.vector_store %arg6[%swap3A_243, %swap3A_244, %swap3A_245], %broadcast_in_dim3A_3 {strides = array<i32>} : memref<50x8x128xf32, #tpu.memory_space<vmem>>, vector<16xf32>,
      %swap3A_247 = arith.constant 0 : i32
      %swap3A_248 = arith.index_cast %scan3A_217 : i32 to index
      %swap3A_249 = arith.index_cast %swap3A_247 : i32 to index
      %swap3A_250 = arith.constant 96 : index
      %swap3A_251 = tpu.vector_load %arg6[%swap3A_248, %swap3A_249, %swap3A_250] {strides = array<i32>} : memref<50x8x128xf32, #tpu.memory_space<vmem>>, vector<16xf32>,
      tpu.vector_store %arg6[%swap3A_248, %swap3A_249, %swap3A_250], %broadcast_in_dim3A_3 {strides = array<i32>} : memref<50x8x128xf32, #tpu.memory_space<vmem>>, vector<16xf32>,
      %swap3A_252 = arith.constant 0 : i32
      %swap3A_253 = arith.index_cast %scan3A_217 : i32 to index
      %swap3A_254 = arith.index_cast %swap3A_252 : i32 to index
      %swap3A_255 = arith.constant 112 : index
      %swap3A_256 = tpu.vector_load %arg6[%swap3A_253, %swap3A_254, %swap3A_255] {strides = array<i32>} : memref<50x8x128xf32, #tpu.memory_space<vmem>>, vector<16xf32>,
      tpu.vector_store %arg6[%swap3A_253, %swap3A_254, %swap3A_255], %broadcast_in_dim3A_3 {strides = array<i32>} : memref<50x8x128xf32, #tpu.memory_space<vmem>>, vector<16xf32>,
      %swap3A_257 = arith.constant 1 : i32
      %swap3A_258 = arith.index_cast %scan3A_217 : i32 to index
      %swap3A_259 = arith.index_cast %swap3A_257 : i32 to index
      %swap3A_260 = arith.constant 0 : index
      %swap3A_261 = tpu.vector_load %arg6[%swap3A_258, %swap3A_259, %swap3A_260] {strides = array<i32>} : memref<50x8x128xf32, #tpu.memory_space<vmem>>, vector<16xf32>,
      tpu.vector_store %arg6[%swap3A_258, %swap3A_259, %swap3A_260], %broadcast_in_dim3A_3 {strides = array<i32>} : memref<50x8x128xf32, #tpu.memory_space<vmem>>, vector<16xf32>,
      %swap3A_262 = arith.constant 1 : i32
      %swap3A_263 = arith.index_cast %scan3A_217 : i32 to index
      %swap3A_264 = arith.index_cast %swap3A_262 : i32 to index
      %swap3A_265 = arith.constant 16 : index
      %swap3A_266 = tpu.vector_load %arg6[%swap3A_263, %swap3A_264, %swap3A_265] {strides = array<i32>} : memref<50x8x128xf32, #tpu.memory_space<vmem>>, vector<16xf32>,
      tpu.vector_store %arg6[%swap3A_263, %swap3A_264, %swap3A_265], %broadcast_in_dim3A_3 {strides = array<i32>} : memref<50x8x128xf32, #tpu.memory_space<vmem>>, vector<16xf32>,
      %swap3A_267 = arith.constant 1 : i32
      %swap3A_268 = arith.index_cast %scan3A_217 : i32 to index
      %swap3A_269 = arith.index_cast %swap3A_267 : i32 to index
      %swap3A_270 = arith.constant 32 : index
      %swap3A_271 = tpu.vector_load %arg6[%swap3A_268, %swap3A_269, %swap3A_270] {strides = array<i32>} : memref<50x8x128xf32, #tpu.memory_space<vmem>>, vector<16xf32>,
      tpu.vector_store %arg6[%swap3A_268, %swap3A_269, %swap3A_270], %broadcast_in_dim3A_3 {strides = array<i32>} : memref<50x8x128xf32, #tpu.memory_space<vmem>>, vector<16xf32>,
      %swap3A_272 = arith.constant 1 : i32
      %swap3A_273 = arith.index_cast %scan3A_217 : i32 to index
      %swap3A_274 = arith.index_cast %swap3A_272 : i32 to index
      %swap3A_275 = arith.constant 48 : index
      %swap3A_276 = tpu.vector_load %arg6[%swap3A_273, %swap3A_274, %swap3A_275] {strides = array<i32>} : memref<50x8x128xf32, #tpu.memory_space<vmem>>, vector<16xf32>,
      tpu.vector_store %arg6[%swap3A_273, %swap3A_274, %swap3A_275], %broadcast_in_dim3A_3 {strides = array<i32>} : memref<50x8x128xf32, #tpu.memory_space<vmem>>, vector<16xf32>,
      %swap3A_277 = arith.constant 1 : i32
      %swap3A_278 = arith.index_cast %scan3A_217 : i32 to index
      %swap3A_279 = arith.index_cast %swap3A_277 : i32 to index
      %swap3A_280 = arith.constant 64 : index
      %swap3A_281 = tpu.vector_load %arg6[%swap3A_278, %swap3A_279, %swap3A_280] {strides = array<i32>} : memref<50x8x128xf32, #tpu.memory_space<vmem>>, vector<16xf32>,
      tpu.vector_store %arg6[%swap3A_278, %swap3A_279, %swap3A_280], %broadcast_in_dim3A_3 {strides = array<i32>} : memref<50x8x128xf32, #tpu.memory_space<vmem>>, vector<16xf32>,
      %swap3A_282 = arith.constant 1 : i32
      %swap3A_283 = arith.index_cast %scan3A_217 : i32 to index
      %swap3A_284 = arith.index_cast %swap3A_282 : i32 to index
      %swap3A_285 = arith.constant 80 : index
      %swap3A_286 = tpu.vector_load %arg6[%swap3A_283, %swap3A_284, %swap3A_285] {strides = array<i32>} : memref<50x8x128xf32, #tpu.memory_space<vmem>>, vector<16xf32>,
      tpu.vector_store %arg6[%swap3A_283, %swap3A_284, %swap3A_285], %broadcast_in_dim3A_3 {strides = array<i32>} : memref<50x8x128xf32, #tpu.memory_space<vmem>>, vector<16xf32>,
      %swap3A_287 = arith.constant 1 : i32
      %swap3A_288 = arith.index_cast %scan3A_217 : i32 to index
      %swap3A_289 = arith.index_cast %swap3A_287 : i32 to index
      %swap3A_290 = arith.constant 96 : index
      %swap3A_291 = tpu.vector_load %arg6[%swap3A_288, %swap3A_289, %swap3A_290] {strides = array<i32>} : memref<50x8x128xf32, #tpu.memory_space<vmem>>, vector<16xf32>,
      tpu.vector_store %arg6[%swap3A_288, %swap3A_289, %swap3A_290], %broadcast_in_dim3A_3 {strides = array<i32>} : memref<50x8x128xf32, #tpu.memory_space<vmem>>, vector<16xf32>,
      %swap3A_292 = arith.constant 1 : i32
      %swap3A_293 = arith.index_cast %scan3A_217 : i32 to index
      %swap3A_294 = arith.index_cast %swap3A_292 : i32 to index
      %swap3A_295 = arith.constant 112 : index
      %swap3A_296 = tpu.vector_load %arg6[%swap3A_293, %swap3A_294, %swap3A_295] {strides = array<i32>} : memref<50x8x128xf32, #tpu.memory_space<vmem>>, vector<16xf32>,
      tpu.vector_store %arg6[%swap3A_293, %swap3A_294, %swap3A_295], %broadcast_in_dim3A_3 {strides = array<i32>} : memref<50x8x128xf32, #tpu.memory_space<vmem>>, vector<16xf32>,
      %swap3A_297 = arith.constant 2 : i32
      %swap3A_298 = arith.index_cast %scan3A_217 : i32 to index
      %swap3A_299 = arith.index_cast %swap3A_297 : i32 to index
      %swap3A_300 = arith.constant 0 : index
      %swap3A_301 = tpu.vector_load %arg6[%swap3A_298, %swap3A_299, %swap3A_300] {strides = array<i32>} : memref<50x8x128xf32, #tpu.memory_space<vmem>>, vector<16xf32>,
      tpu.vector_store %arg6[%swap3A_298, %swap3A_299, %swap3A_300], %broadcast_in_dim3A_3 {strides = array<i32>} : memref<50x8x128xf32, #tpu.memory_space<vmem>>, vector<16xf32>,
      %swap3A_302 = arith.constant 2 : i32
      %swap3A_303 = arith.index_cast %scan3A_217 : i32 to index
      %swap3A_304 = arith.index_cast %swap3A_302 : i32 to index
      %swap3A_305 = arith.constant 16 : index
      %swap3A_306 = tpu.vector_load %arg6[%swap3A_303, %swap3A_304, %swap3A_305] {strides = array<i32>} : memref<50x8x128xf32, #tpu.memory_space<vmem>>, vector<16xf32>,
      tpu.vector_store %arg6[%swap3A_303, %swap3A_304, %swap3A_305], %broadcast_in_dim3A_3 {strides = array<i32>} : memref<50x8x128xf32, #tpu.memory_space<vmem>>, vector<16xf32>,
      %swap3A_307 = arith.constant 2 : i32
      %swap3A_308 = arith.index_cast %scan3A_217 : i32 to index
      %swap3A_309 = arith.index_cast %swap3A_307 : i32 to index
      %swap3A_310 = arith.constant 32 : index
      %swap3A_311 = tpu.vector_load %arg6[%swap3A_308, %swap3A_309, %swap3A_310] {strides = array<i32>} : memref<50x8x128xf32, #tpu.memory_space<vmem>>, vector<16xf32>,
      tpu.vector_store %arg6[%swap3A_308, %swap3A_309, %swap3A_310], %broadcast_in_dim3A_3 {strides = array<i32>} : memref<50x8x128xf32, #tpu.memory_space<vmem>>, vector<16xf32>,
      %swap3A_312 = arith.constant 2 : i32
      %swap3A_313 = arith.index_cast %scan3A_217 : i32 to index
      %swap3A_314 = arith.index_cast %swap3A_312 : i32 to index
      %swap3A_315 = arith.constant 48 : index
      %swap3A_316 = tpu.vector_load %arg6[%swap3A_313, %swap3A_314, %swap3A_315] {strides = array<i32>} : memref<50x8x128xf32, #tpu.memory_space<vmem>>, vector<16xf32>,
      tpu.vector_store %arg6[%swap3A_313, %swap3A_314, %swap3A_315], %broadcast_in_dim3A_3 {strides = array<i32>} : memref<50x8x128xf32, #tpu.memory_space<vmem>>, vector<16xf32>,
      %swap3A_317 = arith.constant 2 : i32
      %swap3A_318 = arith.index_cast %scan3A_217 : i32 to index
      %swap3A_319 = arith.index_cast %swap3A_317 : i32 to index
      %swap3A_320 = arith.constant 64 : index
      %swap3A_321 = tpu.vector_load %arg6[%swap3A_318, %swap3A_319, %swap3A_320] {strides = array<i32>} : memref<50x8x128xf32, #tpu.memory_space<vmem>>, vector<16xf32>,
      tpu.vector_store %arg6[%swap3A_318, %swap3A_319, %swap3A_320], %broadcast_in_dim3A_3 {strides = array<i32>} : memref<50x8x128xf32, #tpu.memory_space<vmem>>, vector<16xf32>,
      %swap3A_322 = arith.constant 2 : i32
      %swap3A_323 = arith.index_cast %scan3A_217 : i32 to index
      %swap3A_324 = arith.index_cast %swap3A_322 : i32 to index
      %swap3A_325 = arith.constant 80 : index
      %swap3A_326 = tpu.vector_load %arg6[%swap3A_323, %swap3A_324, %swap3A_325] {strides = array<i32>} : memref<50x8x128xf32, #tpu.memory_space<vmem>>, vector<16xf32>,
      tpu.vector_store %arg6[%swap3A_323, %swap3A_324, %swap3A_325], %broadcast_in_dim3A_3 {strides = array<i32>} : memref<50x8x128xf32, #tpu.memory_space<vmem>>, vector<16xf32>,
      %swap3A_327 = arith.constant 2 : i32
      %swap3A_328 = arith.index_cast %scan3A_217 : i32 to index
      %swap3A_329 = arith.index_cast %swap3A_327 : i32 to index
      %swap3A_330 = arith.constant 96 : index
      %swap3A_331 = tpu.vector_load %arg6[%swap3A_328, %swap3A_329, %swap3A_330] {strides = array<i32>} : memref<50x8x128xf32, #tpu.memory_space<vmem>>, vector<16xf32>,
      tpu.vector_store %arg6[%swap3A_328, %swap3A_329, %swap3A_330], %broadcast_in_dim3A_3 {strides = array<i32>} : memref<50x8x128xf32, #tpu.memory_space<vmem>>, vector<16xf32>,
      %swap3A_332 = arith.constant 2 : i32
      %swap3A_333 = arith.index_cast %scan3A_217 : i32 to index
      %swap3A_334 = arith.index_cast %swap3A_332 : i32 to index
      %swap3A_335 = arith.constant 112 : index
      %swap3A_336 = tpu.vector_load %arg6[%swap3A_333, %swap3A_334, %swap3A_335] {strides = array<i32>} : memref<50x8x128xf32, #tpu.memory_space<vmem>>, vector<16xf32>,
      tpu.vector_store %arg6[%swap3A_333, %swap3A_334, %swap3A_335], %broadcast_in_dim3A_3 {strides = array<i32>} : memref<50x8x128xf32, #tpu.memory_space<vmem>>, vector<16xf32>,
      %swap3A_337 = arith.constant 3 : i32
      %swap3A_338 = arith.index_cast %scan3A_217 : i32 to index
      %swap3A_339 = arith.index_cast %swap3A_337 : i32 to index
      %swap3A_340 = arith.constant 0 : index
      %swap3A_341 = tpu.vector_load %arg6[%swap3A_338, %swap3A_339, %swap3A_340] {strides = array<i32>} : memref<50x8x128xf32, #tpu.memory_space<vmem>>, vector<16xf32>,
      tpu.vector_store %arg6[%swap3A_338, %swap3A_339, %swap3A_340], %broadcast_in_dim3A_3 {strides = array<i32>} : memref<50x8x128xf32, #tpu.memory_space<vmem>>, vector<16xf32>,
      %swap3A_342 = arith.constant 3 : i32
      %swap3A_343 = arith.index_cast %scan3A_217 : i32 to index
      %swap3A_344 = arith.index_cast %swap3A_342 : i32 to index
      %swap3A_345 = arith.constant 16 : index
      %swap3A_346 = tpu.vector_load %arg6[%swap3A_343, %swap3A_344, %swap3A_345] {strides = array<i32>} : memref<50x8x128xf32, #tpu.memory_space<vmem>>, vector<16xf32>,
      tpu.vector_store %arg6[%swap3A_343, %swap3A_344, %swap3A_345], %broadcast_in_dim3A_3 {strides = array<i32>} : memref<50x8x128xf32, #tpu.memory_space<vmem>>, vector<16xf32>,
      %swap3A_347 = arith.constant 3 : i32
      %swap3A_348 = arith.index_cast %scan3A_217 : i32 to index
      %swap3A_349 = arith.index_cast %swap3A_347 : i32 to index
      %swap3A_350 = arith.constant 32 : index
      %swap3A_351 = tpu.vector_load %arg6[%swap3A_348, %swap3A_349, %swap3A_350] {strides = array<i32>} : memref<50x8x128xf32, #tpu.memory_space<vmem>>, vector<16xf32>,
      tpu.vector_store %arg6[%swap3A_348, %swap3A_349, %swap3A_350], %broadcast_in_dim3A_3 {strides = array<i32>} : memref<50x8x128xf32, #tpu.memory_space<vmem>>, vector<16xf32>,
      %swap3A_352 = arith.constant 3 : i32
      %swap3A_353 = arith.index_cast %scan3A_217 : i32 to index
      %swap3A_354 = arith.index_cast %swap3A_352 : i32 to index
      %swap3A_355 = arith.constant 48 : index
      %swap3A_356 = tpu.vector_load %arg6[%swap3A_353, %swap3A_354, %swap3A_355] {strides = array<i32>} : memref<50x8x128xf32, #tpu.memory_space<vmem>>, vector<16xf32>,
      tpu.vector_store %arg6[%swap3A_353, %swap3A_354, %swap3A_355], %broadcast_in_dim3A_3 {strides = array<i32>} : memref<50x8x128xf32, #tpu.memory_space<vmem>>, vector<16xf32>,
      %swap3A_357 = arith.constant 3 : i32
      %swap3A_358 = arith.index_cast %scan3A_217 : i32 to index
      %swap3A_359 = arith.index_cast %swap3A_357 : i32 to index
      %swap3A_360 = arith.constant 64 : index
      %swap3A_361 = tpu.vector_load %arg6[%swap3A_358, %swap3A_359, %swap3A_360] {strides = array<i32>} : memref<50x8x128xf32, #tpu.memory_space<vmem>>, vector<16xf32>,
      tpu.vector_store %arg6[%swap3A_358, %swap3A_359, %swap3A_360], %broadcast_in_dim3A_3 {strides = array<i32>} : memref<50x8x128xf32, #tpu.memory_space<vmem>>, vector<16xf32>,
      %swap3A_362 = arith.constant 3 : i32
      %swap3A_363 = arith.index_cast %scan3A_217 : i32 to index
      %swap3A_364 = arith.index_cast %swap3A_362 : i32 to index
      %swap3A_365 = arith.constant 80 : index
      %swap3A_366 = tpu.vector_load %arg6[%swap3A_363, %swap3A_364, %swap3A_365] {strides = array<i32>} : memref<50x8x128xf32, #tpu.memory_space<vmem>>, vector<16xf32>,
      tpu.vector_store %arg6[%swap3A_363, %swap3A_364, %swap3A_365], %broadcast_in_dim3A_3 {strides = array<i32>} : memref<50x8x128xf32, #tpu.memory_space<vmem>>, vector<16xf32>,
      %swap3A_367 = arith.constant 3 : i32
      %swap3A_368 = arith.index_cast %scan3A_217 : i32 to index
      %swap3A_369 = arith.index_cast %swap3A_367 : i32 to index
      %swap3A_370 = arith.constant 96 : index
      %swap3A_371 = tpu.vector_load %arg6[%swap3A_368, %swap3A_369, %swap3A_370] {strides = array<i32>} : memref<50x8x128xf32, #tpu.memory_space<vmem>>, vector<16xf32>,
      tpu.vector_store %arg6[%swap3A_368, %swap3A_369, %swap3A_370], %broadcast_in_dim3A_3 {strides = array<i32>} : memref<50x8x128xf32, #tpu.memory_space<vmem>>, vector<16xf32>,
      %swap3A_372 = arith.constant 3 : i32
      %swap3A_373 = arith.index_cast %scan3A_217 : i32 to index
      %swap3A_374 = arith.index_cast %swap3A_372 : i32 to index
      %swap3A_375 = arith.constant 112 : index
      %swap3A_376 = tpu.vector_load %arg6[%swap3A_373, %swap3A_374, %swap3A_375] {strides = array<i32>} : memref<50x8x128xf32, #tpu.memory_space<vmem>>, vector<16xf32>,
      tpu.vector_store %arg6[%swap3A_373, %swap3A_374, %swap3A_375], %broadcast_in_dim3A_3 {strides = array<i32>} : memref<50x8x128xf32, #tpu.memory_space<vmem>>, vector<16xf32>,
      %swap3A_377 = arith.constant 4 : i32
      %swap3A_378 = arith.index_cast %scan3A_217 : i32 to index
      %swap3A_379 = arith.index_cast %swap3A_377 : i32 to index
      %swap3A_380 = arith.constant 0 : index
      %swap3A_381 = tpu.vector_load %arg6[%swap3A_378, %swap3A_379, %swap3A_380] {strides = array<i32>} : memref<50x8x128xf32, #tpu.memory_space<vmem>>, vector<16xf32>,
      tpu.vector_store %arg6[%swap3A_378, %swap3A_379, %swap3A_380], %broadcast_in_dim3A_3 {strides = array<i32>} : memref<50x8x128xf32, #tpu.memory_space<vmem>>, vector<16xf32>,
      %swap3A_382 = arith.constant 4 : i32
      %swap3A_383 = arith.index_cast %scan3A_217 : i32 to index
      %swap3A_384 = arith.index_cast %swap3A_382 : i32 to index
      %swap3A_385 = arith.constant 16 : index
      %swap3A_386 = tpu.vector_load %arg6[%swap3A_383, %swap3A_384, %swap3A_385] {strides = array<i32>} : memref<50x8x128xf32, #tpu.memory_space<vmem>>, vector<16xf32>,
      tpu.vector_store %arg6[%swap3A_383, %swap3A_384, %swap3A_385], %broadcast_in_dim3A_3 {strides = array<i32>} : memref<50x8x128xf32, #tpu.memory_space<vmem>>, vector<16xf32>,
      %swap3A_387 = arith.constant 4 : i32
      %swap3A_388 = arith.index_cast %scan3A_217 : i32 to index
      %swap3A_389 = arith.index_cast %swap3A_387 : i32 to index
      %swap3A_390 = arith.constant 32 : index
      %swap3A_391 = tpu.vector_load %arg6[%swap3A_388, %swap3A_389, %swap3A_390] {strides = array<i32>} : memref<50x8x128xf32, #tpu.memory_space<vmem>>, vector<16xf32>,
      tpu.vector_store %arg6[%swap3A_388, %swap3A_389, %swap3A_390], %broadcast_in_dim3A_3 {strides = array<i32>} : memref<50x8x128xf32, #tpu.memory_space<vmem>>, vector<16xf32>,
      %swap3A_392 = arith.constant 4 : i32
      %swap3A_393 = arith.index_cast %scan3A_217 : i32 to index
      %swap3A_394 = arith.index_cast %swap3A_392 : i32 to index
      %swap3A_395 = arith.constant 48 : index
      %swap3A_396 = tpu.vector_load %arg6[%swap3A_393, %swap3A_394, %swap3A_395] {strides = array<i32>} : memref<50x8x128xf32, #tpu.memory_space<vmem>>, vector<16xf32>,
      tpu.vector_store %arg6[%swap3A_393, %swap3A_394, %swap3A_395], %broadcast_in_dim3A_3 {strides = array<i32>} : memref<50x8x128xf32, #tpu.memory_space<vmem>>, vector<16xf32>,
      %swap3A_397 = arith.constant 4 : i32
      %swap3A_398 = arith.index_cast %scan3A_217 : i32 to index
      %swap3A_399 = arith.index_cast %swap3A_397 : i32 to index
      %swap3A_400 = arith.constant 64 : index
      %swap3A_401 = tpu.vector_load %arg6[%swap3A_398, %swap3A_399, %swap3A_400] {strides = array<i32>} : memref<50x8x128xf32, #tpu.memory_space<vmem>>, vector<16xf32>,
      tpu.vector_store %arg6[%swap3A_398, %swap3A_399, %swap3A_400], %broadcast_in_dim3A_3 {strides = array<i32>} : memref<50x8x128xf32, #tpu.memory_space<vmem>>, vector<16xf32>,
      %swap3A_402 = arith.constant 4 : i32
      %swap3A_403 = arith.index_cast %scan3A_217 : i32 to index
      %swap3A_404 = arith.index_cast %swap3A_402 : i32 to index
      %swap3A_405 = arith.constant 80 : index
      %swap3A_406 = tpu.vector_load %arg6[%swap3A_403, %swap3A_404, %swap3A_405] {strides = array<i32>} : memref<50x8x128xf32, #tpu.memory_space<vmem>>, vector<16xf32>,
      tpu.vector_store %arg6[%swap3A_403, %swap3A_404, %swap3A_405], %broadcast_in_dim3A_3 {strides = array<i32>} : memref<50x8x128xf32, #tpu.memory_space<vmem>>, vector<16xf32>,
      %swap3A_407 = arith.constant 4 : i32
      %swap3A_408 = arith.index_cast %scan3A_217 : i32 to index
      %swap3A_409 = arith.index_cast %swap3A_407 : i32 to index
      %swap3A_410 = arith.constant 96 : index
      %swap3A_411 = tpu.vector_load %arg6[%swap3A_408, %swap3A_409, %swap3A_410] {strides = array<i32>} : memref<50x8x128xf32, #tpu.memory_space<vmem>>, vector<16xf32>,
      tpu.vector_store %arg6[%swap3A_408, %swap3A_409, %swap3A_410], %broadcast_in_dim3A_3 {strides = array<i32>} : memref<50x8x128xf32, #tpu.memory_space<vmem>>, vector<16xf32>,
      %swap3A_412 = arith.constant 4 : i32
      %swap3A_413 = arith.index_cast %scan3A_217 : i32 to index
      %swap3A_414 = arith.index_cast %swap3A_412 : i32 to index
      %swap3A_415 = arith.constant 112 : index
      %swap3A_416 = tpu.vector_load %arg6[%swap3A_413, %swap3A_414, %swap3A_415] {strides = array<i32>} : memref<50x8x128xf32, #tpu.memory_space<vmem>>, vector<16xf32>,
      tpu.vector_store %arg6[%swap3A_413, %swap3A_414, %swap3A_415], %broadcast_in_dim3A_3 {strides = array<i32>} : memref<50x8x128xf32, #tpu.memory_space<vmem>>, vector<16xf32>,
      %swap3A_417 = arith.constant 5 : i32
      %swap3A_418 = arith.index_cast %scan3A_217 : i32 to index
      %swap3A_419 = arith.index_cast %swap3A_417 : i32 to index
      %swap3A_420 = arith.constant 0 : index
      %swap3A_421 = tpu.vector_load %arg6[%swap3A_418, %swap3A_419, %swap3A_420] {strides = array<i32>} : memref<50x8x128xf32, #tpu.memory_space<vmem>>, vector<16xf32>,
      tpu.vector_store %arg6[%swap3A_418, %swap3A_419, %swap3A_420], %broadcast_in_dim3A_3 {strides = array<i32>} : memref<50x8x128xf32, #tpu.memory_space<vmem>>, vector<16xf32>,
      %swap3A_422 = arith.constant 5 : i32
      %swap3A_423 = arith.index_cast %scan3A_217 : i32 to index
      %swap3A_424 = arith.index_cast %swap3A_422 : i32 to index
      %swap3A_425 = arith.constant 16 : index
      %swap3A_426 = tpu.vector_load %arg6[%swap3A_423, %swap3A_424, %swap3A_425] {strides = array<i32>} : memref<50x8x128xf32, #tpu.memory_space<vmem>>, vector<16xf32>,
      tpu.vector_store %arg6[%swap3A_423, %swap3A_424, %swap3A_425], %broadcast_in_dim3A_3 {strides = array<i32>} : memref<50x8x128xf32, #tpu.memory_space<vmem>>, vector<16xf32>,
      %swap3A_427 = arith.constant 5 : i32
      %swap3A_428 = arith.index_cast %scan3A_217 : i32 to index
      %swap3A_429 = arith.index_cast %swap3A_427 : i32 to index
      %swap3A_430 = arith.constant 32 : index
      %swap3A_431 = tpu.vector_load %arg6[%swap3A_428, %swap3A_429, %swap3A_430] {strides = array<i32>} : memref<50x8x128xf32, #tpu.memory_space<vmem>>, vector<16xf32>,
      tpu.vector_store %arg6[%swap3A_428, %swap3A_429, %swap3A_430], %broadcast_in_dim3A_3 {strides = array<i32>} : memref<50x8x128xf32, #tpu.memory_space<vmem>>, vector<16xf32>,
      %swap3A_432 = arith.constant 5 : i32
      %swap3A_433 = arith.index_cast %scan3A_217 : i32 to index
      %swap3A_434 = arith.index_cast %swap3A_432 : i32 to index
      %swap3A_435 = arith.constant 48 : index
      %swap3A_436 = tpu.vector_load %arg6[%swap3A_433, %swap3A_434, %swap3A_435] {strides = array<i32>} : memref<50x8x128xf32, #tpu.memory_space<vmem>>, vector<16xf32>,
      tpu.vector_store %arg6[%swap3A_433, %swap3A_434, %swap3A_435], %broadcast_in_dim3A_3 {strides = array<i32>} : memref<50x8x128xf32, #tpu.memory_space<vmem>>, vector<16xf32>,
      %swap3A_437 = arith.constant 5 : i32
      %swap3A_438 = arith.index_cast %scan3A_217 : i32 to index
      %swap3A_439 = arith.index_cast %swap3A_437 : i32 to index
      %swap3A_440 = arith.constant 64 : index
      %swap3A_441 = tpu.vector_load %arg6[%swap3A_438, %swap3A_439, %swap3A_440] {strides = array<i32>} : memref<50x8x128xf32, #tpu.memory_space<vmem>>, vector<16xf32>,
      tpu.vector_store %arg6[%swap3A_438, %swap3A_439, %swap3A_440], %broadcast_in_dim3A_3 {strides = array<i32>} : memref<50x8x128xf32, #tpu.memory_space<vmem>>, vector<16xf32>,
      %swap3A_442 = arith.constant 5 : i32
      %swap3A_443 = arith.index_cast %scan3A_217 : i32 to index
      %swap3A_444 = arith.index_cast %swap3A_442 : i32 to index
      %swap3A_445 = arith.constant 80 : index
      %swap3A_446 = tpu.vector_load %arg6[%swap3A_443, %swap3A_444, %swap3A_445] {strides = array<i32>} : memref<50x8x128xf32, #tpu.memory_space<vmem>>, vector<16xf32>,
      tpu.vector_store %arg6[%swap3A_443, %swap3A_444, %swap3A_445], %broadcast_in_dim3A_3 {strides = array<i32>} : memref<50x8x128xf32, #tpu.memory_space<vmem>>, vector<16xf32>,
      %swap3A_447 = arith.constant 5 : i32
      %swap3A_448 = arith.index_cast %scan3A_217 : i32 to index
      %swap3A_449 = arith.index_cast %swap3A_447 : i32 to index
      %swap3A_450 = arith.constant 96 : index
      %swap3A_451 = tpu.vector_load %arg6[%swap3A_448, %swap3A_449, %swap3A_450] {strides = array<i32>} : memref<50x8x128xf32, #tpu.memory_space<vmem>>, vector<16xf32>,
      tpu.vector_store %arg6[%swap3A_448, %swap3A_449, %swap3A_450], %broadcast_in_dim3A_3 {strides = array<i32>} : memref<50x8x128xf32, #tpu.memory_space<vmem>>, vector<16xf32>,
      %swap3A_452 = arith.constant 5 : i32
      %swap3A_453 = arith.index_cast %scan3A_217 : i32 to index
      %swap3A_454 = arith.index_cast %swap3A_452 : i32 to index
      %swap3A_455 = arith.constant 112 : index
      %swap3A_456 = tpu.vector_load %arg6[%swap3A_453, %swap3A_454, %swap3A_455] {strides = array<i32>} : memref<50x8x128xf32, #tpu.memory_space<vmem>>, vector<16xf32>,
      tpu.vector_store %arg6[%swap3A_453, %swap3A_454, %swap3A_455], %broadcast_in_dim3A_3 {strides = array<i32>} : memref<50x8x128xf32, #tpu.memory_space<vmem>>, vector<16xf32>,
      %swap3A_457 = arith.constant 6 : i32
      %swap3A_458 = arith.index_cast %scan3A_217 : i32 to index
      %swap3A_459 = arith.index_cast %swap3A_457 : i32 to index
      %swap3A_460 = arith.constant 0 : index
      %swap3A_461 = tpu.vector_load %arg6[%swap3A_458, %swap3A_459, %swap3A_460] {strides = array<i32>} : memref<50x8x128xf32, #tpu.memory_space<vmem>>, vector<16xf32>,
      tpu.vector_store %arg6[%swap3A_458, %swap3A_459, %swap3A_460], %broadcast_in_dim3A_3 {strides = array<i32>} : memref<50x8x128xf32, #tpu.memory_space<vmem>>, vector<16xf32>,
      %swap3A_462 = arith.constant 6 : i32
      %swap3A_463 = arith.index_cast %scan3A_217 : i32 to index
      %swap3A_464 = arith.index_cast %swap3A_462 : i32 to index
      %swap3A_465 = arith.constant 16 : index
      %swap3A_466 = tpu.vector_load %arg6[%swap3A_463, %swap3A_464, %swap3A_465] {strides = array<i32>} : memref<50x8x128xf32, #tpu.memory_space<vmem>>, vector<16xf32>,
      tpu.vector_store %arg6[%swap3A_463, %swap3A_464, %swap3A_465], %broadcast_in_dim3A_3 {strides = array<i32>} : memref<50x8x128xf32, #tpu.memory_space<vmem>>, vector<16xf32>,
      %swap3A_467 = arith.constant 6 : i32
      %swap3A_468 = arith.index_cast %scan3A_217 : i32 to index
      %swap3A_469 = arith.index_cast %swap3A_467 : i32 to index
      %swap3A_470 = arith.constant 32 : index
      %swap3A_471 = tpu.vector_load %arg6[%swap3A_468, %swap3A_469, %swap3A_470] {strides = array<i32>} : memref<50x8x128xf32, #tpu.memory_space<vmem>>, vector<16xf32>,
      tpu.vector_store %arg6[%swap3A_468, %swap3A_469, %swap3A_470], %broadcast_in_dim3A_3 {strides = array<i32>} : memref<50x8x128xf32, #tpu.memory_space<vmem>>, vector<16xf32>,
      %swap3A_472 = arith.constant 6 : i32
      %swap3A_473 = arith.index_cast %scan3A_217 : i32 to index
      %swap3A_474 = arith.index_cast %swap3A_472 : i32 to index
      %swap3A_475 = arith.constant 48 : index
      %swap3A_476 = tpu.vector_load %arg6[%swap3A_473, %swap3A_474, %swap3A_475] {strides = array<i32>} : memref<50x8x128xf32, #tpu.memory_space<vmem>>, vector<16xf32>,
      tpu.vector_store %arg6[%swap3A_473, %swap3A_474, %swap3A_475], %broadcast_in_dim3A_3 {strides = array<i32>} : memref<50x8x128xf32, #tpu.memory_space<vmem>>, vector<16xf32>,
      %swap3A_477 = arith.constant 6 : i32
      %swap3A_478 = arith.index_cast %scan3A_217 : i32 to index
      %swap3A_479 = arith.index_cast %swap3A_477 : i32 to index
      %swap3A_480 = arith.constant 64 : index
      %swap3A_481 = tpu.vector_load %arg6[%swap3A_478, %swap3A_479, %swap3A_480] {strides = array<i32>} : memref<50x8x128xf32, #tpu.memory_space<vmem>>, vector<16xf32>,
      tpu.vector_store %arg6[%swap3A_478, %swap3A_479, %swap3A_480], %broadcast_in_dim3A_3 {strides = array<i32>} : memref<50x8x128xf32, #tpu.memory_space<vmem>>, vector<16xf32>,
      %swap3A_482 = arith.constant 6 : i32
      %swap3A_483 = arith.index_cast %scan3A_217 : i32 to index
      %swap3A_484 = arith.index_cast %swap3A_482 : i32 to index
      %swap3A_485 = arith.constant 80 : index
      %swap3A_486 = tpu.vector_load %arg6[%swap3A_483, %swap3A_484, %swap3A_485] {strides = array<i32>} : memref<50x8x128xf32, #tpu.memory_space<vmem>>, vector<16xf32>,
      tpu.vector_store %arg6[%swap3A_483, %swap3A_484, %swap3A_485], %broadcast_in_dim3A_3 {strides = array<i32>} : memref<50x8x128xf32, #tpu.memory_space<vmem>>, vector<16xf32>,
      %swap3A_487 = arith.constant 6 : i32
      %swap3A_488 = arith.index_cast %scan3A_217 : i32 to index
      %swap3A_489 = arith.index_cast %swap3A_487 : i32 to index
      %swap3A_490 = arith.constant 96 : index
      %swap3A_491 = tpu.vector_load %arg6[%swap3A_488, %swap3A_489, %swap3A_490] {strides = array<i32>} : memref<50x8x128xf32, #tpu.memory_space<vmem>>, vector<16xf32>,
      tpu.vector_store %arg6[%swap3A_488, %swap3A_489, %swap3A_490], %broadcast_in_dim3A_3 {strides = array<i32>} : memref<50x8x128xf32, #tpu.memory_space<vmem>>, vector<16xf32>,
      %swap3A_492 = arith.constant 6 : i32
      %swap3A_493 = arith.index_cast %scan3A_217 : i32 to index
      %swap3A_494 = arith.index_cast %swap3A_492 : i32 to index
      %swap3A_495 = arith.constant 112 : index
      %swap3A_496 = tpu.vector_load %arg6[%swap3A_493, %swap3A_494, %swap3A_495] {strides = array<i32>} : memref<50x8x128xf32, #tpu.memory_space<vmem>>, vector<16xf32>,
      tpu.vector_store %arg6[%swap3A_493, %swap3A_494, %swap3A_495], %broadcast_in_dim3A_3 {strides = array<i32>} : memref<50x8x128xf32, #tpu.memory_space<vmem>>, vector<16xf32>,
      %swap3A_497 = arith.constant 7 : i32
      %swap3A_498 = arith.index_cast %scan3A_217 : i32 to index
      %swap3A_499 = arith.index_cast %swap3A_497 : i32 to index
      %swap3A_500 = arith.constant 0 : index
      %swap3A_501 = tpu.vector_load %arg6[%swap3A_498, %swap3A_499, %swap3A_500] {strides = array<i32>} : memref<50x8x128xf32, #tpu.memory_space<vmem>>, vector<16xf32>,
      tpu.vector_store %arg6[%swap3A_498, %swap3A_499, %swap3A_500], %broadcast_in_dim3A_3 {strides = array<i32>} : memref<50x8x128xf32, #tpu.memory_space<vmem>>, vector<16xf32>,
      %swap3A_502 = arith.constant 7 : i32
      %swap3A_503 = arith.index_cast %scan3A_217 : i32 to index
      %swap3A_504 = arith.index_cast %swap3A_502 : i32 to index
      %swap3A_505 = arith.constant 16 : index
      %swap3A_506 = tpu.vector_load %arg6[%swap3A_503, %swap3A_504, %swap3A_505] {strides = array<i32>} : memref<50x8x128xf32, #tpu.memory_space<vmem>>, vector<16xf32>,
      tpu.vector_store %arg6[%swap3A_503, %swap3A_504, %swap3A_505], %broadcast_in_dim3A_3 {strides = array<i32>} : memref<50x8x128xf32, #tpu.memory_space<vmem>>, vector<16xf32>,
      %swap3A_507 = arith.constant 7 : i32
      %swap3A_508 = arith.index_cast %scan3A_217 : i32 to index
      %swap3A_509 = arith.index_cast %swap3A_507 : i32 to index
      %swap3A_510 = arith.constant 32 : index
      %swap3A_511 = tpu.vector_load %arg6[%swap3A_508, %swap3A_509, %swap3A_510] {strides = array<i32>} : memref<50x8x128xf32, #tpu.memory_space<vmem>>, vector<16xf32>,
      tpu.vector_store %arg6[%swap3A_508, %swap3A_509, %swap3A_510], %broadcast_in_dim3A_3 {strides = array<i32>} : memref<50x8x128xf32, #tpu.memory_space<vmem>>, vector<16xf32>,
      %swap3A_512 = arith.constant 7 : i32
      %swap3A_513 = arith.index_cast %scan3A_217 : i32 to index
      %swap3A_514 = arith.index_cast %swap3A_512 : i32 to index
      %swap3A_515 = arith.constant 48 : index
      %swap3A_516 = tpu.vector_load %arg6[%swap3A_513, %swap3A_514, %swap3A_515] {strides = array<i32>} : memref<50x8x128xf32, #tpu.memory_space<vmem>>, vector<16xf32>,
      tpu.vector_store %arg6[%swap3A_513, %swap3A_514, %swap3A_515], %broadcast_in_dim3A_3 {strides = array<i32>} : memref<50x8x128xf32, #tpu.memory_space<vmem>>, vector<16xf32>,
      %swap3A_517 = arith.constant 7 : i32
      %swap3A_518 = arith.index_cast %scan3A_217 : i32 to index
      %swap3A_519 = arith.index_cast %swap3A_517 : i32 to index
      %swap3A_520 = arith.constant 64 : index
      %swap3A_521 = tpu.vector_load %arg6[%swap3A_518, %swap3A_519, %swap3A_520] {strides = array<i32>} : memref<50x8x128xf32, #tpu.memory_space<vmem>>, vector<16xf32>,
      tpu.vector_store %arg6[%swap3A_518, %swap3A_519, %swap3A_520], %broadcast_in_dim3A_3 {strides = array<i32>} : memref<50x8x128xf32, #tpu.memory_space<vmem>>, vector<16xf32>,
      %swap3A_522 = arith.constant 7 : i32
      %swap3A_523 = arith.index_cast %scan3A_217 : i32 to index
      %swap3A_524 = arith.index_cast %swap3A_522 : i32 to index
      %swap3A_525 = arith.constant 80 : index
      %swap3A_526 = tpu.vector_load %arg6[%swap3A_523, %swap3A_524, %swap3A_525] {strides = array<i32>} : memref<50x8x128xf32, #tpu.memory_space<vmem>>, vector<16xf32>,
      tpu.vector_store %arg6[%swap3A_523, %swap3A_524, %swap3A_525], %broadcast_in_dim3A_3 {strides = array<i32>} : memref<50x8x128xf32, #tpu.memory_space<vmem>>, vector<16xf32>,
      %swap3A_527 = arith.constant 7 : i32
      %swap3A_528 = arith.index_cast %scan3A_217 : i32 to index
      %swap3A_529 = arith.index_cast %swap3A_527 : i32 to index
      %swap3A_530 = arith.constant 96 : index
      %swap3A_531 = tpu.vector_load %arg6[%swap3A_528, %swap3A_529, %swap3A_530] {strides = array<i32>} : memref<50x8x128xf32, #tpu.memory_space<vmem>>, vector<16xf32>,
      tpu.vector_store %arg6[%swap3A_528, %swap3A_529, %swap3A_530], %broadcast_in_dim3A_3 {strides = array<i32>} : memref<50x8x128xf32, #tpu.memory_space<vmem>>, vector<16xf32>,
      %swap3A_532 = arith.constant 7 : i32
      %swap3A_533 = arith.index_cast %scan3A_217 : i32 to index
      %swap3A_534 = arith.index_cast %swap3A_532 : i32 to index
      %swap3A_535 = arith.constant 112 : index
      %swap3A_536 = tpu.vector_load %arg6[%swap3A_533, %swap3A_534, %swap3A_535] {strides = array<i32>} : memref<50x8x128xf32, #tpu.memory_space<vmem>>, vector<16xf32>,
      tpu.vector_store %arg6[%swap3A_533, %swap3A_534, %swap3A_535], %broadcast_in_dim3A_3 {strides = array<i32>} : memref<50x8x128xf32, #tpu.memory_space<vmem>>, vector<16xf32>,
    }
    %scan3A_9 = arith.constant 50 : i32
    %scan3A_10 = arith.constant 0 : i32
    %scan3A_11 = arith.constant 50 : i32
    %scan3A_12 = arith.addi %scan3A_10, %scan3A_11 : i32
    %scan3A_13 = arith.constant 1 : i32
    scf.for %scan3A_217 = %scan3A_10 to %scan3A_12 step %scan3A_13  : i32 {
      %swap3A = arith.constant 0 : i32
      %swap3A_218 = arith.index_cast %scan3A_217 : i32 to index
      %swap3A_219 = arith.index_cast %swap3A : i32 to index
      %swap3A_220 = arith.constant 0 : index
      %swap3A_221 = tpu.vector_load %arg7[%swap3A_218, %swap3A_219, %swap3A_220] {strides = array<i32>} : memref<50x8x128xf32, #tpu.memory_space<vmem>>, vector<16xf32>,
      tpu.vector_store %arg7[%swap3A_218, %swap3A_219, %swap3A_220], %broadcast_in_dim3A_3 {strides = array<i32>} : memref<50x8x128xf32, #tpu.memory_space<vmem>>, vector<16xf32>,
      %swap3A_222 = arith.constant 0 : i32
      %swap3A_223 = arith.index_cast %scan3A_217 : i32 to index
      %swap3A_224 = arith.index_cast %swap3A_222 : i32 to index
      %swap3A_225 = arith.constant 16 : index
      %swap3A_226 = tpu.vector_load %arg7[%swap3A_223, %swap3A_224, %swap3A_225] {strides = array<i32>} : memref<50x8x128xf32, #tpu.memory_space<vmem>>, vector<16xf32>,
      tpu.vector_store %arg7[%swap3A_223, %swap3A_224, %swap3A_225], %broadcast_in_dim3A_3 {strides = array<i32>} : memref<50x8x128xf32, #tpu.memory_space<vmem>>, vector<16xf32>,
      %swap3A_227 = arith.constant 0 : i32
      %swap3A_228 = arith.index_cast %scan3A_217 : i32 to index
      %swap3A_229 = arith.index_cast %swap3A_227 : i32 to index
      %swap3A_230 = arith.constant 32 : index
      %swap3A_231 = tpu.vector_load %arg7[%swap3A_228, %swap3A_229, %swap3A_230] {strides = array<i32>} : memref<50x8x128xf32, #tpu.memory_space<vmem>>, vector<16xf32>,
      tpu.vector_store %arg7[%swap3A_228, %swap3A_229, %swap3A_230], %broadcast_in_dim3A_3 {strides = array<i32>} : memref<50x8x128xf32, #tpu.memory_space<vmem>>, vector<16xf32>,
      %swap3A_232 = arith.constant 0 : i32
      %swap3A_233 = arith.index_cast %scan3A_217 : i32 to index
      %swap3A_234 = arith.index_cast %swap3A_232 : i32 to index
      %swap3A_235 = arith.constant 48 : index
      %swap3A_236 = tpu.vector_load %arg7[%swap3A_233, %swap3A_234, %swap3A_235] {strides = array<i32>} : memref<50x8x128xf32, #tpu.memory_space<vmem>>, vector<16xf32>,
      tpu.vector_store %arg7[%swap3A_233, %swap3A_234, %swap3A_235], %broadcast_in_dim3A_3 {strides = array<i32>} : memref<50x8x128xf32, #tpu.memory_space<vmem>>, vector<16xf32>,
      %swap3A_237 = arith.constant 0 : i32
      %swap3A_238 = arith.index_cast %scan3A_217 : i32 to index
      %swap3A_239 = arith.index_cast %swap3A_237 : i32 to index
      %swap3A_240 = arith.constant 64 : index
      %swap3A_241 = tpu.vector_load %arg7[%swap3A_238, %swap3A_239, %swap3A_240] {strides = array<i32>} : memref<50x8x128xf32, #tpu.memory_space<vmem>>, vector<16xf32>,
      tpu.vector_store %arg7[%swap3A_238, %swap3A_239, %swap3A_240], %broadcast_in_dim3A_3 {strides = array<i32>} : memref<50x8x128xf32, #tpu.memory_space<vmem>>, vector<16xf32>,
      %swap3A_242 = arith.constant 0 : i32
      %swap3A_243 = arith.index_cast %scan3A_217 : i32 to index
      %swap3A_244 = arith.index_cast %swap3A_242 : i32 to index
      %swap3A_245 = arith.constant 80 : index
      %swap3A_246 = tpu.vector_load %arg7[%swap3A_243, %swap3A_244, %swap3A_245] {strides = array<i32>} : memref<50x8x128xf32, #tpu.memory_space<vmem>>, vector<16xf32>,
      tpu.vector_store %arg7[%swap3A_243, %swap3A_244, %swap3A_245], %broadcast_in_dim3A_3 {strides = array<i32>} : memref<50x8x128xf32, #tpu.memory_space<vmem>>, vector<16xf32>,
      %swap3A_247 = arith.constant 0 : i32
      %swap3A_248 = arith.index_cast %scan3A_217 : i32 to index
      %swap3A_249 = arith.index_cast %swap3A_247 : i32 to index
      %swap3A_250 = arith.constant 96 : index
      %swap3A_251 = tpu.vector_load %arg7[%swap3A_248, %swap3A_249, %swap3A_250] {strides = array<i32>} : memref<50x8x128xf32, #tpu.memory_space<vmem>>, vector<16xf32>,
      tpu.vector_store %arg7[%swap3A_248, %swap3A_249, %swap3A_250], %broadcast_in_dim3A_3 {strides = array<i32>} : memref<50x8x128xf32, #tpu.memory_space<vmem>>, vector<16xf32>,
      %swap3A_252 = arith.constant 0 : i32
      %swap3A_253 = arith.index_cast %scan3A_217 : i32 to index
      %swap3A_254 = arith.index_cast %swap3A_252 : i32 to index
      %swap3A_255 = arith.constant 112 : index
      %swap3A_256 = tpu.vector_load %arg7[%swap3A_253, %swap3A_254, %swap3A_255] {strides = array<i32>} : memref<50x8x128xf32, #tpu.memory_space<vmem>>, vector<16xf32>,
      tpu.vector_store %arg7[%swap3A_253, %swap3A_254, %swap3A_255], %broadcast_in_dim3A_3 {strides = array<i32>} : memref<50x8x128xf32, #tpu.memory_space<vmem>>, vector<16xf32>,
      %swap3A_257 = arith.constant 1 : i32
      %swap3A_258 = arith.index_cast %scan3A_217 : i32 to index
      %swap3A_259 = arith.index_cast %swap3A_257 : i32 to index
      %swap3A_260 = arith.constant 0 : index
      %swap3A_261 = tpu.vector_load %arg7[%swap3A_258, %swap3A_259, %swap3A_260] {strides = array<i32>} : memref<50x8x128xf32, #tpu.memory_space<vmem>>, vector<16xf32>,
      tpu.vector_store %arg7[%swap3A_258, %swap3A_259, %swap3A_260], %broadcast_in_dim3A_3 {strides = array<i32>} : memref<50x8x128xf32, #tpu.memory_space<vmem>>, vector<16xf32>,
      %swap3A_262 = arith.constant 1 : i32
      %swap3A_263 = arith.index_cast %scan3A_217 : i32 to index
      %swap3A_264 = arith.index_cast %swap3A_262 : i32 to index
      %swap3A_265 = arith.constant 16 : index
      %swap3A_266 = tpu.vector_load %arg7[%swap3A_263, %swap3A_264, %swap3A_265] {strides = array<i32>} : memref<50x8x128xf32, #tpu.memory_space<vmem>>, vector<16xf32>,
      tpu.vector_store %arg7[%swap3A_263, %swap3A_264, %swap3A_265], %broadcast_in_dim3A_3 {strides = array<i32>} : memref<50x8x128xf32, #tpu.memory_space<vmem>>, vector<16xf32>,
      %swap3A_267 = arith.constant 1 : i32
      %swap3A_268 = arith.index_cast %scan3A_217 : i32 to index
      %swap3A_269 = arith.index_cast %swap3A_267 : i32 to index
      %swap3A_270 = arith.constant 32 : index
      %swap3A_271 = tpu.vector_load %arg7[%swap3A_268, %swap3A_269, %swap3A_270] {strides = array<i32>} : memref<50x8x128xf32, #tpu.memory_space<vmem>>, vector<16xf32>,
      tpu.vector_store %arg7[%swap3A_268, %swap3A_269, %swap3A_270], %broadcast_in_dim3A_3 {strides = array<i32>} : memref<50x8x128xf32, #tpu.memory_space<vmem>>, vector<16xf32>,
      %swap3A_272 = arith.constant 1 : i32
      %swap3A_273 = arith.index_cast %scan3A_217 : i32 to index
      %swap3A_274 = arith.index_cast %swap3A_272 : i32 to index
      %swap3A_275 = arith.constant 48 : index
      %swap3A_276 = tpu.vector_load %arg7[%swap3A_273, %swap3A_274, %swap3A_275] {strides = array<i32>} : memref<50x8x128xf32, #tpu.memory_space<vmem>>, vector<16xf32>,
      tpu.vector_store %arg7[%swap3A_273, %swap3A_274, %swap3A_275], %broadcast_in_dim3A_3 {strides = array<i32>} : memref<50x8x128xf32, #tpu.memory_space<vmem>>, vector<16xf32>,
      %swap3A_277 = arith.constant 1 : i32
      %swap3A_278 = arith.index_cast %scan3A_217 : i32 to index
      %swap3A_279 = arith.index_cast %swap3A_277 : i32 to index
      %swap3A_280 = arith.constant 64 : index
      %swap3A_281 = tpu.vector_load %arg7[%swap3A_278, %swap3A_279, %swap3A_280] {strides = array<i32>} : memref<50x8x128xf32, #tpu.memory_space<vmem>>, vector<16xf32>,
      tpu.vector_store %arg7[%swap3A_278, %swap3A_279, %swap3A_280], %broadcast_in_dim3A_3 {strides = array<i32>} : memref<50x8x128xf32, #tpu.memory_space<vmem>>, vector<16xf32>,
      %swap3A_282 = arith.constant 1 : i32
      %swap3A_283 = arith.index_cast %scan3A_217 : i32 to index
      %swap3A_284 = arith.index_cast %swap3A_282 : i32 to index
      %swap3A_285 = arith.constant 80 : index
      %swap3A_286 = tpu.vector_load %arg7[%swap3A_283, %swap3A_284, %swap3A_285] {strides = array<i32>} : memref<50x8x128xf32, #tpu.memory_space<vmem>>, vector<16xf32>,
      tpu.vector_store %arg7[%swap3A_283, %swap3A_284, %swap3A_285], %broadcast_in_dim3A_3 {strides = array<i32>} : memref<50x8x128xf32, #tpu.memory_space<vmem>>, vector<16xf32>,
      %swap3A_287 = arith.constant 1 : i32
      %swap3A_288 = arith.index_cast %scan3A_217 : i32 to index
      %swap3A_289 = arith.index_cast %swap3A_287 : i32 to index
      %swap3A_290 = arith.constant 96 : index
      %swap3A_291 = tpu.vector_load %arg7[%swap3A_288, %swap3A_289, %swap3A_290] {strides = array<i32>} : memref<50x8x128xf32, #tpu.memory_space<vmem>>, vector<16xf32>,
      tpu.vector_store %arg7[%swap3A_288, %swap3A_289, %swap3A_290], %broadcast_in_dim3A_3 {strides = array<i32>} : memref<50x8x128xf32, #tpu.memory_space<vmem>>, vector<16xf32>,
      %swap3A_292 = arith.constant 1 : i32
      %swap3A_293 = arith.index_cast %scan3A_217 : i32 to index
      %swap3A_294 = arith.index_cast %swap3A_292 : i32 to index
      %swap3A_295 = arith.constant 112 : index
      %swap3A_296 = tpu.vector_load %arg7[%swap3A_293, %swap3A_294, %swap3A_295] {strides = array<i32>} : memref<50x8x128xf32, #tpu.memory_space<vmem>>, vector<16xf32>,
      tpu.vector_store %arg7[%swap3A_293, %swap3A_294, %swap3A_295], %broadcast_in_dim3A_3 {strides = array<i32>} : memref<50x8x128xf32, #tpu.memory_space<vmem>>, vector<16xf32>,
      %swap3A_297 = arith.constant 2 : i32
      %swap3A_298 = arith.index_cast %scan3A_217 : i32 to index
      %swap3A_299 = arith.index_cast %swap3A_297 : i32 to index
      %swap3A_300 = arith.constant 0 : index
      %swap3A_301 = tpu.vector_load %arg7[%swap3A_298, %swap3A_299, %swap3A_300] {strides = array<i32>} : memref<50x8x128xf32, #tpu.memory_space<vmem>>, vector<16xf32>,
      tpu.vector_store %arg7[%swap3A_298, %swap3A_299, %swap3A_300], %broadcast_in_dim3A_3 {strides = array<i32>} : memref<50x8x128xf32, #tpu.memory_space<vmem>>, vector<16xf32>,
      %swap3A_302 = arith.constant 2 : i32
      %swap3A_303 = arith.index_cast %scan3A_217 : i32 to index
      %swap3A_304 = arith.index_cast %swap3A_302 : i32 to index
      %swap3A_305 = arith.constant 16 : index
      %swap3A_306 = tpu.vector_load %arg7[%swap3A_303, %swap3A_304, %swap3A_305] {strides = array<i32>} : memref<50x8x128xf32, #tpu.memory_space<vmem>>, vector<16xf32>,
      tpu.vector_store %arg7[%swap3A_303, %swap3A_304, %swap3A_305], %broadcast_in_dim3A_3 {strides = array<i32>} : memref<50x8x128xf32, #tpu.memory_space<vmem>>, vector<16xf32>,
      %swap3A_307 = arith.constant 2 : i32
      %swap3A_308 = arith.index_cast %scan3A_217 : i32 to index
      %swap3A_309 = arith.index_cast %swap3A_307 : i32 to index
      %swap3A_310 = arith.constant 32 : index
      %swap3A_311 = tpu.vector_load %arg7[%swap3A_308, %swap3A_309, %swap3A_310] {strides = array<i32>} : memref<50x8x128xf32, #tpu.memory_space<vmem>>, vector<16xf32>,
      tpu.vector_store %arg7[%swap3A_308, %swap3A_309, %swap3A_310], %broadcast_in_dim3A_3 {strides = array<i32>} : memref<50x8x128xf32, #tpu.memory_space<vmem>>, vector<16xf32>,
      %swap3A_312 = arith.constant 2 : i32
      %swap3A_313 = arith.index_cast %scan3A_217 : i32 to index
      %swap3A_314 = arith.index_cast %swap3A_312 : i32 to index
      %swap3A_315 = arith.constant 48 : index
      %swap3A_316 = tpu.vector_load %arg7[%swap3A_313, %swap3A_314, %swap3A_315] {strides = array<i32>} : memref<50x8x128xf32, #tpu.memory_space<vmem>>, vector<16xf32>,
      tpu.vector_store %arg7[%swap3A_313, %swap3A_314, %swap3A_315], %broadcast_in_dim3A_3 {strides = array<i32>} : memref<50x8x128xf32, #tpu.memory_space<vmem>>, vector<16xf32>,
      %swap3A_317 = arith.constant 2 : i32
      %swap3A_318 = arith.index_cast %scan3A_217 : i32 to index
      %swap3A_319 = arith.index_cast %swap3A_317 : i32 to index
      %swap3A_320 = arith.constant 64 : index
      %swap3A_321 = tpu.vector_load %arg7[%swap3A_318, %swap3A_319, %swap3A_320] {strides = array<i32>} : memref<50x8x128xf32, #tpu.memory_space<vmem>>, vector<16xf32>,
      tpu.vector_store %arg7[%swap3A_318, %swap3A_319, %swap3A_320], %broadcast_in_dim3A_3 {strides = array<i32>} : memref<50x8x128xf32, #tpu.memory_space<vmem>>, vector<16xf32>,
      %swap3A_322 = arith.constant 2 : i32
      %swap3A_323 = arith.index_cast %scan3A_217 : i32 to index
      %swap3A_324 = arith.index_cast %swap3A_322 : i32 to index
      %swap3A_325 = arith.constant 80 : index
      %swap3A_326 = tpu.vector_load %arg7[%swap3A_323, %swap3A_324, %swap3A_325] {strides = array<i32>} : memref<50x8x128xf32, #tpu.memory_space<vmem>>, vector<16xf32>,
      tpu.vector_store %arg7[%swap3A_323, %swap3A_324, %swap3A_325], %broadcast_in_dim3A_3 {strides = array<i32>} : memref<50x8x128xf32, #tpu.memory_space<vmem>>, vector<16xf32>,
      %swap3A_327 = arith.constant 2 : i32
      %swap3A_328 = arith.index_cast %scan3A_217 : i32 to index
      %swap3A_329 = arith.index_cast %swap3A_327 : i32 to index
      %swap3A_330 = arith.constant 96 : index
      %swap3A_331 = tpu.vector_load %arg7[%swap3A_328, %swap3A_329, %swap3A_330] {strides = array<i32>} : memref<50x8x128xf32, #tpu.memory_space<vmem>>, vector<16xf32>,
      tpu.vector_store %arg7[%swap3A_328, %swap3A_329, %swap3A_330], %broadcast_in_dim3A_3 {strides = array<i32>} : memref<50x8x128xf32, #tpu.memory_space<vmem>>, vector<16xf32>,
      %swap3A_332 = arith.constant 2 : i32
      %swap3A_333 = arith.index_cast %scan3A_217 : i32 to index
      %swap3A_334 = arith.index_cast %swap3A_332 : i32 to index
      %swap3A_335 = arith.constant 112 : index
      %swap3A_336 = tpu.vector_load %arg7[%swap3A_333, %swap3A_334, %swap3A_335] {strides = array<i32>} : memref<50x8x128xf32, #tpu.memory_space<vmem>>, vector<16xf32>,
      tpu.vector_store %arg7[%swap3A_333, %swap3A_334, %swap3A_335], %broadcast_in_dim3A_3 {strides = array<i32>} : memref<50x8x128xf32, #tpu.memory_space<vmem>>, vector<16xf32>,
      %swap3A_337 = arith.constant 3 : i32
      %swap3A_338 = arith.index_cast %scan3A_217 : i32 to index
      %swap3A_339 = arith.index_cast %swap3A_337 : i32 to index
      %swap3A_340 = arith.constant 0 : index
      %swap3A_341 = tpu.vector_load %arg7[%swap3A_338, %swap3A_339, %swap3A_340] {strides = array<i32>} : memref<50x8x128xf32, #tpu.memory_space<vmem>>, vector<16xf32>,
      tpu.vector_store %arg7[%swap3A_338, %swap3A_339, %swap3A_340], %broadcast_in_dim3A_3 {strides = array<i32>} : memref<50x8x128xf32, #tpu.memory_space<vmem>>, vector<16xf32>,
      %swap3A_342 = arith.constant 3 : i32
      %swap3A_343 = arith.index_cast %scan3A_217 : i32 to index
      %swap3A_344 = arith.index_cast %swap3A_342 : i32 to index
      %swap3A_345 = arith.constant 16 : index
      %swap3A_346 = tpu.vector_load %arg7[%swap3A_343, %swap3A_344, %swap3A_345] {strides = array<i32>} : memref<50x8x128xf32, #tpu.memory_space<vmem>>, vector<16xf32>,
      tpu.vector_store %arg7[%swap3A_343, %swap3A_344, %swap3A_345], %broadcast_in_dim3A_3 {strides = array<i32>} : memref<50x8x128xf32, #tpu.memory_space<vmem>>, vector<16xf32>,
      %swap3A_347 = arith.constant 3 : i32
      %swap3A_348 = arith.index_cast %scan3A_217 : i32 to index
      %swap3A_349 = arith.index_cast %swap3A_347 : i32 to index
      %swap3A_350 = arith.constant 32 : index
      %swap3A_351 = tpu.vector_load %arg7[%swap3A_348, %swap3A_349, %swap3A_350] {strides = array<i32>} : memref<50x8x128xf32, #tpu.memory_space<vmem>>, vector<16xf32>,
      tpu.vector_store %arg7[%swap3A_348, %swap3A_349, %swap3A_350], %broadcast_in_dim3A_3 {strides = array<i32>} : memref<50x8x128xf32, #tpu.memory_space<vmem>>, vector<16xf32>,
      %swap3A_352 = arith.constant 3 : i32
      %swap3A_353 = arith.index_cast %scan3A_217 : i32 to index
      %swap3A_354 = arith.index_cast %swap3A_352 : i32 to index
      %swap3A_355 = arith.constant 48 : index
      %swap3A_356 = tpu.vector_load %arg7[%swap3A_353, %swap3A_354, %swap3A_355] {strides = array<i32>} : memref<50x8x128xf32, #tpu.memory_space<vmem>>, vector<16xf32>,
      tpu.vector_store %arg7[%swap3A_353, %swap3A_354, %swap3A_355], %broadcast_in_dim3A_3 {strides = array<i32>} : memref<50x8x128xf32, #tpu.memory_space<vmem>>, vector<16xf32>,
      %swap3A_357 = arith.constant 3 : i32
      %swap3A_358 = arith.index_cast %scan3A_217 : i32 to index
      %swap3A_359 = arith.index_cast %swap3A_357 : i32 to index
      %swap3A_360 = arith.constant 64 : index
      %swap3A_361 = tpu.vector_load %arg7[%swap3A_358, %swap3A_359, %swap3A_360] {strides = array<i32>} : memref<50x8x128xf32, #tpu.memory_space<vmem>>, vector<16xf32>,
      tpu.vector_store %arg7[%swap3A_358, %swap3A_359, %swap3A_360], %broadcast_in_dim3A_3 {strides = array<i32>} : memref<50x8x128xf32, #tpu.memory_space<vmem>>, vector<16xf32>,
      %swap3A_362 = arith.constant 3 : i32
      %swap3A_363 = arith.index_cast %scan3A_217 : i32 to index
      %swap3A_364 = arith.index_cast %swap3A_362 : i32 to index
      %swap3A_365 = arith.constant 80 : index
      %swap3A_366 = tpu.vector_load %arg7[%swap3A_363, %swap3A_364, %swap3A_365] {strides = array<i32>} : memref<50x8x128xf32, #tpu.memory_space<vmem>>, vector<16xf32>,
      tpu.vector_store %arg7[%swap3A_363, %swap3A_364, %swap3A_365], %broadcast_in_dim3A_3 {strides = array<i32>} : memref<50x8x128xf32, #tpu.memory_space<vmem>>, vector<16xf32>,
      %swap3A_367 = arith.constant 3 : i32
      %swap3A_368 = arith.index_cast %scan3A_217 : i32 to index
      %swap3A_369 = arith.index_cast %swap3A_367 : i32 to index
      %swap3A_370 = arith.constant 96 : index
      %swap3A_371 = tpu.vector_load %arg7[%swap3A_368, %swap3A_369, %swap3A_370] {strides = array<i32>} : memref<50x8x128xf32, #tpu.memory_space<vmem>>, vector<16xf32>,
      tpu.vector_store %arg7[%swap3A_368, %swap3A_369, %swap3A_370], %broadcast_in_dim3A_3 {strides = array<i32>} : memref<50x8x128xf32, #tpu.memory_space<vmem>>, vector<16xf32>,
      %swap3A_372 = arith.constant 3 : i32
      %swap3A_373 = arith.index_cast %scan3A_217 : i32 to index
      %swap3A_374 = arith.index_cast %swap3A_372 : i32 to index
      %swap3A_375 = arith.constant 112 : index
      %swap3A_376 = tpu.vector_load %arg7[%swap3A_373, %swap3A_374, %swap3A_375] {strides = array<i32>} : memref<50x8x128xf32, #tpu.memory_space<vmem>>, vector<16xf32>,
      tpu.vector_store %arg7[%swap3A_373, %swap3A_374, %swap3A_375], %broadcast_in_dim3A_3 {strides = array<i32>} : memref<50x8x128xf32, #tpu.memory_space<vmem>>, vector<16xf32>,
      %swap3A_377 = arith.constant 4 : i32
      %swap3A_378 = arith.index_cast %scan3A_217 : i32 to index
      %swap3A_379 = arith.index_cast %swap3A_377 : i32 to index
      %swap3A_380 = arith.constant 0 : index
      %swap3A_381 = tpu.vector_load %arg7[%swap3A_378, %swap3A_379, %swap3A_380] {strides = array<i32>} : memref<50x8x128xf32, #tpu.memory_space<vmem>>, vector<16xf32>,
      tpu.vector_store %arg7[%swap3A_378, %swap3A_379, %swap3A_380], %broadcast_in_dim3A_3 {strides = array<i32>} : memref<50x8x128xf32, #tpu.memory_space<vmem>>, vector<16xf32>,
      %swap3A_382 = arith.constant 4 : i32
      %swap3A_383 = arith.index_cast %scan3A_217 : i32 to index
      %swap3A_384 = arith.index_cast %swap3A_382 : i32 to index
      %swap3A_385 = arith.constant 16 : index
      %swap3A_386 = tpu.vector_load %arg7[%swap3A_383, %swap3A_384, %swap3A_385] {strides = array<i32>} : memref<50x8x128xf32, #tpu.memory_space<vmem>>, vector<16xf32>,
      tpu.vector_store %arg7[%swap3A_383, %swap3A_384, %swap3A_385], %broadcast_in_dim3A_3 {strides = array<i32>} : memref<50x8x128xf32, #tpu.memory_space<vmem>>, vector<16xf32>,
      %swap3A_387 = arith.constant 4 : i32
      %swap3A_388 = arith.index_cast %scan3A_217 : i32 to index
      %swap3A_389 = arith.index_cast %swap3A_387 : i32 to index
      %swap3A_390 = arith.constant 32 : index
      %swap3A_391 = tpu.vector_load %arg7[%swap3A_388, %swap3A_389, %swap3A_390] {strides = array<i32>} : memref<50x8x128xf32, #tpu.memory_space<vmem>>, vector<16xf32>,
      tpu.vector_store %arg7[%swap3A_388, %swap3A_389, %swap3A_390], %broadcast_in_dim3A_3 {strides = array<i32>} : memref<50x8x128xf32, #tpu.memory_space<vmem>>, vector<16xf32>,
      %swap3A_392 = arith.constant 4 : i32
      %swap3A_393 = arith.index_cast %scan3A_217 : i32 to index
      %swap3A_394 = arith.index_cast %swap3A_392 : i32 to index
      %swap3A_395 = arith.constant 48 : index
      %swap3A_396 = tpu.vector_load %arg7[%swap3A_393, %swap3A_394, %swap3A_395] {strides = array<i32>} : memref<50x8x128xf32, #tpu.memory_space<vmem>>, vector<16xf32>,
      tpu.vector_store %arg7[%swap3A_393, %swap3A_394, %swap3A_395], %broadcast_in_dim3A_3 {strides = array<i32>} : memref<50x8x128xf32, #tpu.memory_space<vmem>>, vector<16xf32>,
      %swap3A_397 = arith.constant 4 : i32
      %swap3A_398 = arith.index_cast %scan3A_217 : i32 to index
      %swap3A_399 = arith.index_cast %swap3A_397 : i32 to index
      %swap3A_400 = arith.constant 64 : index
      %swap3A_401 = tpu.vector_load %arg7[%swap3A_398, %swap3A_399, %swap3A_400] {strides = array<i32>} : memref<50x8x128xf32, #tpu.memory_space<vmem>>, vector<16xf32>,
      tpu.vector_store %arg7[%swap3A_398, %swap3A_399, %swap3A_400], %broadcast_in_dim3A_3 {strides = array<i32>} : memref<50x8x128xf32, #tpu.memory_space<vmem>>, vector<16xf32>,
      %swap3A_402 = arith.constant 4 : i32
      %swap3A_403 = arith.index_cast %scan3A_217 : i32 to index
      %swap3A_404 = arith.index_cast %swap3A_402 : i32 to index
      %swap3A_405 = arith.constant 80 : index
      %swap3A_406 = tpu.vector_load %arg7[%swap3A_403, %swap3A_404, %swap3A_405] {strides = array<i32>} : memref<50x8x128xf32, #tpu.memory_space<vmem>>, vector<16xf32>,
      tpu.vector_store %arg7[%swap3A_403, %swap3A_404, %swap3A_405], %broadcast_in_dim3A_3 {strides = array<i32>} : memref<50x8x128xf32, #tpu.memory_space<vmem>>, vector<16xf32>,
      %swap3A_407 = arith.constant 4 : i32
      %swap3A_408 = arith.index_cast %scan3A_217 : i32 to index
      %swap3A_409 = arith.index_cast %swap3A_407 : i32 to index
      %swap3A_410 = arith.constant 96 : index
      %swap3A_411 = tpu.vector_load %arg7[%swap3A_408, %swap3A_409, %swap3A_410] {strides = array<i32>} : memref<50x8x128xf32, #tpu.memory_space<vmem>>, vector<16xf32>,
      tpu.vector_store %arg7[%swap3A_408, %swap3A_409, %swap3A_410], %broadcast_in_dim3A_3 {strides = array<i32>} : memref<50x8x128xf32, #tpu.memory_space<vmem>>, vector<16xf32>,
      %swap3A_412 = arith.constant 4 : i32
      %swap3A_413 = arith.index_cast %scan3A_217 : i32 to index
      %swap3A_414 = arith.index_cast %swap3A_412 : i32 to index
      %swap3A_415 = arith.constant 112 : index
      %swap3A_416 = tpu.vector_load %arg7[%swap3A_413, %swap3A_414, %swap3A_415] {strides = array<i32>} : memref<50x8x128xf32, #tpu.memory_space<vmem>>, vector<16xf32>,
      tpu.vector_store %arg7[%swap3A_413, %swap3A_414, %swap3A_415], %broadcast_in_dim3A_3 {strides = array<i32>} : memref<50x8x128xf32, #tpu.memory_space<vmem>>, vector<16xf32>,
      %swap3A_417 = arith.constant 5 : i32
      %swap3A_418 = arith.index_cast %scan3A_217 : i32 to index
      %swap3A_419 = arith.index_cast %swap3A_417 : i32 to index
      %swap3A_420 = arith.constant 0 : index
      %swap3A_421 = tpu.vector_load %arg7[%swap3A_418, %swap3A_419, %swap3A_420] {strides = array<i32>} : memref<50x8x128xf32, #tpu.memory_space<vmem>>, vector<16xf32>,
      tpu.vector_store %arg7[%swap3A_418, %swap3A_419, %swap3A_420], %broadcast_in_dim3A_3 {strides = array<i32>} : memref<50x8x128xf32, #tpu.memory_space<vmem>>, vector<16xf32>,
      %swap3A_422 = arith.constant 5 : i32
      %swap3A_423 = arith.index_cast %scan3A_217 : i32 to index
      %swap3A_424 = arith.index_cast %swap3A_422 : i32 to index
      %swap3A_425 = arith.constant 16 : index
      %swap3A_426 = tpu.vector_load %arg7[%swap3A_423, %swap3A_424, %swap3A_425] {strides = array<i32>} : memref<50x8x128xf32, #tpu.memory_space<vmem>>, vector<16xf32>,
      tpu.vector_store %arg7[%swap3A_423, %swap3A_424, %swap3A_425], %broadcast_in_dim3A_3 {strides = array<i32>} : memref<50x8x128xf32, #tpu.memory_space<vmem>>, vector<16xf32>,
      %swap3A_427 = arith.constant 5 : i32
      %swap3A_428 = arith.index_cast %scan3A_217 : i32 to index
      %swap3A_429 = arith.index_cast %swap3A_427 : i32 to index
      %swap3A_430 = arith.constant 32 : index
      %swap3A_431 = tpu.vector_load %arg7[%swap3A_428, %swap3A_429, %swap3A_430] {strides = array<i32>} : memref<50x8x128xf32, #tpu.memory_space<vmem>>, vector<16xf32>,
      tpu.vector_store %arg7[%swap3A_428, %swap3A_429, %swap3A_430], %broadcast_in_dim3A_3 {strides = array<i32>} : memref<50x8x128xf32, #tpu.memory_space<vmem>>, vector<16xf32>,
      %swap3A_432 = arith.constant 5 : i32
      %swap3A_433 = arith.index_cast %scan3A_217 : i32 to index
      %swap3A_434 = arith.index_cast %swap3A_432 : i32 to index
      %swap3A_435 = arith.constant 48 : index
      %swap3A_436 = tpu.vector_load %arg7[%swap3A_433, %swap3A_434, %swap3A_435] {strides = array<i32>} : memref<50x8x128xf32, #tpu.memory_space<vmem>>, vector<16xf32>,
      tpu.vector_store %arg7[%swap3A_433, %swap3A_434, %swap3A_435], %broadcast_in_dim3A_3 {strides = array<i32>} : memref<50x8x128xf32, #tpu.memory_space<vmem>>, vector<16xf32>,
      %swap3A_437 = arith.constant 5 : i32
      %swap3A_438 = arith.index_cast %scan3A_217 : i32 to index
      %swap3A_439 = arith.index_cast %swap3A_437 : i32 to index
      %swap3A_440 = arith.constant 64 : index
      %swap3A_441 = tpu.vector_load %arg7[%swap3A_438, %swap3A_439, %swap3A_440] {strides = array<i32>} : memref<50x8x128xf32, #tpu.memory_space<vmem>>, vector<16xf32>,
      tpu.vector_store %arg7[%swap3A_438, %swap3A_439, %swap3A_440], %broadcast_in_dim3A_3 {strides = array<i32>} : memref<50x8x128xf32, #tpu.memory_space<vmem>>, vector<16xf32>,
      %swap3A_442 = arith.constant 5 : i32
      %swap3A_443 = arith.index_cast %scan3A_217 : i32 to index
      %swap3A_444 = arith.index_cast %swap3A_442 : i32 to index
      %swap3A_445 = arith.constant 80 : index
      %swap3A_446 = tpu.vector_load %arg7[%swap3A_443, %swap3A_444, %swap3A_445] {strides = array<i32>} : memref<50x8x128xf32, #tpu.memory_space<vmem>>, vector<16xf32>,
      tpu.vector_store %arg7[%swap3A_443, %swap3A_444, %swap3A_445], %broadcast_in_dim3A_3 {strides = array<i32>} : memref<50x8x128xf32, #tpu.memory_space<vmem>>, vector<16xf32>,
      %swap3A_447 = arith.constant 5 : i32
      %swap3A_448 = arith.index_cast %scan3A_217 : i32 to index
      %swap3A_449 = arith.index_cast %swap3A_447 : i32 to index
      %swap3A_450 = arith.constant 96 : index
      %swap3A_451 = tpu.vector_load %arg7[%swap3A_448, %swap3A_449, %swap3A_450] {strides = array<i32>} : memref<50x8x128xf32, #tpu.memory_space<vmem>>, vector<16xf32>,
      tpu.vector_store %arg7[%swap3A_448, %swap3A_449, %swap3A_450], %broadcast_in_dim3A_3 {strides = array<i32>} : memref<50x8x128xf32, #tpu.memory_space<vmem>>, vector<16xf32>,
      %swap3A_452 = arith.constant 5 : i32
      %swap3A_453 = arith.index_cast %scan3A_217 : i32 to index
      %swap3A_454 = arith.index_cast %swap3A_452 : i32 to index
      %swap3A_455 = arith.constant 112 : index
      %swap3A_456 = tpu.vector_load %arg7[%swap3A_453, %swap3A_454, %swap3A_455] {strides = array<i32>} : memref<50x8x128xf32, #tpu.memory_space<vmem>>, vector<16xf32>,
      tpu.vector_store %arg7[%swap3A_453, %swap3A_454, %swap3A_455], %broadcast_in_dim3A_3 {strides = array<i32>} : memref<50x8x128xf32, #tpu.memory_space<vmem>>, vector<16xf32>,
      %swap3A_457 = arith.constant 6 : i32
      %swap3A_458 = arith.index_cast %scan3A_217 : i32 to index
      %swap3A_459 = arith.index_cast %swap3A_457 : i32 to index
      %swap3A_460 = arith.constant 0 : index
      %swap3A_461 = tpu.vector_load %arg7[%swap3A_458, %swap3A_459, %swap3A_460] {strides = array<i32>} : memref<50x8x128xf32, #tpu.memory_space<vmem>>, vector<16xf32>,
      tpu.vector_store %arg7[%swap3A_458, %swap3A_459, %swap3A_460], %broadcast_in_dim3A_3 {strides = array<i32>} : memref<50x8x128xf32, #tpu.memory_space<vmem>>, vector<16xf32>,
      %swap3A_462 = arith.constant 6 : i32
      %swap3A_463 = arith.index_cast %scan3A_217 : i32 to index
      %swap3A_464 = arith.index_cast %swap3A_462 : i32 to index
      %swap3A_465 = arith.constant 16 : index
      %swap3A_466 = tpu.vector_load %arg7[%swap3A_463, %swap3A_464, %swap3A_465] {strides = array<i32>} : memref<50x8x128xf32, #tpu.memory_space<vmem>>, vector<16xf32>,
      tpu.vector_store %arg7[%swap3A_463, %swap3A_464, %swap3A_465], %broadcast_in_dim3A_3 {strides = array<i32>} : memref<50x8x128xf32, #tpu.memory_space<vmem>>, vector<16xf32>,
      %swap3A_467 = arith.constant 6 : i32
      %swap3A_468 = arith.index_cast %scan3A_217 : i32 to index
      %swap3A_469 = arith.index_cast %swap3A_467 : i32 to index
      %swap3A_470 = arith.constant 32 : index
      %swap3A_471 = tpu.vector_load %arg7[%swap3A_468, %swap3A_469, %swap3A_470] {strides = array<i32>} : memref<50x8x128xf32, #tpu.memory_space<vmem>>, vector<16xf32>,
      tpu.vector_store %arg7[%swap3A_468, %swap3A_469, %swap3A_470], %broadcast_in_dim3A_3 {strides = array<i32>} : memref<50x8x128xf32, #tpu.memory_space<vmem>>, vector<16xf32>,
      %swap3A_472 = arith.constant 6 : i32
      %swap3A_473 = arith.index_cast %scan3A_217 : i32 to index
      %swap3A_474 = arith.index_cast %swap3A_472 : i32 to index
      %swap3A_475 = arith.constant 48 : index
      %swap3A_476 = tpu.vector_load %arg7[%swap3A_473, %swap3A_474, %swap3A_475] {strides = array<i32>} : memref<50x8x128xf32, #tpu.memory_space<vmem>>, vector<16xf32>,
      tpu.vector_store %arg7[%swap3A_473, %swap3A_474, %swap3A_475], %broadcast_in_dim3A_3 {strides = array<i32>} : memref<50x8x128xf32, #tpu.memory_space<vmem>>, vector<16xf32>,
      %swap3A_477 = arith.constant 6 : i32
      %swap3A_478 = arith.index_cast %scan3A_217 : i32 to index
      %swap3A_479 = arith.index_cast %swap3A_477 : i32 to index
      %swap3A_480 = arith.constant 64 : index
      %swap3A_481 = tpu.vector_load %arg7[%swap3A_478, %swap3A_479, %swap3A_480] {strides = array<i32>} : memref<50x8x128xf32, #tpu.memory_space<vmem>>, vector<16xf32>,
      tpu.vector_store %arg7[%swap3A_478, %swap3A_479, %swap3A_480], %broadcast_in_dim3A_3 {strides = array<i32>} : memref<50x8x128xf32, #tpu.memory_space<vmem>>, vector<16xf32>,
      %swap3A_482 = arith.constant 6 : i32
      %swap3A_483 = arith.index_cast %scan3A_217 : i32 to index
      %swap3A_484 = arith.index_cast %swap3A_482 : i32 to index
      %swap3A_485 = arith.constant 80 : index
      %swap3A_486 = tpu.vector_load %arg7[%swap3A_483, %swap3A_484, %swap3A_485] {strides = array<i32>} : memref<50x8x128xf32, #tpu.memory_space<vmem>>, vector<16xf32>,
      tpu.vector_store %arg7[%swap3A_483, %swap3A_484, %swap3A_485], %broadcast_in_dim3A_3 {strides = array<i32>} : memref<50x8x128xf32, #tpu.memory_space<vmem>>, vector<16xf32>,
      %swap3A_487 = arith.constant 6 : i32
      %swap3A_488 = arith.index_cast %scan3A_217 : i32 to index
      %swap3A_489 = arith.index_cast %swap3A_487 : i32 to index
      %swap3A_490 = arith.constant 96 : index
      %swap3A_491 = tpu.vector_load %arg7[%swap3A_488, %swap3A_489, %swap3A_490] {strides = array<i32>} : memref<50x8x128xf32, #tpu.memory_space<vmem>>, vector<16xf32>,
      tpu.vector_store %arg7[%swap3A_488, %swap3A_489, %swap3A_490], %broadcast_in_dim3A_3 {strides = array<i32>} : memref<50x8x128xf32, #tpu.memory_space<vmem>>, vector<16xf32>,
      %swap3A_492 = arith.constant 6 : i32
      %swap3A_493 = arith.index_cast %scan3A_217 : i32 to index
      %swap3A_494 = arith.index_cast %swap3A_492 : i32 to index
      %swap3A_495 = arith.constant 112 : index
      %swap3A_496 = tpu.vector_load %arg7[%swap3A_493, %swap3A_494, %swap3A_495] {strides = array<i32>} : memref<50x8x128xf32, #tpu.memory_space<vmem>>, vector<16xf32>,
      tpu.vector_store %arg7[%swap3A_493, %swap3A_494, %swap3A_495], %broadcast_in_dim3A_3 {strides = array<i32>} : memref<50x8x128xf32, #tpu.memory_space<vmem>>, vector<16xf32>,
      %swap3A_497 = arith.constant 7 : i32
      %swap3A_498 = arith.index_cast %scan3A_217 : i32 to index
      %swap3A_499 = arith.index_cast %swap3A_497 : i32 to index
      %swap3A_500 = arith.constant 0 : index
      %swap3A_501 = tpu.vector_load %arg7[%swap3A_498, %swap3A_499, %swap3A_500] {strides = array<i32>} : memref<50x8x128xf32, #tpu.memory_space<vmem>>, vector<16xf32>,
      tpu.vector_store %arg7[%swap3A_498, %swap3A_499, %swap3A_500], %broadcast_in_dim3A_3 {strides = array<i32>} : memref<50x8x128xf32, #tpu.memory_space<vmem>>, vector<16xf32>,
      %swap3A_502 = arith.constant 7 : i32
      %swap3A_503 = arith.index_cast %scan3A_217 : i32 to index
      %swap3A_504 = arith.index_cast %swap3A_502 : i32 to index
      %swap3A_505 = arith.constant 16 : index
      %swap3A_506 = tpu.vector_load %arg7[%swap3A_503, %swap3A_504, %swap3A_505] {strides = array<i32>} : memref<50x8x128xf32, #tpu.memory_space<vmem>>, vector<16xf32>,
      tpu.vector_store %arg7[%swap3A_503, %swap3A_504, %swap3A_505], %broadcast_in_dim3A_3 {strides = array<i32>} : memref<50x8x128xf32, #tpu.memory_space<vmem>>, vector<16xf32>,
      %swap3A_507 = arith.constant 7 : i32
      %swap3A_508 = arith.index_cast %scan3A_217 : i32 to index
      %swap3A_509 = arith.index_cast %swap3A_507 : i32 to index
      %swap3A_510 = arith.constant 32 : index
      %swap3A_511 = tpu.vector_load %arg7[%swap3A_508, %swap3A_509, %swap3A_510] {strides = array<i32>} : memref<50x8x128xf32, #tpu.memory_space<vmem>>, vector<16xf32>,
      tpu.vector_store %arg7[%swap3A_508, %swap3A_509, %swap3A_510], %broadcast_in_dim3A_3 {strides = array<i32>} : memref<50x8x128xf32, #tpu.memory_space<vmem>>, vector<16xf32>,
      %swap3A_512 = arith.constant 7 : i32
      %swap3A_513 = arith.index_cast %scan3A_217 : i32 to index
      %swap3A_514 = arith.index_cast %swap3A_512 : i32 to index
      %swap3A_515 = arith.constant 48 : index
      %swap3A_516 = tpu.vector_load %arg7[%swap3A_513, %swap3A_514, %swap3A_515] {strides = array<i32>} : memref<50x8x128xf32, #tpu.memory_space<vmem>>, vector<16xf32>,
      tpu.vector_store %arg7[%swap3A_513, %swap3A_514, %swap3A_515], %broadcast_in_dim3A_3 {strides = array<i32>} : memref<50x8x128xf32, #tpu.memory_space<vmem>>, vector<16xf32>,
      %swap3A_517 = arith.constant 7 : i32
      %swap3A_518 = arith.index_cast %scan3A_217 : i32 to index
      %swap3A_519 = arith.index_cast %swap3A_517 : i32 to index
      %swap3A_520 = arith.constant 64 : index
      %swap3A_521 = tpu.vector_load %arg7[%swap3A_518, %swap3A_519, %swap3A_520] {strides = array<i32>} : memref<50x8x128xf32, #tpu.memory_space<vmem>>, vector<16xf32>,
      tpu.vector_store %arg7[%swap3A_518, %swap3A_519, %swap3A_520], %broadcast_in_dim3A_3 {strides = array<i32>} : memref<50x8x128xf32, #tpu.memory_space<vmem>>, vector<16xf32>,
      %swap3A_522 = arith.constant 7 : i32
      %swap3A_523 = arith.index_cast %scan3A_217 : i32 to index
      %swap3A_524 = arith.index_cast %swap3A_522 : i32 to index
      %swap3A_525 = arith.constant 80 : index
      %swap3A_526 = tpu.vector_load %arg7[%swap3A_523, %swap3A_524, %swap3A_525] {strides = array<i32>} : memref<50x8x128xf32, #tpu.memory_space<vmem>>, vector<16xf32>,
      tpu.vector_store %arg7[%swap3A_523, %swap3A_524, %swap3A_525], %broadcast_in_dim3A_3 {strides = array<i32>} : memref<50x8x128xf32, #tpu.memory_space<vmem>>, vector<16xf32>,
      %swap3A_527 = arith.constant 7 : i32
      %swap3A_528 = arith.index_cast %scan3A_217 : i32 to index
      %swap3A_529 = arith.index_cast %swap3A_527 : i32 to index
      %swap3A_530 = arith.constant 96 : index
      %swap3A_531 = tpu.vector_load %arg7[%swap3A_528, %swap3A_529, %swap3A_530] {strides = array<i32>} : memref<50x8x128xf32, #tpu.memory_space<vmem>>, vector<16xf32>,
      tpu.vector_store %arg7[%swap3A_528, %swap3A_529, %swap3A_530], %broadcast_in_dim3A_3 {strides = array<i32>} : memref<50x8x128xf32, #tpu.memory_space<vmem>>, vector<16xf32>,
      %swap3A_532 = arith.constant 7 : i32
      %swap3A_533 = arith.index_cast %scan3A_217 : i32 to index
      %swap3A_534 = arith.index_cast %swap3A_532 : i32 to index
      %swap3A_535 = arith.constant 112 : index
      %swap3A_536 = tpu.vector_load %arg7[%swap3A_533, %swap3A_534, %swap3A_535] {strides = array<i32>} : memref<50x8x128xf32, #tpu.memory_space<vmem>>, vector<16xf32>,
      tpu.vector_store %arg7[%swap3A_533, %swap3A_534, %swap3A_535], %broadcast_in_dim3A_3 {strides = array<i32>} : memref<50x8x128xf32, #tpu.memory_space<vmem>>, vector<16xf32>,
    }
    %scan3A_14 = arith.constant 50 : i32
    %min3A = arith.constant 7 : i32
    %min3A_15 = vector.broadcast %min3A : i32 to vector<16xi32>
    %min3A_16 = arith.minsi %iota3A, %min3A_15 : vector<16xi32>
    %add3A_17 = arith.constant 0 : i32
    %add3A_18 = vector.broadcast %add3A_17 : i32 to vector<16xi32>
    %add3A_19 = arith.addi %add3A_18, %min3A_16 : vector<16xi32>
    %mul3A_20 = arith.constant 512 : i32
    %mul3A_21 = vector.broadcast %mul3A_20 : i32 to vector<16xi32>
    %mul3A_22 = arith.muli %add3A_19, %mul3A_21 : vector<16xi32>
    %mul3A_23 = arith.constant 8 : i32
    %mul3A_24 = arith.muli %mul3A_23, %add3A : i32
    %add3A_25 = vector.broadcast %mul3A_24 : i32 to vector<16xi32>
    %add3A_26 = arith.addi %mul3A_22, %add3A_25 : vector<16xi32>
    %add3A_27 = arith.constant 263 : i32
    %add3A_28 = vector.broadcast %add3A_27 : i32 to vector<16xi32>
    %add3A_29 = arith.addi %add3A_26, %add3A_28 : vector<16xi32>
    %dma_start3A = arith.constant 0 : i32
    %dma_start3A_30 = arith.constant 0 : i32
    %dma_start3A_31 = tpu.memref_slice %arg2[%dma_start3A, %dma_start3A_30] : memref<102400x128xf32, #tpu.memory_space<hbm>> -> memref<102400x128xf32, #tpu.memory_space<hbm>>
    tpu.enqueue_indirect_dma source(%dma_start3A_31 : memref<102400x128xf32, #tpu.memory_space<hbm>>) target(%arg4 : memref<16x128xf32, #tpu.memory_space<vmem>>) offsets(%add3A_29 : vector<16xi32>) semaphore(%arg10 : memref<!tpu.dma_semaphore, #tpu.memory_space<semaphore_mem>>)
    %min3A_32 = arith.constant 7 : i32
    %min3A_33 = vector.broadcast %min3A_32 : i32 to vector<16xi32>
    %min3A_34 = arith.minsi %iota3A, %min3A_33 : vector<16xi32>
    %add3A_35 = arith.constant 8 : i32
    %add3A_36 = vector.broadcast %add3A_35 : i32 to vector<16xi32>
    %add3A_37 = arith.addi %add3A_36, %min3A_34 : vector<16xi32>
    %mul3A_38 = arith.constant 512 : i32
    %mul3A_39 = vector.broadcast %mul3A_38 : i32 to vector<16xi32>
    %mul3A_40 = arith.muli %add3A_37, %mul3A_39 : vector<16xi32>
    %mul3A_41 = arith.constant 8 : i32
    %mul3A_42 = arith.muli %mul3A_41, %add3A : i32
    %add3A_43 = vector.broadcast %mul3A_42 : i32 to vector<16xi32>
    %add3A_44 = arith.addi %mul3A_40, %add3A_43 : vector<16xi32>
    %add3A_45 = arith.constant 263 : i32
    %add3A_46 = vector.broadcast %add3A_45 : i32 to vector<16xi32>
    %add3A_47 = arith.addi %add3A_44, %add3A_46 : vector<16xi32>
    %dma_start3A_48 = arith.constant 0 : i32
    %dma_start3A_49 = arith.constant 0 : i32
    %dma_start3A_50 = tpu.memref_slice %arg2[%dma_start3A_48, %dma_start3A_49] : memref<102400x128xf32, #tpu.memory_space<hbm>> -> memref<102400x128xf32, #tpu.memory_space<hbm>>
    tpu.enqueue_indirect_dma source(%dma_start3A_50 : memref<102400x128xf32, #tpu.memory_space<hbm>>) target(%arg5 : memref<16x128xf32, #tpu.memory_space<vmem>>) offsets(%add3A_47 : vector<16xi32>) semaphore(%arg11 : memref<!tpu.dma_semaphore, #tpu.memory_space<semaphore_mem>>)
    %dma_wait3A = arith.constant 0 : i32
    %dma_wait3A_51 = arith.constant 0 : i32
    %dma_wait3A_52 = tpu.memref_slice %arg2[%dma_wait3A, %dma_wait3A_51] : memref<102400x128xf32, #tpu.memory_space<hbm>> -> memref<102400x128xf32, #tpu.memory_space<hbm>>
    tpu.wait_indirect_dma semaphore(%arg10 : memref<!tpu.dma_semaphore, #tpu.memory_space<semaphore_mem>>) src(%dma_wait3A_52 : memref<102400x128xf32, #tpu.memory_space<hbm>>) dst(%arg4 : memref<16x128xf32, #tpu.memory_space<vmem>>)
    %scan3A_53 = arith.constant 0 : i32
    %scan3A_54 = arith.constant 8 : i32
    %scan3A_55 = arith.addi %scan3A_53, %scan3A_54 : i32
    %scan3A_56 = arith.constant 1 : i32
    scf.for %scan3A_217 = %scan3A_53 to %scan3A_55 step %scan3A_56  : i32 {
      %mul3A_218 = arith.constant 128 : i32
      %mul3A_219 = arith.muli %scan3A_217, %mul3A_218 : i32
      %broadcast_in_dim3A_220 = vector.broadcast %scan3A_217 : i32 to vector<16xi32>
      %get3A = arith.index_cast %scan3A_217 : i32 to index
      %get3A_221 = arith.constant 0 : index
      %get3A_222 = tpu.vector_load %arg4[%get3A, %get3A_221] {strides = array<i32>} : memref<16x128xf32, #tpu.memory_space<vmem>>, vector<16xf32>,
      %convert_element_type3A = arith.fptosi %get3A_222 : vector<16xf32> to vector<16xi32>
      %add3A_223 = arith.constant 0 : i32
      %add3A_224 = vector.broadcast %add3A_223 : i32 to vector<16xi32>
      %add3A_225 = arith.addi %add3A_224, %iota3A : vector<16xi32>
      %lt3A = arith.constant 50 : i32
      %lt3A_226 = vector.broadcast %lt3A : i32 to vector<16xi32>
      %lt3A_227 = arith.cmpi slt, %convert_element_type3A, %lt3A_226 : vector<16xi32>
      %jit3A = arith.constant 0 : i32
      %broadcast_in_dim3A_228 = vector.broadcast %jit3A : i32 to vector<16xi32>
      %select_n3A = arith.select %lt3A_227, %convert_element_type3A, %broadcast_in_dim3A_228 : vector<16xi1>, vector<16xi32>
      %mul3A_229 = arith.constant 1024 : i32
      %mul3A_230 = vector.broadcast %mul3A_229 : i32 to vector<16xi32>
      %mul3A_231 = arith.muli %select_n3A, %mul3A_230 : vector<16xi32>
      %add3A_232 = vector.broadcast %mul3A_219 : i32 to vector<16xi32>
      %add3A_233 = arith.addi %mul3A_231, %add3A_232 : vector<16xi32>
      %add3A_234 = arith.addi %add3A_233, %add3A_225 : vector<16xi32>
      %add3A_235 = arith.constant 0 : i32
      %add3A_236 = arith.addi %mul3A_219, %add3A_235 : i32
      %swap3A = arith.index_cast %add3A_236 : i32 to index
      %swap3A_237 = tpu.vector_load %arg8[%swap3A] {strides = array<i32>} : memref<1024xi32, #tpu.memory_space<vmem>>, vector<16xi32>,
      tpu.vector_store %arg8[%swap3A], %add3A_234 {strides = array<i32>} : memref<1024xi32, #tpu.memory_space<vmem>>, vector<16xi32>,
      tpu.vector_store_idx %arg6[%select_n3A, %broadcast_in_dim3A_220, %add3A_225], %broadcast_in_dim3A_5 masked %lt3A_227 : memref<50x8x128xf32, #tpu.memory_space<vmem>>[vector<16xi32>, vector<16xi32>, vector<16xi32>], vector<16xf32>, vector<16xi1>
      %get3A_238 = arith.index_cast %scan3A_217 : i32 to index
      %get3A_239 = arith.constant 16 : index
      %get3A_240 = tpu.vector_load %arg4[%get3A_238, %get3A_239] {strides = array<i32>} : memref<16x128xf32, #tpu.memory_space<vmem>>, vector<16xf32>,
      %convert_element_type3A_241 = arith.fptosi %get3A_240 : vector<16xf32> to vector<16xi32>
      %add3A_242 = arith.constant 16 : i32
      %add3A_243 = vector.broadcast %add3A_242 : i32 to vector<16xi32>
      %add3A_244 = arith.addi %add3A_243, %iota3A : vector<16xi32>
      %lt3A_245 = arith.constant 50 : i32
      %lt3A_246 = vector.broadcast %lt3A_245 : i32 to vector<16xi32>
      %lt3A_247 = arith.cmpi slt, %convert_element_type3A_241, %lt3A_246 : vector<16xi32>
      %jit3A_248 = arith.constant 0 : i32
      %broadcast_in_dim3A_249 = vector.broadcast %jit3A_248 : i32 to vector<16xi32>
      %select_n3A_250 = arith.select %lt3A_247, %convert_element_type3A_241, %broadcast_in_dim3A_249 : vector<16xi1>, vector<16xi32>
      %mul3A_251 = arith.constant 1024 : i32
      %mul3A_252 = vector.broadcast %mul3A_251 : i32 to vector<16xi32>
      %mul3A_253 = arith.muli %select_n3A_250, %mul3A_252 : vector<16xi32>
      %add3A_254 = vector.broadcast %mul3A_219 : i32 to vector<16xi32>
      %add3A_255 = arith.addi %mul3A_253, %add3A_254 : vector<16xi32>
      %add3A_256 = arith.addi %add3A_255, %add3A_244 : vector<16xi32>
      %add3A_257 = arith.constant 16 : i32
      %add3A_258 = arith.addi %mul3A_219, %add3A_257 : i32
      %swap3A_259 = arith.index_cast %add3A_258 : i32 to index
      %swap3A_260 = tpu.vector_load %arg8[%swap3A_259] {strides = array<i32>} : memref<1024xi32, #tpu.memory_space<vmem>>, vector<16xi32>,
      tpu.vector_store %arg8[%swap3A_259], %add3A_256 {strides = array<i32>} : memref<1024xi32, #tpu.memory_space<vmem>>, vector<16xi32>,
      tpu.vector_store_idx %arg6[%select_n3A_250, %broadcast_in_dim3A_220, %add3A_244], %broadcast_in_dim3A_5 masked %lt3A_247 : memref<50x8x128xf32, #tpu.memory_space<vmem>>[vector<16xi32>, vector<16xi32>, vector<16xi32>], vector<16xf32>, vector<16xi1>
      %get3A_261 = arith.index_cast %scan3A_217 : i32 to index
      %get3A_262 = arith.constant 32 : index
      %get3A_263 = tpu.vector_load %arg4[%get3A_261, %get3A_262] {strides = array<i32>} : memref<16x128xf32, #tpu.memory_space<vmem>>, vector<16xf32>,
      %convert_element_type3A_264 = arith.fptosi %get3A_263 : vector<16xf32> to vector<16xi32>
      %add3A_265 = arith.constant 32 : i32
      %add3A_266 = vector.broadcast %add3A_265 : i32 to vector<16xi32>
      %add3A_267 = arith.addi %add3A_266, %iota3A : vector<16xi32>
      %lt3A_268 = arith.constant 50 : i32
      %lt3A_269 = vector.broadcast %lt3A_268 : i32 to vector<16xi32>
      %lt3A_270 = arith.cmpi slt, %convert_element_type3A_264, %lt3A_269 : vector<16xi32>
      %jit3A_271 = arith.constant 0 : i32
      %broadcast_in_dim3A_272 = vector.broadcast %jit3A_271 : i32 to vector<16xi32>
      %select_n3A_273 = arith.select %lt3A_270, %convert_element_type3A_264, %broadcast_in_dim3A_272 : vector<16xi1>, vector<16xi32>
      %mul3A_274 = arith.constant 1024 : i32
      %mul3A_275 = vector.broadcast %mul3A_274 : i32 to vector<16xi32>
      %mul3A_276 = arith.muli %select_n3A_273, %mul3A_275 : vector<16xi32>
      %add3A_277 = vector.broadcast %mul3A_219 : i32 to vector<16xi32>
      %add3A_278 = arith.addi %mul3A_276, %add3A_277 : vector<16xi32>
      %add3A_279 = arith.addi %add3A_278, %add3A_267 : vector<16xi32>
      %add3A_280 = arith.constant 32 : i32
      %add3A_281 = arith.addi %mul3A_219, %add3A_280 : i32
      %swap3A_282 = arith.index_cast %add3A_281 : i32 to index
      %swap3A_283 = tpu.vector_load %arg8[%swap3A_282] {strides = array<i32>} : memref<1024xi32, #tpu.memory_space<vmem>>, vector<16xi32>,
      tpu.vector_store %arg8[%swap3A_282], %add3A_279 {strides = array<i32>} : memref<1024xi32, #tpu.memory_space<vmem>>, vector<16xi32>,
      tpu.vector_store_idx %arg6[%select_n3A_273, %broadcast_in_dim3A_220, %add3A_267], %broadcast_in_dim3A_5 masked %lt3A_270 : memref<50x8x128xf32, #tpu.memory_space<vmem>>[vector<16xi32>, vector<16xi32>, vector<16xi32>], vector<16xf32>, vector<16xi1>
      %get3A_284 = arith.index_cast %scan3A_217 : i32 to index
      %get3A_285 = arith.constant 48 : index
      %get3A_286 = tpu.vector_load %arg4[%get3A_284, %get3A_285] {strides = array<i32>} : memref<16x128xf32, #tpu.memory_space<vmem>>, vector<16xf32>,
      %convert_element_type3A_287 = arith.fptosi %get3A_286 : vector<16xf32> to vector<16xi32>
      %add3A_288 = arith.constant 48 : i32
      %add3A_289 = vector.broadcast %add3A_288 : i32 to vector<16xi32>
      %add3A_290 = arith.addi %add3A_289, %iota3A : vector<16xi32>
      %lt3A_291 = arith.constant 50 : i32
      %lt3A_292 = vector.broadcast %lt3A_291 : i32 to vector<16xi32>
      %lt3A_293 = arith.cmpi slt, %convert_element_type3A_287, %lt3A_292 : vector<16xi32>
      %jit3A_294 = arith.constant 0 : i32
      %broadcast_in_dim3A_295 = vector.broadcast %jit3A_294 : i32 to vector<16xi32>
      %select_n3A_296 = arith.select %lt3A_293, %convert_element_type3A_287, %broadcast_in_dim3A_295 : vector<16xi1>, vector<16xi32>
      %mul3A_297 = arith.constant 1024 : i32
      %mul3A_298 = vector.broadcast %mul3A_297 : i32 to vector<16xi32>
      %mul3A_299 = arith.muli %select_n3A_296, %mul3A_298 : vector<16xi32>
      %add3A_300 = vector.broadcast %mul3A_219 : i32 to vector<16xi32>
      %add3A_301 = arith.addi %mul3A_299, %add3A_300 : vector<16xi32>
      %add3A_302 = arith.addi %add3A_301, %add3A_290 : vector<16xi32>
      %add3A_303 = arith.constant 48 : i32
      %add3A_304 = arith.addi %mul3A_219, %add3A_303 : i32
      %swap3A_305 = arith.index_cast %add3A_304 : i32 to index
      %swap3A_306 = tpu.vector_load %arg8[%swap3A_305] {strides = array<i32>} : memref<1024xi32, #tpu.memory_space<vmem>>, vector<16xi32>,
      tpu.vector_store %arg8[%swap3A_305], %add3A_302 {strides = array<i32>} : memref<1024xi32, #tpu.memory_space<vmem>>, vector<16xi32>,
      tpu.vector_store_idx %arg6[%select_n3A_296, %broadcast_in_dim3A_220, %add3A_290], %broadcast_in_dim3A_5 masked %lt3A_293 : memref<50x8x128xf32, #tpu.memory_space<vmem>>[vector<16xi32>, vector<16xi32>, vector<16xi32>], vector<16xf32>, vector<16xi1>
      %get3A_307 = arith.index_cast %scan3A_217 : i32 to index
      %get3A_308 = arith.constant 64 : index
      %get3A_309 = tpu.vector_load %arg4[%get3A_307, %get3A_308] {strides = array<i32>} : memref<16x128xf32, #tpu.memory_space<vmem>>, vector<16xf32>,
      %convert_element_type3A_310 = arith.fptosi %get3A_309 : vector<16xf32> to vector<16xi32>
      %add3A_311 = arith.constant 64 : i32
      %add3A_312 = vector.broadcast %add3A_311 : i32 to vector<16xi32>
      %add3A_313 = arith.addi %add3A_312, %iota3A : vector<16xi32>
      %lt3A_314 = arith.constant 50 : i32
      %lt3A_315 = vector.broadcast %lt3A_314 : i32 to vector<16xi32>
      %lt3A_316 = arith.cmpi slt, %convert_element_type3A_310, %lt3A_315 : vector<16xi32>
      %jit3A_317 = arith.constant 0 : i32
      %broadcast_in_dim3A_318 = vector.broadcast %jit3A_317 : i32 to vector<16xi32>
      %select_n3A_319 = arith.select %lt3A_316, %convert_element_type3A_310, %broadcast_in_dim3A_318 : vector<16xi1>, vector<16xi32>
      %mul3A_320 = arith.constant 1024 : i32
      %mul3A_321 = vector.broadcast %mul3A_320 : i32 to vector<16xi32>
      %mul3A_322 = arith.muli %select_n3A_319, %mul3A_321 : vector<16xi32>
      %add3A_323 = vector.broadcast %mul3A_219 : i32 to vector<16xi32>
      %add3A_324 = arith.addi %mul3A_322, %add3A_323 : vector<16xi32>
      %add3A_325 = arith.addi %add3A_324, %add3A_313 : vector<16xi32>
      %add3A_326 = arith.constant 64 : i32
      %add3A_327 = arith.addi %mul3A_219, %add3A_326 : i32
      %swap3A_328 = arith.index_cast %add3A_327 : i32 to index
      %swap3A_329 = tpu.vector_load %arg8[%swap3A_328] {strides = array<i32>} : memref<1024xi32, #tpu.memory_space<vmem>>, vector<16xi32>,
      tpu.vector_store %arg8[%swap3A_328], %add3A_325 {strides = array<i32>} : memref<1024xi32, #tpu.memory_space<vmem>>, vector<16xi32>,
      tpu.vector_store_idx %arg6[%select_n3A_319, %broadcast_in_dim3A_220, %add3A_313], %broadcast_in_dim3A_5 masked %lt3A_316 : memref<50x8x128xf32, #tpu.memory_space<vmem>>[vector<16xi32>, vector<16xi32>, vector<16xi32>], vector<16xf32>, vector<16xi1>
      %get3A_330 = arith.index_cast %scan3A_217 : i32 to index
      %get3A_331 = arith.constant 80 : index
      %get3A_332 = tpu.vector_load %arg4[%get3A_330, %get3A_331] {strides = array<i32>} : memref<16x128xf32, #tpu.memory_space<vmem>>, vector<16xf32>,
      %convert_element_type3A_333 = arith.fptosi %get3A_332 : vector<16xf32> to vector<16xi32>
      %add3A_334 = arith.constant 80 : i32
      %add3A_335 = vector.broadcast %add3A_334 : i32 to vector<16xi32>
      %add3A_336 = arith.addi %add3A_335, %iota3A : vector<16xi32>
      %lt3A_337 = arith.constant 50 : i32
      %lt3A_338 = vector.broadcast %lt3A_337 : i32 to vector<16xi32>
      %lt3A_339 = arith.cmpi slt, %convert_element_type3A_333, %lt3A_338 : vector<16xi32>
      %jit3A_340 = arith.constant 0 : i32
      %broadcast_in_dim3A_341 = vector.broadcast %jit3A_340 : i32 to vector<16xi32>
      %select_n3A_342 = arith.select %lt3A_339, %convert_element_type3A_333, %broadcast_in_dim3A_341 : vector<16xi1>, vector<16xi32>
      %mul3A_343 = arith.constant 1024 : i32
      %mul3A_344 = vector.broadcast %mul3A_343 : i32 to vector<16xi32>
      %mul3A_345 = arith.muli %select_n3A_342, %mul3A_344 : vector<16xi32>
      %add3A_346 = vector.broadcast %mul3A_219 : i32 to vector<16xi32>
      %add3A_347 = arith.addi %mul3A_345, %add3A_346 : vector<16xi32>
      %add3A_348 = arith.addi %add3A_347, %add3A_336 : vector<16xi32>
      %add3A_349 = arith.constant 80 : i32
      %add3A_350 = arith.addi %mul3A_219, %add3A_349 : i32
      %swap3A_351 = arith.index_cast %add3A_350 : i32 to index
      %swap3A_352 = tpu.vector_load %arg8[%swap3A_351] {strides = array<i32>} : memref<1024xi32, #tpu.memory_space<vmem>>, vector<16xi32>,
      tpu.vector_store %arg8[%swap3A_351], %add3A_348 {strides = array<i32>} : memref<1024xi32, #tpu.memory_space<vmem>>, vector<16xi32>,
      tpu.vector_store_idx %arg6[%select_n3A_342, %broadcast_in_dim3A_220, %add3A_336], %broadcast_in_dim3A_5 masked %lt3A_339 : memref<50x8x128xf32, #tpu.memory_space<vmem>>[vector<16xi32>, vector<16xi32>, vector<16xi32>], vector<16xf32>, vector<16xi1>
      %get3A_353 = arith.index_cast %scan3A_217 : i32 to index
      %get3A_354 = arith.constant 96 : index
      %get3A_355 = tpu.vector_load %arg4[%get3A_353, %get3A_354] {strides = array<i32>} : memref<16x128xf32, #tpu.memory_space<vmem>>, vector<16xf32>,
      %convert_element_type3A_356 = arith.fptosi %get3A_355 : vector<16xf32> to vector<16xi32>
      %add3A_357 = arith.constant 96 : i32
      %add3A_358 = vector.broadcast %add3A_357 : i32 to vector<16xi32>
      %add3A_359 = arith.addi %add3A_358, %iota3A : vector<16xi32>
      %lt3A_360 = arith.constant 50 : i32
      %lt3A_361 = vector.broadcast %lt3A_360 : i32 to vector<16xi32>
      %lt3A_362 = arith.cmpi slt, %convert_element_type3A_356, %lt3A_361 : vector<16xi32>
      %jit3A_363 = arith.constant 0 : i32
      %broadcast_in_dim3A_364 = vector.broadcast %jit3A_363 : i32 to vector<16xi32>
      %select_n3A_365 = arith.select %lt3A_362, %convert_element_type3A_356, %broadcast_in_dim3A_364 : vector<16xi1>, vector<16xi32>
      %mul3A_366 = arith.constant 1024 : i32
      %mul3A_367 = vector.broadcast %mul3A_366 : i32 to vector<16xi32>
      %mul3A_368 = arith.muli %select_n3A_365, %mul3A_367 : vector<16xi32>
      %add3A_369 = vector.broadcast %mul3A_219 : i32 to vector<16xi32>
      %add3A_370 = arith.addi %mul3A_368, %add3A_369 : vector<16xi32>
      %add3A_371 = arith.addi %add3A_370, %add3A_359 : vector<16xi32>
      %add3A_372 = arith.constant 96 : i32
      %add3A_373 = arith.addi %mul3A_219, %add3A_372 : i32
      %swap3A_374 = arith.index_cast %add3A_373 : i32 to index
      %swap3A_375 = tpu.vector_load %arg8[%swap3A_374] {strides = array<i32>} : memref<1024xi32, #tpu.memory_space<vmem>>, vector<16xi32>,
      tpu.vector_store %arg8[%swap3A_374], %add3A_371 {strides = array<i32>} : memref<1024xi32, #tpu.memory_space<vmem>>, vector<16xi32>,
      tpu.vector_store_idx %arg6[%select_n3A_365, %broadcast_in_dim3A_220, %add3A_359], %broadcast_in_dim3A_5 masked %lt3A_362 : memref<50x8x128xf32, #tpu.memory_space<vmem>>[vector<16xi32>, vector<16xi32>, vector<16xi32>], vector<16xf32>, vector<16xi1>
      %get3A_376 = arith.index_cast %scan3A_217 : i32 to index
      %get3A_377 = arith.constant 112 : index
      %get3A_378 = tpu.vector_load %arg4[%get3A_376, %get3A_377] {strides = array<i32>} : memref<16x128xf32, #tpu.memory_space<vmem>>, vector<16xf32>,
      %convert_element_type3A_379 = arith.fptosi %get3A_378 : vector<16xf32> to vector<16xi32>
      %add3A_380 = arith.constant 112 : i32
      %add3A_381 = vector.broadcast %add3A_380 : i32 to vector<16xi32>
      %add3A_382 = arith.addi %add3A_381, %iota3A : vector<16xi32>
      %lt3A_383 = arith.constant 50 : i32
      %lt3A_384 = vector.broadcast %lt3A_383 : i32 to vector<16xi32>
      %lt3A_385 = arith.cmpi slt, %convert_element_type3A_379, %lt3A_384 : vector<16xi32>
      %jit3A_386 = arith.constant 0 : i32
      %broadcast_in_dim3A_387 = vector.broadcast %jit3A_386 : i32 to vector<16xi32>
      %select_n3A_388 = arith.select %lt3A_385, %convert_element_type3A_379, %broadcast_in_dim3A_387 : vector<16xi1>, vector<16xi32>
      %mul3A_389 = arith.constant 1024 : i32
      %mul3A_390 = vector.broadcast %mul3A_389 : i32 to vector<16xi32>
      %mul3A_391 = arith.muli %select_n3A_388, %mul3A_390 : vector<16xi32>
      %add3A_392 = vector.broadcast %mul3A_219 : i32 to vector<16xi32>
      %add3A_393 = arith.addi %mul3A_391, %add3A_392 : vector<16xi32>
      %add3A_394 = arith.addi %add3A_393, %add3A_382 : vector<16xi32>
      %add3A_395 = arith.constant 112 : i32
      %add3A_396 = arith.addi %mul3A_219, %add3A_395 : i32
      %swap3A_397 = arith.index_cast %add3A_396 : i32 to index
      %swap3A_398 = tpu.vector_load %arg8[%swap3A_397] {strides = array<i32>} : memref<1024xi32, #tpu.memory_space<vmem>>, vector<16xi32>,
      tpu.vector_store %arg8[%swap3A_397], %add3A_394 {strides = array<i32>} : memref<1024xi32, #tpu.memory_space<vmem>>, vector<16xi32>,
      tpu.vector_store_idx %arg6[%select_n3A_388, %broadcast_in_dim3A_220, %add3A_382], %broadcast_in_dim3A_5 masked %lt3A_385 : memref<50x8x128xf32, #tpu.memory_space<vmem>>[vector<16xi32>, vector<16xi32>, vector<16xi32>], vector<16xf32>, vector<16xi1>
    }
    %scan3A_57 = arith.constant 8 : i32
    %dma_start3A_58 = arith.constant 0 : i32
    %dma_start3A_59 = arith.constant 0 : i32
    %dma_start3A_60 = arith.constant 0 : i32
    %dma_start3A_61 = tpu.memref_slice %arg6[%dma_start3A_58, %dma_start3A_59, %dma_start3A_60] : memref<50x8x128xf32, #tpu.memory_space<vmem>> -> memref<25x8x128xf32, #tpu.memory_space<vmem>>
    %dma_start3A_62 = arith.constant 0 : i32
    %dma_start3A_63 = arith.constant 0 : i32
    %dma_start3A_64 = tpu.memref_slice %arg3[%dma_start3A_62, %dma_start3A_63, %mul3A_2] : memref<100x200x4096xf32, #tpu.memory_space<hbm>> -> memref<25x8x128xf32, #tpu.memory_space<hbm>>
    %dma_start3A_65 = arith.constant 0 : i32
    %dma_start3A_66 = arith.constant 0 : i32
    %dma_start3A_67 = tpu.memref_slice %arg3[%dma_start3A_65, %dma_start3A_66, %mul3A_2] : memref<100x200x4096xf32, #tpu.memory_space<hbm>> -> memref<25x8x128xf32, #tpu.memory_space<hbm>>
    %dma_start3A_68 = arith.constant 0 : i32
    %dma_start3A_69 = arith.constant 0 : i32
    %dma_start3A_70 = arith.constant 0 : i32
    %dma_start3A_71 = tpu.memref_slice %arg6[%dma_start3A_68, %dma_start3A_69, %dma_start3A_70] : memref<50x8x128xf32, #tpu.memory_space<vmem>> -> memref<25x8x128xf32, #tpu.memory_space<vmem>>
    tpu.enqueue_dma source(%dma_start3A_71 : memref<25x8x128xf32, #tpu.memory_space<vmem>>) target(%dma_start3A_67 : memref<25x8x128xf32, #tpu.memory_space<hbm>>) target_semaphore(%arg12 : memref<!tpu.dma_semaphore, #tpu.memory_space<semaphore_mem>>)
    %dma_start3A_72 = arith.constant 25 : i32
    %dma_start3A_73 = arith.constant 0 : i32
    %dma_start3A_74 = arith.constant 0 : i32
    %dma_start3A_75 = tpu.memref_slice %arg6[%dma_start3A_72, %dma_start3A_73, %dma_start3A_74] : memref<50x8x128xf32, #tpu.memory_space<vmem>> -> memref<25x8x128xf32, #tpu.memory_space<vmem>>
    %dma_start3A_76 = arith.constant 25 : i32
    %dma_start3A_77 = arith.constant 0 : i32
    %dma_start3A_78 = tpu.memref_slice %arg3[%dma_start3A_76, %dma_start3A_77, %mul3A_2] : memref<100x200x4096xf32, #tpu.memory_space<hbm>> -> memref<25x8x128xf32, #tpu.memory_space<hbm>>
    %dma_start3A_79 = arith.constant 25 : i32
    %dma_start3A_80 = arith.constant 0 : i32
    %dma_start3A_81 = tpu.memref_slice %arg3[%dma_start3A_79, %dma_start3A_80, %mul3A_2] : memref<100x200x4096xf32, #tpu.memory_space<hbm>> -> memref<25x8x128xf32, #tpu.memory_space<hbm>>
    %dma_start3A_82 = arith.constant 25 : i32
    %dma_start3A_83 = arith.constant 0 : i32
    %dma_start3A_84 = arith.constant 0 : i32
    %dma_start3A_85 = tpu.memref_slice %arg6[%dma_start3A_82, %dma_start3A_83, %dma_start3A_84] : memref<50x8x128xf32, #tpu.memory_space<vmem>> -> memref<25x8x128xf32, #tpu.memory_space<vmem>>
    tpu.enqueue_dma source(%dma_start3A_85 : memref<25x8x128xf32, #tpu.memory_space<vmem>>) target(%dma_start3A_81 : memref<25x8x128xf32, #tpu.memory_space<hbm>>) target_semaphore(%arg12 : memref<!tpu.dma_semaphore, #tpu.memory_space<semaphore_mem>>)
    %scan3A_86 = arith.constant 0 : i32
    %scan3A_87 = arith.constant 8 : i32
    %scan3A_88 = arith.addi %scan3A_86, %scan3A_87 : i32
    %scan3A_89 = arith.constant 1 : i32
    scf.for %scan3A_217 = %scan3A_86 to %scan3A_88 step %scan3A_89  : i32 {
      %mul3A_218 = arith.constant 128 : i32
      %mul3A_219 = arith.muli %scan3A_217, %mul3A_218 : i32
      %broadcast_in_dim3A_220 = vector.broadcast %scan3A_217 : i32 to vector<16xi32>
      %get3A = arith.index_cast %scan3A_217 : i32 to index
      %get3A_221 = arith.constant 0 : index
      %get3A_222 = tpu.vector_load %arg4[%get3A, %get3A_221] {strides = array<i32>} : memref<16x128xf32, #tpu.memory_space<vmem>>, vector<16xf32>,
      %convert_element_type3A = arith.fptosi %get3A_222 : vector<16xf32> to vector<16xi32>
      %add3A_223 = arith.constant 0 : i32
      %add3A_224 = vector.broadcast %add3A_223 : i32 to vector<16xi32>
      %add3A_225 = arith.addi %add3A_224, %iota3A : vector<16xi32>
      %ge3A = arith.constant 50 : i32
      %ge3A_226 = vector.broadcast %ge3A : i32 to vector<16xi32>
      %ge3A_227 = arith.cmpi sge, %convert_element_type3A, %ge3A_226 : vector<16xi32>
      %sub3A = arith.constant 50 : i32
      %sub3A_228 = vector.broadcast %sub3A : i32 to vector<16xi32>
      %sub3A_229 = arith.subi %convert_element_type3A, %sub3A_228 : vector<16xi32>
      %jit3A = arith.constant 0 : i32
      %broadcast_in_dim3A_230 = vector.broadcast %jit3A : i32 to vector<16xi32>
      %select_n3A = arith.select %ge3A_227, %sub3A_229, %broadcast_in_dim3A_230 : vector<16xi1>, vector<16xi32>
      %mul3A_231 = arith.constant 1024 : i32
      %mul3A_232 = vector.broadcast %mul3A_231 : i32 to vector<16xi32>
      %mul3A_233 = arith.muli %select_n3A, %mul3A_232 : vector<16xi32>
      %add3A_234 = vector.broadcast %mul3A_219 : i32 to vector<16xi32>
      %add3A_235 = arith.addi %mul3A_233, %add3A_234 : vector<16xi32>
      %add3A_236 = arith.addi %add3A_235, %add3A_225 : vector<16xi32>
      %add3A_237 = arith.constant 0 : i32
      %add3A_238 = arith.addi %mul3A_219, %add3A_237 : i32
      %swap3A = arith.index_cast %add3A_238 : i32 to index
      %swap3A_239 = tpu.vector_load %arg9[%swap3A] {strides = array<i32>} : memref<1024xi32, #tpu.memory_space<vmem>>, vector<16xi32>,
      tpu.vector_store %arg9[%swap3A], %add3A_236 {strides = array<i32>} : memref<1024xi32, #tpu.memory_space<vmem>>, vector<16xi32>,
      tpu.vector_store_idx %arg7[%select_n3A, %broadcast_in_dim3A_220, %add3A_225], %broadcast_in_dim3A_5 masked %ge3A_227 : memref<50x8x128xf32, #tpu.memory_space<vmem>>[vector<16xi32>, vector<16xi32>, vector<16xi32>], vector<16xf32>, vector<16xi1>
      %get3A_240 = arith.index_cast %scan3A_217 : i32 to index
      %get3A_241 = arith.constant 16 : index
      %get3A_242 = tpu.vector_load %arg4[%get3A_240, %get3A_241] {strides = array<i32>} : memref<16x128xf32, #tpu.memory_space<vmem>>, vector<16xf32>,
      %convert_element_type3A_243 = arith.fptosi %get3A_242 : vector<16xf32> to vector<16xi32>
      %add3A_244 = arith.constant 16 : i32
      %add3A_245 = vector.broadcast %add3A_244 : i32 to vector<16xi32>
      %add3A_246 = arith.addi %add3A_245, %iota3A : vector<16xi32>
      %ge3A_247 = arith.constant 50 : i32
      %ge3A_248 = vector.broadcast %ge3A_247 : i32 to vector<16xi32>
      %ge3A_249 = arith.cmpi sge, %convert_element_type3A_243, %ge3A_248 : vector<16xi32>
      %sub3A_250 = arith.constant 50 : i32
      %sub3A_251 = vector.broadcast %sub3A_250 : i32 to vector<16xi32>
      %sub3A_252 = arith.subi %convert_element_type3A_243, %sub3A_251 : vector<16xi32>
      %jit3A_253 = arith.constant 0 : i32
      %broadcast_in_dim3A_254 = vector.broadcast %jit3A_253 : i32 to vector<16xi32>
      %select_n3A_255 = arith.select %ge3A_249, %sub3A_252, %broadcast_in_dim3A_254 : vector<16xi1>, vector<16xi32>
      %mul3A_256 = arith.constant 1024 : i32
      %mul3A_257 = vector.broadcast %mul3A_256 : i32 to vector<16xi32>
      %mul3A_258 = arith.muli %select_n3A_255, %mul3A_257 : vector<16xi32>
      %add3A_259 = vector.broadcast %mul3A_219 : i32 to vector<16xi32>
      %add3A_260 = arith.addi %mul3A_258, %add3A_259 : vector<16xi32>
      %add3A_261 = arith.addi %add3A_260, %add3A_246 : vector<16xi32>
      %add3A_262 = arith.constant 16 : i32
      %add3A_263 = arith.addi %mul3A_219, %add3A_262 : i32
      %swap3A_264 = arith.index_cast %add3A_263 : i32 to index
      %swap3A_265 = tpu.vector_load %arg9[%swap3A_264] {strides = array<i32>} : memref<1024xi32, #tpu.memory_space<vmem>>, vector<16xi32>,
      tpu.vector_store %arg9[%swap3A_264], %add3A_261 {strides = array<i32>} : memref<1024xi32, #tpu.memory_space<vmem>>, vector<16xi32>,
      tpu.vector_store_idx %arg7[%select_n3A_255, %broadcast_in_dim3A_220, %add3A_246], %broadcast_in_dim3A_5 masked %ge3A_249 : memref<50x8x128xf32, #tpu.memory_space<vmem>>[vector<16xi32>, vector<16xi32>, vector<16xi32>], vector<16xf32>, vector<16xi1>
      %get3A_266 = arith.index_cast %scan3A_217 : i32 to index
      %get3A_267 = arith.constant 32 : index
      %get3A_268 = tpu.vector_load %arg4[%get3A_266, %get3A_267] {strides = array<i32>} : memref<16x128xf32, #tpu.memory_space<vmem>>, vector<16xf32>,
      %convert_element_type3A_269 = arith.fptosi %get3A_268 : vector<16xf32> to vector<16xi32>
      %add3A_270 = arith.constant 32 : i32
      %add3A_271 = vector.broadcast %add3A_270 : i32 to vector<16xi32>
      %add3A_272 = arith.addi %add3A_271, %iota3A : vector<16xi32>
      %ge3A_273 = arith.constant 50 : i32
      %ge3A_274 = vector.broadcast %ge3A_273 : i32 to vector<16xi32>
      %ge3A_275 = arith.cmpi sge, %convert_element_type3A_269, %ge3A_274 : vector<16xi32>
      %sub3A_276 = arith.constant 50 : i32
      %sub3A_277 = vector.broadcast %sub3A_276 : i32 to vector<16xi32>
      %sub3A_278 = arith.subi %convert_element_type3A_269, %sub3A_277 : vector<16xi32>
      %jit3A_279 = arith.constant 0 : i32
      %broadcast_in_dim3A_280 = vector.broadcast %jit3A_279 : i32 to vector<16xi32>
      %select_n3A_281 = arith.select %ge3A_275, %sub3A_278, %broadcast_in_dim3A_280 : vector<16xi1>, vector<16xi32>
      %mul3A_282 = arith.constant 1024 : i32
      %mul3A_283 = vector.broadcast %mul3A_282 : i32 to vector<16xi32>
      %mul3A_284 = arith.muli %select_n3A_281, %mul3A_283 : vector<16xi32>
      %add3A_285 = vector.broadcast %mul3A_219 : i32 to vector<16xi32>
      %add3A_286 = arith.addi %mul3A_284, %add3A_285 : vector<16xi32>
      %add3A_287 = arith.addi %add3A_286, %add3A_272 : vector<16xi32>
      %add3A_288 = arith.constant 32 : i32
      %add3A_289 = arith.addi %mul3A_219, %add3A_288 : i32
      %swap3A_290 = arith.index_cast %add3A_289 : i32 to index
      %swap3A_291 = tpu.vector_load %arg9[%swap3A_290] {strides = array<i32>} : memref<1024xi32, #tpu.memory_space<vmem>>, vector<16xi32>,
      tpu.vector_store %arg9[%swap3A_290], %add3A_287 {strides = array<i32>} : memref<1024xi32, #tpu.memory_space<vmem>>, vector<16xi32>,
      tpu.vector_store_idx %arg7[%select_n3A_281, %broadcast_in_dim3A_220, %add3A_272], %broadcast_in_dim3A_5 masked %ge3A_275 : memref<50x8x128xf32, #tpu.memory_space<vmem>>[vector<16xi32>, vector<16xi32>, vector<16xi32>], vector<16xf32>, vector<16xi1>
      %get3A_292 = arith.index_cast %scan3A_217 : i32 to index
      %get3A_293 = arith.constant 48 : index
      %get3A_294 = tpu.vector_load %arg4[%get3A_292, %get3A_293] {strides = array<i32>} : memref<16x128xf32, #tpu.memory_space<vmem>>, vector<16xf32>,
      %convert_element_type3A_295 = arith.fptosi %get3A_294 : vector<16xf32> to vector<16xi32>
      %add3A_296 = arith.constant 48 : i32
      %add3A_297 = vector.broadcast %add3A_296 : i32 to vector<16xi32>
      %add3A_298 = arith.addi %add3A_297, %iota3A : vector<16xi32>
      %ge3A_299 = arith.constant 50 : i32
      %ge3A_300 = vector.broadcast %ge3A_299 : i32 to vector<16xi32>
      %ge3A_301 = arith.cmpi sge, %convert_element_type3A_295, %ge3A_300 : vector<16xi32>
      %sub3A_302 = arith.constant 50 : i32
      %sub3A_303 = vector.broadcast %sub3A_302 : i32 to vector<16xi32>
      %sub3A_304 = arith.subi %convert_element_type3A_295, %sub3A_303 : vector<16xi32>
      %jit3A_305 = arith.constant 0 : i32
      %broadcast_in_dim3A_306 = vector.broadcast %jit3A_305 : i32 to vector<16xi32>
      %select_n3A_307 = arith.select %ge3A_301, %sub3A_304, %broadcast_in_dim3A_306 : vector<16xi1>, vector<16xi32>
      %mul3A_308 = arith.constant 1024 : i32
      %mul3A_309 = vector.broadcast %mul3A_308 : i32 to vector<16xi32>
      %mul3A_310 = arith.muli %select_n3A_307, %mul3A_309 : vector<16xi32>
      %add3A_311 = vector.broadcast %mul3A_219 : i32 to vector<16xi32>
      %add3A_312 = arith.addi %mul3A_310, %add3A_311 : vector<16xi32>
      %add3A_313 = arith.addi %add3A_312, %add3A_298 : vector<16xi32>
      %add3A_314 = arith.constant 48 : i32
      %add3A_315 = arith.addi %mul3A_219, %add3A_314 : i32
      %swap3A_316 = arith.index_cast %add3A_315 : i32 to index
      %swap3A_317 = tpu.vector_load %arg9[%swap3A_316] {strides = array<i32>} : memref<1024xi32, #tpu.memory_space<vmem>>, vector<16xi32>,
      tpu.vector_store %arg9[%swap3A_316], %add3A_313 {strides = array<i32>} : memref<1024xi32, #tpu.memory_space<vmem>>, vector<16xi32>,
      tpu.vector_store_idx %arg7[%select_n3A_307, %broadcast_in_dim3A_220, %add3A_298], %broadcast_in_dim3A_5 masked %ge3A_301 : memref<50x8x128xf32, #tpu.memory_space<vmem>>[vector<16xi32>, vector<16xi32>, vector<16xi32>], vector<16xf32>, vector<16xi1>
      %get3A_318 = arith.index_cast %scan3A_217 : i32 to index
      %get3A_319 = arith.constant 64 : index
      %get3A_320 = tpu.vector_load %arg4[%get3A_318, %get3A_319] {strides = array<i32>} : memref<16x128xf32, #tpu.memory_space<vmem>>, vector<16xf32>,
      %convert_element_type3A_321 = arith.fptosi %get3A_320 : vector<16xf32> to vector<16xi32>
      %add3A_322 = arith.constant 64 : i32
      %add3A_323 = vector.broadcast %add3A_322 : i32 to vector<16xi32>
      %add3A_324 = arith.addi %add3A_323, %iota3A : vector<16xi32>
      %ge3A_325 = arith.constant 50 : i32
      %ge3A_326 = vector.broadcast %ge3A_325 : i32 to vector<16xi32>
      %ge3A_327 = arith.cmpi sge, %convert_element_type3A_321, %ge3A_326 : vector<16xi32>
      %sub3A_328 = arith.constant 50 : i32
      %sub3A_329 = vector.broadcast %sub3A_328 : i32 to vector<16xi32>
      %sub3A_330 = arith.subi %convert_element_type3A_321, %sub3A_329 : vector<16xi32>
      %jit3A_331 = arith.constant 0 : i32
      %broadcast_in_dim3A_332 = vector.broadcast %jit3A_331 : i32 to vector<16xi32>
      %select_n3A_333 = arith.select %ge3A_327, %sub3A_330, %broadcast_in_dim3A_332 : vector<16xi1>, vector<16xi32>
      %mul3A_334 = arith.constant 1024 : i32
      %mul3A_335 = vector.broadcast %mul3A_334 : i32 to vector<16xi32>
      %mul3A_336 = arith.muli %select_n3A_333, %mul3A_335 : vector<16xi32>
      %add3A_337 = vector.broadcast %mul3A_219 : i32 to vector<16xi32>
      %add3A_338 = arith.addi %mul3A_336, %add3A_337 : vector<16xi32>
      %add3A_339 = arith.addi %add3A_338, %add3A_324 : vector<16xi32>
      %add3A_340 = arith.constant 64 : i32
      %add3A_341 = arith.addi %mul3A_219, %add3A_340 : i32
      %swap3A_342 = arith.index_cast %add3A_341 : i32 to index
      %swap3A_343 = tpu.vector_load %arg9[%swap3A_342] {strides = array<i32>} : memref<1024xi32, #tpu.memory_space<vmem>>, vector<16xi32>,
      tpu.vector_store %arg9[%swap3A_342], %add3A_339 {strides = array<i32>} : memref<1024xi32, #tpu.memory_space<vmem>>, vector<16xi32>,
      tpu.vector_store_idx %arg7[%select_n3A_333, %broadcast_in_dim3A_220, %add3A_324], %broadcast_in_dim3A_5 masked %ge3A_327 : memref<50x8x128xf32, #tpu.memory_space<vmem>>[vector<16xi32>, vector<16xi32>, vector<16xi32>], vector<16xf32>, vector<16xi1>
      %get3A_344 = arith.index_cast %scan3A_217 : i32 to index
      %get3A_345 = arith.constant 80 : index
      %get3A_346 = tpu.vector_load %arg4[%get3A_344, %get3A_345] {strides = array<i32>} : memref<16x128xf32, #tpu.memory_space<vmem>>, vector<16xf32>,
      %convert_element_type3A_347 = arith.fptosi %get3A_346 : vector<16xf32> to vector<16xi32>
      %add3A_348 = arith.constant 80 : i32
      %add3A_349 = vector.broadcast %add3A_348 : i32 to vector<16xi32>
      %add3A_350 = arith.addi %add3A_349, %iota3A : vector<16xi32>
      %ge3A_351 = arith.constant 50 : i32
      %ge3A_352 = vector.broadcast %ge3A_351 : i32 to vector<16xi32>
      %ge3A_353 = arith.cmpi sge, %convert_element_type3A_347, %ge3A_352 : vector<16xi32>
      %sub3A_354 = arith.constant 50 : i32
      %sub3A_355 = vector.broadcast %sub3A_354 : i32 to vector<16xi32>
      %sub3A_356 = arith.subi %convert_element_type3A_347, %sub3A_355 : vector<16xi32>
      %jit3A_357 = arith.constant 0 : i32
      %broadcast_in_dim3A_358 = vector.broadcast %jit3A_357 : i32 to vector<16xi32>
      %select_n3A_359 = arith.select %ge3A_353, %sub3A_356, %broadcast_in_dim3A_358 : vector<16xi1>, vector<16xi32>
      %mul3A_360 = arith.constant 1024 : i32
      %mul3A_361 = vector.broadcast %mul3A_360 : i32 to vector<16xi32>
      %mul3A_362 = arith.muli %select_n3A_359, %mul3A_361 : vector<16xi32>
      %add3A_363 = vector.broadcast %mul3A_219 : i32 to vector<16xi32>
      %add3A_364 = arith.addi %mul3A_362, %add3A_363 : vector<16xi32>
      %add3A_365 = arith.addi %add3A_364, %add3A_350 : vector<16xi32>
      %add3A_366 = arith.constant 80 : i32
      %add3A_367 = arith.addi %mul3A_219, %add3A_366 : i32
      %swap3A_368 = arith.index_cast %add3A_367 : i32 to index
      %swap3A_369 = tpu.vector_load %arg9[%swap3A_368] {strides = array<i32>} : memref<1024xi32, #tpu.memory_space<vmem>>, vector<16xi32>,
      tpu.vector_store %arg9[%swap3A_368], %add3A_365 {strides = array<i32>} : memref<1024xi32, #tpu.memory_space<vmem>>, vector<16xi32>,
      tpu.vector_store_idx %arg7[%select_n3A_359, %broadcast_in_dim3A_220, %add3A_350], %broadcast_in_dim3A_5 masked %ge3A_353 : memref<50x8x128xf32, #tpu.memory_space<vmem>>[vector<16xi32>, vector<16xi32>, vector<16xi32>], vector<16xf32>, vector<16xi1>
      %get3A_370 = arith.index_cast %scan3A_217 : i32 to index
      %get3A_371 = arith.constant 96 : index
      %get3A_372 = tpu.vector_load %arg4[%get3A_370, %get3A_371] {strides = array<i32>} : memref<16x128xf32, #tpu.memory_space<vmem>>, vector<16xf32>,
      %convert_element_type3A_373 = arith.fptosi %get3A_372 : vector<16xf32> to vector<16xi32>
      %add3A_374 = arith.constant 96 : i32
      %add3A_375 = vector.broadcast %add3A_374 : i32 to vector<16xi32>
      %add3A_376 = arith.addi %add3A_375, %iota3A : vector<16xi32>
      %ge3A_377 = arith.constant 50 : i32
      %ge3A_378 = vector.broadcast %ge3A_377 : i32 to vector<16xi32>
      %ge3A_379 = arith.cmpi sge, %convert_element_type3A_373, %ge3A_378 : vector<16xi32>
      %sub3A_380 = arith.constant 50 : i32
      %sub3A_381 = vector.broadcast %sub3A_380 : i32 to vector<16xi32>
      %sub3A_382 = arith.subi %convert_element_type3A_373, %sub3A_381 : vector<16xi32>
      %jit3A_383 = arith.constant 0 : i32
      %broadcast_in_dim3A_384 = vector.broadcast %jit3A_383 : i32 to vector<16xi32>
      %select_n3A_385 = arith.select %ge3A_379, %sub3A_382, %broadcast_in_dim3A_384 : vector<16xi1>, vector<16xi32>
      %mul3A_386 = arith.constant 1024 : i32
      %mul3A_387 = vector.broadcast %mul3A_386 : i32 to vector<16xi32>
      %mul3A_388 = arith.muli %select_n3A_385, %mul3A_387 : vector<16xi32>
      %add3A_389 = vector.broadcast %mul3A_219 : i32 to vector<16xi32>
      %add3A_390 = arith.addi %mul3A_388, %add3A_389 : vector<16xi32>
      %add3A_391 = arith.addi %add3A_390, %add3A_376 : vector<16xi32>
      %add3A_392 = arith.constant 96 : i32
      %add3A_393 = arith.addi %mul3A_219, %add3A_392 : i32
      %swap3A_394 = arith.index_cast %add3A_393 : i32 to index
      %swap3A_395 = tpu.vector_load %arg9[%swap3A_394] {strides = array<i32>} : memref<1024xi32, #tpu.memory_space<vmem>>, vector<16xi32>,
      tpu.vector_store %arg9[%swap3A_394], %add3A_391 {strides = array<i32>} : memref<1024xi32, #tpu.memory_space<vmem>>, vector<16xi32>,
      tpu.vector_store_idx %arg7[%select_n3A_385, %broadcast_in_dim3A_220, %add3A_376], %broadcast_in_dim3A_5 masked %ge3A_379 : memref<50x8x128xf32, #tpu.memory_space<vmem>>[vector<16xi32>, vector<16xi32>, vector<16xi32>], vector<16xf32>, vector<16xi1>
      %get3A_396 = arith.index_cast %scan3A_217 : i32 to index
      %get3A_397 = arith.constant 112 : index
      %get3A_398 = tpu.vector_load %arg4[%get3A_396, %get3A_397] {strides = array<i32>} : memref<16x128xf32, #tpu.memory_space<vmem>>, vector<16xf32>,
      %convert_element_type3A_399 = arith.fptosi %get3A_398 : vector<16xf32> to vector<16xi32>
      %add3A_400 = arith.constant 112 : i32
      %add3A_401 = vector.broadcast %add3A_400 : i32 to vector<16xi32>
      %add3A_402 = arith.addi %add3A_401, %iota3A : vector<16xi32>
      %ge3A_403 = arith.constant 50 : i32
      %ge3A_404 = vector.broadcast %ge3A_403 : i32 to vector<16xi32>
      %ge3A_405 = arith.cmpi sge, %convert_element_type3A_399, %ge3A_404 : vector<16xi32>
      %sub3A_406 = arith.constant 50 : i32
      %sub3A_407 = vector.broadcast %sub3A_406 : i32 to vector<16xi32>
      %sub3A_408 = arith.subi %convert_element_type3A_399, %sub3A_407 : vector<16xi32>
      %jit3A_409 = arith.constant 0 : i32
      %broadcast_in_dim3A_410 = vector.broadcast %jit3A_409 : i32 to vector<16xi32>
      %select_n3A_411 = arith.select %ge3A_405, %sub3A_408, %broadcast_in_dim3A_410 : vector<16xi1>, vector<16xi32>
      %mul3A_412 = arith.constant 1024 : i32
      %mul3A_413 = vector.broadcast %mul3A_412 : i32 to vector<16xi32>
      %mul3A_414 = arith.muli %select_n3A_411, %mul3A_413 : vector<16xi32>
      %add3A_415 = vector.broadcast %mul3A_219 : i32 to vector<16xi32>
      %add3A_416 = arith.addi %mul3A_414, %add3A_415 : vector<16xi32>
      %add3A_417 = arith.addi %add3A_416, %add3A_402 : vector<16xi32>
      %add3A_418 = arith.constant 112 : i32
      %add3A_419 = arith.addi %mul3A_219, %add3A_418 : i32
      %swap3A_420 = arith.index_cast %add3A_419 : i32 to index
      %swap3A_421 = tpu.vector_load %arg9[%swap3A_420] {strides = array<i32>} : memref<1024xi32, #tpu.memory_space<vmem>>, vector<16xi32>,
      tpu.vector_store %arg9[%swap3A_420], %add3A_417 {strides = array<i32>} : memref<1024xi32, #tpu.memory_space<vmem>>, vector<16xi32>,
      tpu.vector_store_idx %arg7[%select_n3A_411, %broadcast_in_dim3A_220, %add3A_402], %broadcast_in_dim3A_5 masked %ge3A_405 : memref<50x8x128xf32, #tpu.memory_space<vmem>>[vector<16xi32>, vector<16xi32>, vector<16xi32>], vector<16xf32>, vector<16xi1>
    }
    %scan3A_90 = arith.constant 8 : i32
    %dma_start3A_91 = arith.constant 0 : i32
    %dma_start3A_92 = arith.constant 0 : i32
    %dma_start3A_93 = arith.constant 0 : i32
    %dma_start3A_94 = tpu.memref_slice %arg7[%dma_start3A_91, %dma_start3A_92, %dma_start3A_93] : memref<50x8x128xf32, #tpu.memory_space<vmem>> -> memref<25x8x128xf32, #tpu.memory_space<vmem>>
    %dma_start3A_95 = arith.constant 50 : i32
    %dma_start3A_96 = arith.constant 0 : i32
    %dma_start3A_97 = tpu.memref_slice %arg3[%dma_start3A_95, %dma_start3A_96, %mul3A_2] : memref<100x200x4096xf32, #tpu.memory_space<hbm>> -> memref<25x8x128xf32, #tpu.memory_space<hbm>>
    %dma_start3A_98 = arith.constant 50 : i32
    %dma_start3A_99 = arith.constant 0 : i32
    %dma_start3A_100 = tpu.memref_slice %arg3[%dma_start3A_98, %dma_start3A_99, %mul3A_2] : memref<100x200x4096xf32, #tpu.memory_space<hbm>> -> memref<25x8x128xf32, #tpu.memory_space<hbm>>
    %dma_start3A_101 = arith.constant 0 : i32
    %dma_start3A_102 = arith.constant 0 : i32
    %dma_start3A_103 = arith.constant 0 : i32
    %dma_start3A_104 = tpu.memref_slice %arg7[%dma_start3A_101, %dma_start3A_102, %dma_start3A_103] : memref<50x8x128xf32, #tpu.memory_space<vmem>> -> memref<25x8x128xf32, #tpu.memory_space<vmem>>
    tpu.enqueue_dma source(%dma_start3A_104 : memref<25x8x128xf32, #tpu.memory_space<vmem>>) target(%dma_start3A_100 : memref<25x8x128xf32, #tpu.memory_space<hbm>>) target_semaphore(%arg13 : memref<!tpu.dma_semaphore, #tpu.memory_space<semaphore_mem>>)
    %dma_start3A_105 = arith.constant 25 : i32
    %dma_start3A_106 = arith.constant 0 : i32
    %dma_start3A_107 = arith.constant 0 : i32
    %dma_start3A_108 = tpu.memref_slice %arg7[%dma_start3A_105, %dma_start3A_106, %dma_start3A_107] : memref<50x8x128xf32, #tpu.memory_space<vmem>> -> memref<25x8x128xf32, #tpu.memory_space<vmem>>
    %dma_start3A_109 = arith.constant 75 : i32
    %dma_start3A_110 = arith.constant 0 : i32
    %dma_start3A_111 = tpu.memref_slice %arg3[%dma_start3A_109, %dma_start3A_110, %mul3A_2] : memref<100x200x4096xf32, #tpu.memory_space<hbm>> -> memref<25x8x128xf32, #tpu.memory_space<hbm>>
    %dma_start3A_112 = arith.constant 75 : i32
    %dma_start3A_113 = arith.constant 0 : i32
    %dma_start3A_114 = tpu.memref_slice %arg3[%dma_start3A_112, %dma_start3A_113, %mul3A_2] : memref<100x200x4096xf32, #tpu.memory_space<hbm>> -> memref<25x8x128xf32, #tpu.memory_space<hbm>>
    %dma_start3A_115 = arith.constant 25 : i32
    %dma_start3A_116 = arith.constant 0 : i32
    %dma_start3A_117 = arith.constant 0 : i32
    %dma_start3A_118 = tpu.memref_slice %arg7[%dma_start3A_115, %dma_start3A_116, %dma_start3A_117] : memref<50x8x128xf32, #tpu.memory_space<vmem>> -> memref<25x8x128xf32, #tpu.memory_space<vmem>>
    tpu.enqueue_dma source(%dma_start3A_118 : memref<25x8x128xf32, #tpu.memory_space<vmem>>) target(%dma_start3A_114 : memref<25x8x128xf32, #tpu.memory_space<hbm>>) target_semaphore(%arg13 : memref<!tpu.dma_semaphore, #tpu.memory_space<semaphore_mem>>)
    %min3A_119 = arith.constant 2 : i32
    %min3A_120 = arith.constant 24 : i32
    %min3A_121 = arith.minsi %min3A_119, %min3A_120 : i32
    %mul3A_122 = arith.constant 8 : i32
    %mul3A_123 = arith.muli %min3A_121, %mul3A_122 : i32
    %min3A_124 = arith.constant 7 : i32
    %min3A_125 = vector.broadcast %min3A_124 : i32 to vector<16xi32>
    %min3A_126 = arith.minsi %iota3A, %min3A_125 : vector<16xi32>
    %add3A_127 = vector.broadcast %mul3A_123 : i32 to vector<16xi32>
    %add3A_128 = arith.addi %add3A_127, %min3A_126 : vector<16xi32>
    %mul3A_129 = arith.constant 512 : i32
    %mul3A_130 = vector.broadcast %mul3A_129 : i32 to vector<16xi32>
    %mul3A_131 = arith.muli %add3A_128, %mul3A_130 : vector<16xi32>
    %mul3A_132 = arith.constant 8 : i32
    %mul3A_133 = arith.muli %mul3A_132, %add3A : i32
    %add3A_134 = vector.broadcast %mul3A_133 : i32 to vector<16xi32>
    %add3A_135 = arith.addi %mul3A_131, %add3A_134 : vector<16xi32>
    %add3A_136 = arith.constant 263 : i32
    %add3A_137 = vector.broadcast %add3A_136 : i32 to vector<16xi32>
    %add3A_138 = arith.addi %add3A_135, %add3A_137 : vector<16xi32>
    %dma_start3A_139 = arith.constant 0 : i32
    %dma_start3A_140 = arith.constant 0 : i32
    %dma_start3A_141 = tpu.memref_slice %arg2[%dma_start3A_139, %dma_start3A_140] : memref<102400x128xf32, #tpu.memory_space<hbm>> -> memref<102400x128xf32, #tpu.memory_space<hbm>>
    tpu.enqueue_indirect_dma source(%dma_start3A_141 : memref<102400x128xf32, #tpu.memory_space<hbm>>) target(%arg4 : memref<16x128xf32, #tpu.memory_space<vmem>>) offsets(%add3A_138 : vector<16xi32>) semaphore(%arg10 : memref<!tpu.dma_semaphore, #tpu.memory_space<semaphore_mem>>)
    %scan3A_142 = arith.constant 0 : i32
    %scan3A_143 = arith.constant 12 : i32
    %scan3A_144 = arith.addi %scan3A_142, %scan3A_143 : i32
    %scan3A_145 = arith.constant 1 : i32
    scf.for %scan3A_217 = %scan3A_142 to %scan3A_144 step %scan3A_145  : i32 {
      %mul3A_218 = arith.constant 2 : i32
      %mul3A_219 = arith.muli %mul3A_218, %scan3A_217 : i32
      %add3A_220 = arith.constant 1 : i32
      %add3A_221 = arith.addi %mul3A_219, %add3A_220 : i32
      %dma_wait3A_222 = arith.constant 0 : i32
      %dma_wait3A_223 = arith.constant 0 : i32
      %dma_wait3A_224 = tpu.memref_slice %arg2[%dma_wait3A_222, %dma_wait3A_223] : memref<102400x128xf32, #tpu.memory_space<hbm>> -> memref<102400x128xf32, #tpu.memory_space<hbm>>
      tpu.wait_indirect_dma semaphore(%arg11 : memref<!tpu.dma_semaphore, #tpu.memory_space<semaphore_mem>>) src(%dma_wait3A_224 : memref<102400x128xf32, #tpu.memory_space<hbm>>) dst(%arg5 : memref<16x128xf32, #tpu.memory_space<vmem>>)
      %dma_wait3A_225 = arith.constant 0 : i32
      %dma_wait3A_226 = arith.constant 0 : i32
      %dma_wait3A_227 = arith.constant 0 : i32
      %dma_wait3A_228 = tpu.memref_slice %arg6[%dma_wait3A_225, %dma_wait3A_226, %dma_wait3A_227] : memref<50x8x128xf32, #tpu.memory_space<vmem>> -> memref<25x8x128xf32, #tpu.memory_space<vmem>>
      %dma_wait3A_229 = arith.constant 0 : i32
      %dma_wait3A_230 = arith.constant 0 : i32
      %dma_wait3A_231 = arith.constant 0 : i32
      %dma_wait3A_232 = tpu.memref_slice %arg3[%dma_wait3A_229, %dma_wait3A_230, %dma_wait3A_231] : memref<100x200x4096xf32, #tpu.memory_space<hbm>> -> memref<25x8x128xf32, #tpu.memory_space<hbm>>
      %dma_wait3A_233 = arith.constant 0 : i32
      %dma_wait3A_234 = arith.constant 0 : i32
      %dma_wait3A_235 = arith.constant 0 : i32
      %dma_wait3A_236 = tpu.memref_slice %arg3[%dma_wait3A_233, %dma_wait3A_234, %dma_wait3A_235] : memref<100x200x4096xf32, #tpu.memory_space<hbm>> -> memref<25x8x128xf32, #tpu.memory_space<hbm>>
      %dma_wait3A_237 = arith.constant 0 : i32
      %dma_wait3A_238 = arith.constant 0 : i32
      %dma_wait3A_239 = arith.constant 0 : i32
      %dma_wait3A_240 = tpu.memref_slice %arg6[%dma_wait3A_237, %dma_wait3A_238, %dma_wait3A_239] : memref<50x8x128xf32, #tpu.memory_space<vmem>> -> memref<25x8x128xf32, #tpu.memory_space<vmem>>
      tpu.wait_dma2 semaphore(%arg12 : memref<!tpu.dma_semaphore, #tpu.memory_space<semaphore_mem>>) src(%dma_wait3A_240 : memref<25x8x128xf32, #tpu.memory_space<vmem>>) dst(%dma_wait3A_236 : memref<25x8x128xf32, #tpu.memory_space<hbm>>)
      %dma_wait3A_241 = arith.constant 0 : i32
      %dma_wait3A_242 = arith.constant 0 : i32
      %dma_wait3A_243 = arith.constant 0 : i32
      %dma_wait3A_244 = tpu.memref_slice %arg6[%dma_wait3A_241, %dma_wait3A_242, %dma_wait3A_243] : memref<50x8x128xf32, #tpu.memory_space<vmem>> -> memref<25x8x128xf32, #tpu.memory_space<vmem>>
      %dma_wait3A_245 = arith.constant 0 : i32
      %dma_wait3A_246 = arith.constant 0 : i32
      %dma_wait3A_247 = arith.constant 0 : i32
      %dma_wait3A_248 = tpu.memref_slice %arg3[%dma_wait3A_245, %dma_wait3A_246, %dma_wait3A_247] : memref<100x200x4096xf32, #tpu.memory_space<hbm>> -> memref<25x8x128xf32, #tpu.memory_space<hbm>>
      %dma_wait3A_249 = arith.constant 0 : i32
      %dma_wait3A_250 = arith.constant 0 : i32
      %dma_wait3A_251 = arith.constant 0 : i32
      %dma_wait3A_252 = tpu.memref_slice %arg3[%dma_wait3A_249, %dma_wait3A_250, %dma_wait3A_251] : memref<100x200x4096xf32, #tpu.memory_space<hbm>> -> memref<25x8x128xf32, #tpu.memory_space<hbm>>
      %dma_wait3A_253 = arith.constant 0 : i32
      %dma_wait3A_254 = arith.constant 0 : i32
      %dma_wait3A_255 = arith.constant 0 : i32
      %dma_wait3A_256 = tpu.memref_slice %arg6[%dma_wait3A_253, %dma_wait3A_254, %dma_wait3A_255] : memref<50x8x128xf32, #tpu.memory_space<vmem>> -> memref<25x8x128xf32, #tpu.memory_space<vmem>>
      tpu.wait_dma2 semaphore(%arg12 : memref<!tpu.dma_semaphore, #tpu.memory_space<semaphore_mem>>) src(%dma_wait3A_256 : memref<25x8x128xf32, #tpu.memory_space<vmem>>) dst(%dma_wait3A_252 : memref<25x8x128xf32, #tpu.memory_space<hbm>>)
      %scan3A_257 = arith.constant 0 : i32
      %scan3A_258 = arith.constant 64 : i32
      %scan3A_259 = arith.addi %scan3A_257, %scan3A_258 : i32
      %scan3A_260 = arith.constant 1 : i32
      scf.for %scan3A_560 = %scan3A_257 to %scan3A_259 step %scan3A_260  : i32 {
        %mul3A_561 = arith.constant 16 : i32
        %mul3A_562 = arith.muli %scan3A_560, %mul3A_561 : i32
        %get3A = arith.index_cast %mul3A_562 : i32 to index
        %get3A_563 = tpu.vector_load %arg8[%get3A] {strides = array<i32>} : memref<1024xi32, #tpu.memory_space<vmem>>, vector<16xi32>,
        %shift_right_logical3A = arith.constant 10 : i32
        %shift_right_logical3A_564 = vector.broadcast %shift_right_logical3A : i32 to vector<16xi32>
        %shift_right_logical3A_565 = arith.shrui %get3A_563, %shift_right_logical3A_564 : vector<16xi32>
        %shift_right_logical3A_566 = arith.constant 7 : i32
        %shift_right_logical3A_567 = vector.broadcast %shift_right_logical3A_566 : i32 to vector<16xi32>
        %shift_right_logical3A_568 = arith.shrui %get3A_563, %shift_right_logical3A_567 : vector<16xi32>
        %and3A = arith.constant 7 : i32
        %and3A_569 = vector.broadcast %and3A : i32 to vector<16xi32>
        %and3A_570 = arith.andi %shift_right_logical3A_568, %and3A_569 : vector<16xi32>
        %and3A_571 = arith.constant 127 : i32
        %and3A_572 = vector.broadcast %and3A_571 : i32 to vector<16xi32>
        %and3A_573 = arith.andi %get3A_563, %and3A_572 : vector<16xi32>
        tpu.vector_store_idx %arg6[%shift_right_logical3A_565, %and3A_570, %and3A_573], %broadcast_in_dim3A_3 : memref<50x8x128xf32, #tpu.memory_space<vmem>>[vector<16xi32>, vector<16xi32>, vector<16xi32>], vector<16xf32>,
      }
      %scan3A_261 = arith.constant 64 : i32
      %scan3A_262 = arith.constant 0 : i32
      %scan3A_263 = arith.constant 8 : i32
      %scan3A_264 = arith.addi %scan3A_262, %scan3A_263 : i32
      %scan3A_265 = arith.constant 1 : i32
      scf.for %scan3A_560 = %scan3A_262 to %scan3A_264 step %scan3A_265  : i32 {
        %mul3A_561 = arith.constant 128 : i32
        %mul3A_562 = arith.muli %scan3A_560, %mul3A_561 : i32
        %broadcast_in_dim3A_563 = vector.broadcast %scan3A_560 : i32 to vector<16xi32>
        %get3A = arith.index_cast %scan3A_560 : i32 to index
        %get3A_564 = arith.constant 0 : index
        %get3A_565 = tpu.vector_load %arg5[%get3A, %get3A_564] {strides = array<i32>} : memref<16x128xf32, #tpu.memory_space<vmem>>, vector<16xf32>,
        %convert_element_type3A = arith.fptosi %get3A_565 : vector<16xf32> to vector<16xi32>
        %add3A_566 = arith.constant 0 : i32
        %add3A_567 = vector.broadcast %add3A_566 : i32 to vector<16xi32>
        %add3A_568 = arith.addi %add3A_567, %iota3A : vector<16xi32>
        %lt3A = arith.constant 50 : i32
        %lt3A_569 = vector.broadcast %lt3A : i32 to vector<16xi32>
        %lt3A_570 = arith.cmpi slt, %convert_element_type3A, %lt3A_569 : vector<16xi32>
        %jit3A = arith.constant 0 : i32
        %broadcast_in_dim3A_571 = vector.broadcast %jit3A : i32 to vector<16xi32>
        %select_n3A = arith.select %lt3A_570, %convert_element_type3A, %broadcast_in_dim3A_571 : vector<16xi1>, vector<16xi32>
        %mul3A_572 = arith.constant 1024 : i32
        %mul3A_573 = vector.broadcast %mul3A_572 : i32 to vector<16xi32>
        %mul3A_574 = arith.muli %select_n3A, %mul3A_573 : vector<16xi32>
        %add3A_575 = vector.broadcast %mul3A_562 : i32 to vector<16xi32>
        %add3A_576 = arith.addi %mul3A_574, %add3A_575 : vector<16xi32>
        %add3A_577 = arith.addi %add3A_576, %add3A_568 : vector<16xi32>
        %add3A_578 = arith.constant 0 : i32
        %add3A_579 = arith.addi %mul3A_562, %add3A_578 : i32
        %swap3A = arith.index_cast %add3A_579 : i32 to index
        %swap3A_580 = tpu.vector_load %arg8[%swap3A] {strides = array<i32>} : memref<1024xi32, #tpu.memory_space<vmem>>, vector<16xi32>,
        tpu.vector_store %arg8[%swap3A], %add3A_577 {strides = array<i32>} : memref<1024xi32, #tpu.memory_space<vmem>>, vector<16xi32>,
        tpu.vector_store_idx %arg6[%select_n3A, %broadcast_in_dim3A_563, %add3A_568], %broadcast_in_dim3A_5 masked %lt3A_570 : memref<50x8x128xf32, #tpu.memory_space<vmem>>[vector<16xi32>, vector<16xi32>, vector<16xi32>], vector<16xf32>, vector<16xi1>
        %get3A_581 = arith.index_cast %scan3A_560 : i32 to index
        %get3A_582 = arith.constant 16 : index
        %get3A_583 = tpu.vector_load %arg5[%get3A_581, %get3A_582] {strides = array<i32>} : memref<16x128xf32, #tpu.memory_space<vmem>>, vector<16xf32>,
        %convert_element_type3A_584 = arith.fptosi %get3A_583 : vector<16xf32> to vector<16xi32>
        %add3A_585 = arith.constant 16 : i32
        %add3A_586 = vector.broadcast %add3A_585 : i32 to vector<16xi32>
        %add3A_587 = arith.addi %add3A_586, %iota3A : vector<16xi32>
        %lt3A_588 = arith.constant 50 : i32
        %lt3A_589 = vector.broadcast %lt3A_588 : i32 to vector<16xi32>
        %lt3A_590 = arith.cmpi slt, %convert_element_type3A_584, %lt3A_589 : vector<16xi32>
        %jit3A_591 = arith.constant 0 : i32
        %broadcast_in_dim3A_592 = vector.broadcast %jit3A_591 : i32 to vector<16xi32>
        %select_n3A_593 = arith.select %lt3A_590, %convert_element_type3A_584, %broadcast_in_dim3A_592 : vector<16xi1>, vector<16xi32>
        %mul3A_594 = arith.constant 1024 : i32
        %mul3A_595 = vector.broadcast %mul3A_594 : i32 to vector<16xi32>
        %mul3A_596 = arith.muli %select_n3A_593, %mul3A_595 : vector<16xi32>
        %add3A_597 = vector.broadcast %mul3A_562 : i32 to vector<16xi32>
        %add3A_598 = arith.addi %mul3A_596, %add3A_597 : vector<16xi32>
        %add3A_599 = arith.addi %add3A_598, %add3A_587 : vector<16xi32>
        %add3A_600 = arith.constant 16 : i32
        %add3A_601 = arith.addi %mul3A_562, %add3A_600 : i32
        %swap3A_602 = arith.index_cast %add3A_601 : i32 to index
        %swap3A_603 = tpu.vector_load %arg8[%swap3A_602] {strides = array<i32>} : memref<1024xi32, #tpu.memory_space<vmem>>, vector<16xi32>,
        tpu.vector_store %arg8[%swap3A_602], %add3A_599 {strides = array<i32>} : memref<1024xi32, #tpu.memory_space<vmem>>, vector<16xi32>,
        tpu.vector_store_idx %arg6[%select_n3A_593, %broadcast_in_dim3A_563, %add3A_587], %broadcast_in_dim3A_5 masked %lt3A_590 : memref<50x8x128xf32, #tpu.memory_space<vmem>>[vector<16xi32>, vector<16xi32>, vector<16xi32>], vector<16xf32>, vector<16xi1>
        %get3A_604 = arith.index_cast %scan3A_560 : i32 to index
        %get3A_605 = arith.constant 32 : index
        %get3A_606 = tpu.vector_load %arg5[%get3A_604, %get3A_605] {strides = array<i32>} : memref<16x128xf32, #tpu.memory_space<vmem>>, vector<16xf32>,
        %convert_element_type3A_607 = arith.fptosi %get3A_606 : vector<16xf32> to vector<16xi32>
        %add3A_608 = arith.constant 32 : i32
        %add3A_609 = vector.broadcast %add3A_608 : i32 to vector<16xi32>
        %add3A_610 = arith.addi %add3A_609, %iota3A : vector<16xi32>
        %lt3A_611 = arith.constant 50 : i32
        %lt3A_612 = vector.broadcast %lt3A_611 : i32 to vector<16xi32>
        %lt3A_613 = arith.cmpi slt, %convert_element_type3A_607, %lt3A_612 : vector<16xi32>
        %jit3A_614 = arith.constant 0 : i32
        %broadcast_in_dim3A_615 = vector.broadcast %jit3A_614 : i32 to vector<16xi32>
        %select_n3A_616 = arith.select %lt3A_613, %convert_element_type3A_607, %broadcast_in_dim3A_615 : vector<16xi1>, vector<16xi32>
        %mul3A_617 = arith.constant 1024 : i32
        %mul3A_618 = vector.broadcast %mul3A_617 : i32 to vector<16xi32>
        %mul3A_619 = arith.muli %select_n3A_616, %mul3A_618 : vector<16xi32>
        %add3A_620 = vector.broadcast %mul3A_562 : i32 to vector<16xi32>
        %add3A_621 = arith.addi %mul3A_619, %add3A_620 : vector<16xi32>
        %add3A_622 = arith.addi %add3A_621, %add3A_610 : vector<16xi32>
        %add3A_623 = arith.constant 32 : i32
        %add3A_624 = arith.addi %mul3A_562, %add3A_623 : i32
        %swap3A_625 = arith.index_cast %add3A_624 : i32 to index
        %swap3A_626 = tpu.vector_load %arg8[%swap3A_625] {strides = array<i32>} : memref<1024xi32, #tpu.memory_space<vmem>>, vector<16xi32>,
        tpu.vector_store %arg8[%swap3A_625], %add3A_622 {strides = array<i32>} : memref<1024xi32, #tpu.memory_space<vmem>>, vector<16xi32>,
        tpu.vector_store_idx %arg6[%select_n3A_616, %broadcast_in_dim3A_563, %add3A_610], %broadcast_in_dim3A_5 masked %lt3A_613 : memref<50x8x128xf32, #tpu.memory_space<vmem>>[vector<16xi32>, vector<16xi32>, vector<16xi32>], vector<16xf32>, vector<16xi1>
        %get3A_627 = arith.index_cast %scan3A_560 : i32 to index
        %get3A_628 = arith.constant 48 : index
        %get3A_629 = tpu.vector_load %arg5[%get3A_627, %get3A_628] {strides = array<i32>} : memref<16x128xf32, #tpu.memory_space<vmem>>, vector<16xf32>,
        %convert_element_type3A_630 = arith.fptosi %get3A_629 : vector<16xf32> to vector<16xi32>
        %add3A_631 = arith.constant 48 : i32
        %add3A_632 = vector.broadcast %add3A_631 : i32 to vector<16xi32>
        %add3A_633 = arith.addi %add3A_632, %iota3A : vector<16xi32>
        %lt3A_634 = arith.constant 50 : i32
        %lt3A_635 = vector.broadcast %lt3A_634 : i32 to vector<16xi32>
        %lt3A_636 = arith.cmpi slt, %convert_element_type3A_630, %lt3A_635 : vector<16xi32>
        %jit3A_637 = arith.constant 0 : i32
        %broadcast_in_dim3A_638 = vector.broadcast %jit3A_637 : i32 to vector<16xi32>
        %select_n3A_639 = arith.select %lt3A_636, %convert_element_type3A_630, %broadcast_in_dim3A_638 : vector<16xi1>, vector<16xi32>
        %mul3A_640 = arith.constant 1024 : i32
        %mul3A_641 = vector.broadcast %mul3A_640 : i32 to vector<16xi32>
        %mul3A_642 = arith.muli %select_n3A_639, %mul3A_641 : vector<16xi32>
        %add3A_643 = vector.broadcast %mul3A_562 : i32 to vector<16xi32>
        %add3A_644 = arith.addi %mul3A_642, %add3A_643 : vector<16xi32>
        %add3A_645 = arith.addi %add3A_644, %add3A_633 : vector<16xi32>
        %add3A_646 = arith.constant 48 : i32
        %add3A_647 = arith.addi %mul3A_562, %add3A_646 : i32
        %swap3A_648 = arith.index_cast %add3A_647 : i32 to index
        %swap3A_649 = tpu.vector_load %arg8[%swap3A_648] {strides = array<i32>} : memref<1024xi32, #tpu.memory_space<vmem>>, vector<16xi32>,
        tpu.vector_store %arg8[%swap3A_648], %add3A_645 {strides = array<i32>} : memref<1024xi32, #tpu.memory_space<vmem>>, vector<16xi32>,
        tpu.vector_store_idx %arg6[%select_n3A_639, %broadcast_in_dim3A_563, %add3A_633], %broadcast_in_dim3A_5 masked %lt3A_636 : memref<50x8x128xf32, #tpu.memory_space<vmem>>[vector<16xi32>, vector<16xi32>, vector<16xi32>], vector<16xf32>, vector<16xi1>
        %get3A_650 = arith.index_cast %scan3A_560 : i32 to index
        %get3A_651 = arith.constant 64 : index
        %get3A_652 = tpu.vector_load %arg5[%get3A_650, %get3A_651] {strides = array<i32>} : memref<16x128xf32, #tpu.memory_space<vmem>>, vector<16xf32>,
        %convert_element_type3A_653 = arith.fptosi %get3A_652 : vector<16xf32> to vector<16xi32>
        %add3A_654 = arith.constant 64 : i32
        %add3A_655 = vector.broadcast %add3A_654 : i32 to vector<16xi32>
        %add3A_656 = arith.addi %add3A_655, %iota3A : vector<16xi32>
        %lt3A_657 = arith.constant 50 : i32
        %lt3A_658 = vector.broadcast %lt3A_657 : i32 to vector<16xi32>
        %lt3A_659 = arith.cmpi slt, %convert_element_type3A_653, %lt3A_658 : vector<16xi32>
        %jit3A_660 = arith.constant 0 : i32
        %broadcast_in_dim3A_661 = vector.broadcast %jit3A_660 : i32 to vector<16xi32>
        %select_n3A_662 = arith.select %lt3A_659, %convert_element_type3A_653, %broadcast_in_dim3A_661 : vector<16xi1>, vector<16xi32>
        %mul3A_663 = arith.constant 1024 : i32
        %mul3A_664 = vector.broadcast %mul3A_663 : i32 to vector<16xi32>
        %mul3A_665 = arith.muli %select_n3A_662, %mul3A_664 : vector<16xi32>
        %add3A_666 = vector.broadcast %mul3A_562 : i32 to vector<16xi32>
        %add3A_667 = arith.addi %mul3A_665, %add3A_666 : vector<16xi32>
        %add3A_668 = arith.addi %add3A_667, %add3A_656 : vector<16xi32>
        %add3A_669 = arith.constant 64 : i32
        %add3A_670 = arith.addi %mul3A_562, %add3A_669 : i32
        %swap3A_671 = arith.index_cast %add3A_670 : i32 to index
        %swap3A_672 = tpu.vector_load %arg8[%swap3A_671] {strides = array<i32>} : memref<1024xi32, #tpu.memory_space<vmem>>, vector<16xi32>,
        tpu.vector_store %arg8[%swap3A_671], %add3A_668 {strides = array<i32>} : memref<1024xi32, #tpu.memory_space<vmem>>, vector<16xi32>,
        tpu.vector_store_idx %arg6[%select_n3A_662, %broadcast_in_dim3A_563, %add3A_656], %broadcast_in_dim3A_5 masked %lt3A_659 : memref<50x8x128xf32, #tpu.memory_space<vmem>>[vector<16xi32>, vector<16xi32>, vector<16xi32>], vector<16xf32>, vector<16xi1>
        %get3A_673 = arith.index_cast %scan3A_560 : i32 to index
        %get3A_674 = arith.constant 80 : index
        %get3A_675 = tpu.vector_load %arg5[%get3A_673, %get3A_674] {strides = array<i32>} : memref<16x128xf32, #tpu.memory_space<vmem>>, vector<16xf32>,
        %convert_element_type3A_676 = arith.fptosi %get3A_675 : vector<16xf32> to vector<16xi32>
        %add3A_677 = arith.constant 80 : i32
        %add3A_678 = vector.broadcast %add3A_677 : i32 to vector<16xi32>
        %add3A_679 = arith.addi %add3A_678, %iota3A : vector<16xi32>
        %lt3A_680 = arith.constant 50 : i32
        %lt3A_681 = vector.broadcast %lt3A_680 : i32 to vector<16xi32>
        %lt3A_682 = arith.cmpi slt, %convert_element_type3A_676, %lt3A_681 : vector<16xi32>
        %jit3A_683 = arith.constant 0 : i32
        %broadcast_in_dim3A_684 = vector.broadcast %jit3A_683 : i32 to vector<16xi32>
        %select_n3A_685 = arith.select %lt3A_682, %convert_element_type3A_676, %broadcast_in_dim3A_684 : vector<16xi1>, vector<16xi32>
        %mul3A_686 = arith.constant 1024 : i32
        %mul3A_687 = vector.broadcast %mul3A_686 : i32 to vector<16xi32>
        %mul3A_688 = arith.muli %select_n3A_685, %mul3A_687 : vector<16xi32>
        %add3A_689 = vector.broadcast %mul3A_562 : i32 to vector<16xi32>
        %add3A_690 = arith.addi %mul3A_688, %add3A_689 : vector<16xi32>
        %add3A_691 = arith.addi %add3A_690, %add3A_679 : vector<16xi32>
        %add3A_692 = arith.constant 80 : i32
        %add3A_693 = arith.addi %mul3A_562, %add3A_692 : i32
        %swap3A_694 = arith.index_cast %add3A_693 : i32 to index
        %swap3A_695 = tpu.vector_load %arg8[%swap3A_694] {strides = array<i32>} : memref<1024xi32, #tpu.memory_space<vmem>>, vector<16xi32>,
        tpu.vector_store %arg8[%swap3A_694], %add3A_691 {strides = array<i32>} : memref<1024xi32, #tpu.memory_space<vmem>>, vector<16xi32>,
        tpu.vector_store_idx %arg6[%select_n3A_685, %broadcast_in_dim3A_563, %add3A_679], %broadcast_in_dim3A_5 masked %lt3A_682 : memref<50x8x128xf32, #tpu.memory_space<vmem>>[vector<16xi32>, vector<16xi32>, vector<16xi32>], vector<16xf32>, vector<16xi1>
        %get3A_696 = arith.index_cast %scan3A_560 : i32 to index
        %get3A_697 = arith.constant 96 : index
        %get3A_698 = tpu.vector_load %arg5[%get3A_696, %get3A_697] {strides = array<i32>} : memref<16x128xf32, #tpu.memory_space<vmem>>, vector<16xf32>,
        %convert_element_type3A_699 = arith.fptosi %get3A_698 : vector<16xf32> to vector<16xi32>
        %add3A_700 = arith.constant 96 : i32
        %add3A_701 = vector.broadcast %add3A_700 : i32 to vector<16xi32>
        %add3A_702 = arith.addi %add3A_701, %iota3A : vector<16xi32>
        %lt3A_703 = arith.constant 50 : i32
        %lt3A_704 = vector.broadcast %lt3A_703 : i32 to vector<16xi32>
        %lt3A_705 = arith.cmpi slt, %convert_element_type3A_699, %lt3A_704 : vector<16xi32>
        %jit3A_706 = arith.constant 0 : i32
        %broadcast_in_dim3A_707 = vector.broadcast %jit3A_706 : i32 to vector<16xi32>
        %select_n3A_708 = arith.select %lt3A_705, %convert_element_type3A_699, %broadcast_in_dim3A_707 : vector<16xi1>, vector<16xi32>
        %mul3A_709 = arith.constant 1024 : i32
        %mul3A_710 = vector.broadcast %mul3A_709 : i32 to vector<16xi32>
        %mul3A_711 = arith.muli %select_n3A_708, %mul3A_710 : vector<16xi32>
        %add3A_712 = vector.broadcast %mul3A_562 : i32 to vector<16xi32>
        %add3A_713 = arith.addi %mul3A_711, %add3A_712 : vector<16xi32>
        %add3A_714 = arith.addi %add3A_713, %add3A_702 : vector<16xi32>
        %add3A_715 = arith.constant 96 : i32
        %add3A_716 = arith.addi %mul3A_562, %add3A_715 : i32
        %swap3A_717 = arith.index_cast %add3A_716 : i32 to index
        %swap3A_718 = tpu.vector_load %arg8[%swap3A_717] {strides = array<i32>} : memref<1024xi32, #tpu.memory_space<vmem>>, vector<16xi32>,
        tpu.vector_store %arg8[%swap3A_717], %add3A_714 {strides = array<i32>} : memref<1024xi32, #tpu.memory_space<vmem>>, vector<16xi32>,
        tpu.vector_store_idx %arg6[%select_n3A_708, %broadcast_in_dim3A_563, %add3A_702], %broadcast_in_dim3A_5 masked %lt3A_705 : memref<50x8x128xf32, #tpu.memory_space<vmem>>[vector<16xi32>, vector<16xi32>, vector<16xi32>], vector<16xf32>, vector<16xi1>
        %get3A_719 = arith.index_cast %scan3A_560 : i32 to index
        %get3A_720 = arith.constant 112 : index
        %get3A_721 = tpu.vector_load %arg5[%get3A_719, %get3A_720] {strides = array<i32>} : memref<16x128xf32, #tpu.memory_space<vmem>>, vector<16xf32>,
        %convert_element_type3A_722 = arith.fptosi %get3A_721 : vector<16xf32> to vector<16xi32>
        %add3A_723 = arith.constant 112 : i32
        %add3A_724 = vector.broadcast %add3A_723 : i32 to vector<16xi32>
        %add3A_725 = arith.addi %add3A_724, %iota3A : vector<16xi32>
        %lt3A_726 = arith.constant 50 : i32
        %lt3A_727 = vector.broadcast %lt3A_726 : i32 to vector<16xi32>
        %lt3A_728 = arith.cmpi slt, %convert_element_type3A_722, %lt3A_727 : vector<16xi32>
        %jit3A_729 = arith.constant 0 : i32
        %broadcast_in_dim3A_730 = vector.broadcast %jit3A_729 : i32 to vector<16xi32>
        %select_n3A_731 = arith.select %lt3A_728, %convert_element_type3A_722, %broadcast_in_dim3A_730 : vector<16xi1>, vector<16xi32>
        %mul3A_732 = arith.constant 1024 : i32
        %mul3A_733 = vector.broadcast %mul3A_732 : i32 to vector<16xi32>
        %mul3A_734 = arith.muli %select_n3A_731, %mul3A_733 : vector<16xi32>
        %add3A_735 = vector.broadcast %mul3A_562 : i32 to vector<16xi32>
        %add3A_736 = arith.addi %mul3A_734, %add3A_735 : vector<16xi32>
        %add3A_737 = arith.addi %add3A_736, %add3A_725 : vector<16xi32>
        %add3A_738 = arith.constant 112 : i32
        %add3A_739 = arith.addi %mul3A_562, %add3A_738 : i32
        %swap3A_740 = arith.index_cast %add3A_739 : i32 to index
        %swap3A_741 = tpu.vector_load %arg8[%swap3A_740] {strides = array<i32>} : memref<1024xi32, #tpu.memory_space<vmem>>, vector<16xi32>,
        tpu.vector_store %arg8[%swap3A_740], %add3A_737 {strides = array<i32>} : memref<1024xi32, #tpu.memory_space<vmem>>, vector<16xi32>,
        tpu.vector_store_idx %arg6[%select_n3A_731, %broadcast_in_dim3A_563, %add3A_725], %broadcast_in_dim3A_5 masked %lt3A_728 : memref<50x8x128xf32, #tpu.memory_space<vmem>>[vector<16xi32>, vector<16xi32>, vector<16xi32>], vector<16xf32>, vector<16xi1>
      }
      %scan3A_266 = arith.constant 8 : i32
      %mul3A_267 = arith.constant 8 : i32
      %mul3A_268 = arith.muli %add3A_221, %mul3A_267 : i32
      %dma_start3A_269 = arith.constant 0 : i32
      %dma_start3A_270 = arith.constant 0 : i32
      %dma_start3A_271 = arith.constant 0 : i32
      %dma_start3A_272 = tpu.memref_slice %arg6[%dma_start3A_269, %dma_start3A_270, %dma_start3A_271] : memref<50x8x128xf32, #tpu.memory_space<vmem>> -> memref<25x8x128xf32, #tpu.memory_space<vmem>>
      %dma_start3A_273 = arith.constant 0 : i32
      %dma_start3A_274 = tpu.memref_slice %arg3[%dma_start3A_273, %mul3A_268, %mul3A_2] : memref<100x200x4096xf32, #tpu.memory_space<hbm>> -> memref<25x8x128xf32, #tpu.memory_space<hbm>>
      %dma_start3A_275 = arith.constant 0 : i32
      %dma_start3A_276 = tpu.memref_slice %arg3[%dma_start3A_275, %mul3A_268, %mul3A_2] : memref<100x200x4096xf32, #tpu.memory_space<hbm>> -> memref<25x8x128xf32, #tpu.memory_space<hbm>>
      %dma_start3A_277 = arith.constant 0 : i32
      %dma_start3A_278 = arith.constant 0 : i32
      %dma_start3A_279 = arith.constant 0 : i32
      %dma_start3A_280 = tpu.memref_slice %arg6[%dma_start3A_277, %dma_start3A_278, %dma_start3A_279] : memref<50x8x128xf32, #tpu.memory_space<vmem>> -> memref<25x8x128xf32, #tpu.memory_space<vmem>>
      tpu.enqueue_dma source(%dma_start3A_280 : memref<25x8x128xf32, #tpu.memory_space<vmem>>) target(%dma_start3A_276 : memref<25x8x128xf32, #tpu.memory_space<hbm>>) target_semaphore(%arg12 : memref<!tpu.dma_semaphore, #tpu.memory_space<semaphore_mem>>)
      %mul3A_281 = arith.constant 8 : i32
      %mul3A_282 = arith.muli %add3A_221, %mul3A_281 : i32
      %dma_start3A_283 = arith.constant 25 : i32
      %dma_start3A_284 = arith.constant 0 : i32
      %dma_start3A_285 = arith.constant 0 : i32
      %dma_start3A_286 = tpu.memref_slice %arg6[%dma_start3A_283, %dma_start3A_284, %dma_start3A_285] : memref<50x8x128xf32, #tpu.memory_space<vmem>> -> memref<25x8x128xf32, #tpu.memory_space<vmem>>
      %dma_start3A_287 = arith.constant 25 : i32
      %dma_start3A_288 = tpu.memref_slice %arg3[%dma_start3A_287, %mul3A_282, %mul3A_2] : memref<100x200x4096xf32, #tpu.memory_space<hbm>> -> memref<25x8x128xf32, #tpu.memory_space<hbm>>
      %dma_start3A_289 = arith.constant 25 : i32
      %dma_start3A_290 = tpu.memref_slice %arg3[%dma_start3A_289, %mul3A_282, %mul3A_2] : memref<100x200x4096xf32, #tpu.memory_space<hbm>> -> memref<25x8x128xf32, #tpu.memory_space<hbm>>
      %dma_start3A_291 = arith.constant 25 : i32
      %dma_start3A_292 = arith.constant 0 : i32
      %dma_start3A_293 = arith.constant 0 : i32
      %dma_start3A_294 = tpu.memref_slice %arg6[%dma_start3A_291, %dma_start3A_292, %dma_start3A_293] : memref<50x8x128xf32, #tpu.memory_space<vmem>> -> memref<25x8x128xf32, #tpu.memory_space<vmem>>
      tpu.enqueue_dma source(%dma_start3A_294 : memref<25x8x128xf32, #tpu.memory_space<vmem>>) target(%dma_start3A_290 : memref<25x8x128xf32, #tpu.memory_space<hbm>>) target_semaphore(%arg12 : memref<!tpu.dma_semaphore, #tpu.memory_space<semaphore_mem>>)
      %dma_wait3A_295 = arith.constant 0 : i32
      %dma_wait3A_296 = arith.constant 0 : i32
      %dma_wait3A_297 = arith.constant 0 : i32
      %dma_wait3A_298 = tpu.memref_slice %arg7[%dma_wait3A_295, %dma_wait3A_296, %dma_wait3A_297] : memref<50x8x128xf32, #tpu.memory_space<vmem>> -> memref<25x8x128xf32, #tpu.memory_space<vmem>>
      %dma_wait3A_299 = arith.constant 0 : i32
      %dma_wait3A_300 = arith.constant 0 : i32
      %dma_wait3A_301 = arith.constant 0 : i32
      %dma_wait3A_302 = tpu.memref_slice %arg3[%dma_wait3A_299, %dma_wait3A_300, %dma_wait3A_301] : memref<100x200x4096xf32, #tpu.memory_space<hbm>> -> memref<25x8x128xf32, #tpu.memory_space<hbm>>
      %dma_wait3A_303 = arith.constant 0 : i32
      %dma_wait3A_304 = arith.constant 0 : i32
      %dma_wait3A_305 = arith.constant 0 : i32
      %dma_wait3A_306 = tpu.memref_slice %arg3[%dma_wait3A_303, %dma_wait3A_304, %dma_wait3A_305] : memref<100x200x4096xf32, #tpu.memory_space<hbm>> -> memref<25x8x128xf32, #tpu.memory_space<hbm>>
      %dma_wait3A_307 = arith.constant 0 : i32
      %dma_wait3A_308 = arith.constant 0 : i32
      %dma_wait3A_309 = arith.constant 0 : i32
      %dma_wait3A_310 = tpu.memref_slice %arg7[%dma_wait3A_307, %dma_wait3A_308, %dma_wait3A_309] : memref<50x8x128xf32, #tpu.memory_space<vmem>> -> memref<25x8x128xf32, #tpu.memory_space<vmem>>
      tpu.wait_dma2 semaphore(%arg13 : memref<!tpu.dma_semaphore, #tpu.memory_space<semaphore_mem>>) src(%dma_wait3A_310 : memref<25x8x128xf32, #tpu.memory_space<vmem>>) dst(%dma_wait3A_306 : memref<25x8x128xf32, #tpu.memory_space<hbm>>)
      %dma_wait3A_311 = arith.constant 0 : i32
      %dma_wait3A_312 = arith.constant 0 : i32
      %dma_wait3A_313 = arith.constant 0 : i32
      %dma_wait3A_314 = tpu.memref_slice %arg7[%dma_wait3A_311, %dma_wait3A_312, %dma_wait3A_313] : memref<50x8x128xf32, #tpu.memory_space<vmem>> -> memref<25x8x128xf32, #tpu.memory_space<vmem>>
      %dma_wait3A_315 = arith.constant 0 : i32
      %dma_wait3A_316 = arith.constant 0 : i32
      %dma_wait3A_317 = arith.constant 0 : i32
      %dma_wait3A_318 = tpu.memref_slice %arg3[%dma_wait3A_315, %dma_wait3A_316, %dma_wait3A_317] : memref<100x200x4096xf32, #tpu.memory_space<hbm>> -> memref<25x8x128xf32, #tpu.memory_space<hbm>>
      %dma_wait3A_319 = arith.constant 0 : i32
      %dma_wait3A_320 = arith.constant 0 : i32
      %dma_wait3A_321 = arith.constant 0 : i32
      %dma_wait3A_322 = tpu.memref_slice %arg3[%dma_wait3A_319, %dma_wait3A_320, %dma_wait3A_321] : memref<100x200x4096xf32, #tpu.memory_space<hbm>> -> memref<25x8x128xf32, #tpu.memory_space<hbm>>
      %dma_wait3A_323 = arith.constant 0 : i32
      %dma_wait3A_324 = arith.constant 0 : i32
      %dma_wait3A_325 = arith.constant 0 : i32
      %dma_wait3A_326 = tpu.memref_slice %arg7[%dma_wait3A_323, %dma_wait3A_324, %dma_wait3A_325] : memref<50x8x128xf32, #tpu.memory_space<vmem>> -> memref<25x8x128xf32, #tpu.memory_space<vmem>>
      tpu.wait_dma2 semaphore(%arg13 : memref<!tpu.dma_semaphore, #tpu.memory_space<semaphore_mem>>) src(%dma_wait3A_326 : memref<25x8x128xf32, #tpu.memory_space<vmem>>) dst(%dma_wait3A_322 : memref<25x8x128xf32, #tpu.memory_space<hbm>>)
      %scan3A_327 = arith.constant 0 : i32
      %scan3A_328 = arith.constant 64 : i32
      %scan3A_329 = arith.addi %scan3A_327, %scan3A_328 : i32
      %scan3A_330 = arith.constant 1 : i32
      scf.for %scan3A_560 = %scan3A_327 to %scan3A_329 step %scan3A_330  : i32 {
        %mul3A_561 = arith.constant 16 : i32
        %mul3A_562 = arith.muli %scan3A_560, %mul3A_561 : i32
        %get3A = arith.index_cast %mul3A_562 : i32 to index
        %get3A_563 = tpu.vector_load %arg9[%get3A] {strides = array<i32>} : memref<1024xi32, #tpu.memory_space<vmem>>, vector<16xi32>,
        %shift_right_logical3A = arith.constant 10 : i32
        %shift_right_logical3A_564 = vector.broadcast %shift_right_logical3A : i32 to vector<16xi32>
        %shift_right_logical3A_565 = arith.shrui %get3A_563, %shift_right_logical3A_564 : vector<16xi32>
        %shift_right_logical3A_566 = arith.constant 7 : i32
        %shift_right_logical3A_567 = vector.broadcast %shift_right_logical3A_566 : i32 to vector<16xi32>
        %shift_right_logical3A_568 = arith.shrui %get3A_563, %shift_right_logical3A_567 : vector<16xi32>
        %and3A = arith.constant 7 : i32
        %and3A_569 = vector.broadcast %and3A : i32 to vector<16xi32>
        %and3A_570 = arith.andi %shift_right_logical3A_568, %and3A_569 : vector<16xi32>
        %and3A_571 = arith.constant 127 : i32
        %and3A_572 = vector.broadcast %and3A_571 : i32 to vector<16xi32>
        %and3A_573 = arith.andi %get3A_563, %and3A_572 : vector<16xi32>
        tpu.vector_store_idx %arg7[%shift_right_logical3A_565, %and3A_570, %and3A_573], %broadcast_in_dim3A_3 : memref<50x8x128xf32, #tpu.memory_space<vmem>>[vector<16xi32>, vector<16xi32>, vector<16xi32>], vector<16xf32>,
      }
      %scan3A_331 = arith.constant 64 : i32
      %scan3A_332 = arith.constant 0 : i32
      %scan3A_333 = arith.constant 8 : i32
      %scan3A_334 = arith.addi %scan3A_332, %scan3A_333 : i32
      %scan3A_335 = arith.constant 1 : i32
      scf.for %scan3A_560 = %scan3A_332 to %scan3A_334 step %scan3A_335  : i32 {
        %mul3A_561 = arith.constant 128 : i32
        %mul3A_562 = arith.muli %scan3A_560, %mul3A_561 : i32
        %broadcast_in_dim3A_563 = vector.broadcast %scan3A_560 : i32 to vector<16xi32>
        %get3A = arith.index_cast %scan3A_560 : i32 to index
        %get3A_564 = arith.constant 0 : index
        %get3A_565 = tpu.vector_load %arg5[%get3A, %get3A_564] {strides = array<i32>} : memref<16x128xf32, #tpu.memory_space<vmem>>, vector<16xf32>,
        %convert_element_type3A = arith.fptosi %get3A_565 : vector<16xf32> to vector<16xi32>
        %add3A_566 = arith.constant 0 : i32
        %add3A_567 = vector.broadcast %add3A_566 : i32 to vector<16xi32>
        %add3A_568 = arith.addi %add3A_567, %iota3A : vector<16xi32>
        %ge3A = arith.constant 50 : i32
        %ge3A_569 = vector.broadcast %ge3A : i32 to vector<16xi32>
        %ge3A_570 = arith.cmpi sge, %convert_element_type3A, %ge3A_569 : vector<16xi32>
        %sub3A = arith.constant 50 : i32
        %sub3A_571 = vector.broadcast %sub3A : i32 to vector<16xi32>
        %sub3A_572 = arith.subi %convert_element_type3A, %sub3A_571 : vector<16xi32>
        %jit3A = arith.constant 0 : i32
        %broadcast_in_dim3A_573 = vector.broadcast %jit3A : i32 to vector<16xi32>
        %select_n3A = arith.select %ge3A_570, %sub3A_572, %broadcast_in_dim3A_573 : vector<16xi1>, vector<16xi32>
        %mul3A_574 = arith.constant 1024 : i32
        %mul3A_575 = vector.broadcast %mul3A_574 : i32 to vector<16xi32>
        %mul3A_576 = arith.muli %select_n3A, %mul3A_575 : vector<16xi32>
        %add3A_577 = vector.broadcast %mul3A_562 : i32 to vector<16xi32>
        %add3A_578 = arith.addi %mul3A_576, %add3A_577 : vector<16xi32>
        %add3A_579 = arith.addi %add3A_578, %add3A_568 : vector<16xi32>
        %add3A_580 = arith.constant 0 : i32
        %add3A_581 = arith.addi %mul3A_562, %add3A_580 : i32
        %swap3A = arith.index_cast %add3A_581 : i32 to index
        %swap3A_582 = tpu.vector_load %arg9[%swap3A] {strides = array<i32>} : memref<1024xi32, #tpu.memory_space<vmem>>, vector<16xi32>,
        tpu.vector_store %arg9[%swap3A], %add3A_579 {strides = array<i32>} : memref<1024xi32, #tpu.memory_space<vmem>>, vector<16xi32>,
        tpu.vector_store_idx %arg7[%select_n3A, %broadcast_in_dim3A_563, %add3A_568], %broadcast_in_dim3A_5 masked %ge3A_570 : memref<50x8x128xf32, #tpu.memory_space<vmem>>[vector<16xi32>, vector<16xi32>, vector<16xi32>], vector<16xf32>, vector<16xi1>
        %get3A_583 = arith.index_cast %scan3A_560 : i32 to index
        %get3A_584 = arith.constant 16 : index
        %get3A_585 = tpu.vector_load %arg5[%get3A_583, %get3A_584] {strides = array<i32>} : memref<16x128xf32, #tpu.memory_space<vmem>>, vector<16xf32>,
        %convert_element_type3A_586 = arith.fptosi %get3A_585 : vector<16xf32> to vector<16xi32>
        %add3A_587 = arith.constant 16 : i32
        %add3A_588 = vector.broadcast %add3A_587 : i32 to vector<16xi32>
        %add3A_589 = arith.addi %add3A_588, %iota3A : vector<16xi32>
        %ge3A_590 = arith.constant 50 : i32
        %ge3A_591 = vector.broadcast %ge3A_590 : i32 to vector<16xi32>
        %ge3A_592 = arith.cmpi sge, %convert_element_type3A_586, %ge3A_591 : vector<16xi32>
        %sub3A_593 = arith.constant 50 : i32
        %sub3A_594 = vector.broadcast %sub3A_593 : i32 to vector<16xi32>
        %sub3A_595 = arith.subi %convert_element_type3A_586, %sub3A_594 : vector<16xi32>
        %jit3A_596 = arith.constant 0 : i32
        %broadcast_in_dim3A_597 = vector.broadcast %jit3A_596 : i32 to vector<16xi32>
        %select_n3A_598 = arith.select %ge3A_592, %sub3A_595, %broadcast_in_dim3A_597 : vector<16xi1>, vector<16xi32>
        %mul3A_599 = arith.constant 1024 : i32
        %mul3A_600 = vector.broadcast %mul3A_599 : i32 to vector<16xi32>
        %mul3A_601 = arith.muli %select_n3A_598, %mul3A_600 : vector<16xi32>
        %add3A_602 = vector.broadcast %mul3A_562 : i32 to vector<16xi32>
        %add3A_603 = arith.addi %mul3A_601, %add3A_602 : vector<16xi32>
        %add3A_604 = arith.addi %add3A_603, %add3A_589 : vector<16xi32>
        %add3A_605 = arith.constant 16 : i32
        %add3A_606 = arith.addi %mul3A_562, %add3A_605 : i32
        %swap3A_607 = arith.index_cast %add3A_606 : i32 to index
        %swap3A_608 = tpu.vector_load %arg9[%swap3A_607] {strides = array<i32>} : memref<1024xi32, #tpu.memory_space<vmem>>, vector<16xi32>,
        tpu.vector_store %arg9[%swap3A_607], %add3A_604 {strides = array<i32>} : memref<1024xi32, #tpu.memory_space<vmem>>, vector<16xi32>,
        tpu.vector_store_idx %arg7[%select_n3A_598, %broadcast_in_dim3A_563, %add3A_589], %broadcast_in_dim3A_5 masked %ge3A_592 : memref<50x8x128xf32, #tpu.memory_space<vmem>>[vector<16xi32>, vector<16xi32>, vector<16xi32>], vector<16xf32>, vector<16xi1>
        %get3A_609 = arith.index_cast %scan3A_560 : i32 to index
        %get3A_610 = arith.constant 32 : index
        %get3A_611 = tpu.vector_load %arg5[%get3A_609, %get3A_610] {strides = array<i32>} : memref<16x128xf32, #tpu.memory_space<vmem>>, vector<16xf32>,
        %convert_element_type3A_612 = arith.fptosi %get3A_611 : vector<16xf32> to vector<16xi32>
        %add3A_613 = arith.constant 32 : i32
        %add3A_614 = vector.broadcast %add3A_613 : i32 to vector<16xi32>
        %add3A_615 = arith.addi %add3A_614, %iota3A : vector<16xi32>
        %ge3A_616 = arith.constant 50 : i32
        %ge3A_617 = vector.broadcast %ge3A_616 : i32 to vector<16xi32>
        %ge3A_618 = arith.cmpi sge, %convert_element_type3A_612, %ge3A_617 : vector<16xi32>
        %sub3A_619 = arith.constant 50 : i32
        %sub3A_620 = vector.broadcast %sub3A_619 : i32 to vector<16xi32>
        %sub3A_621 = arith.subi %convert_element_type3A_612, %sub3A_620 : vector<16xi32>
        %jit3A_622 = arith.constant 0 : i32
        %broadcast_in_dim3A_623 = vector.broadcast %jit3A_622 : i32 to vector<16xi32>
        %select_n3A_624 = arith.select %ge3A_618, %sub3A_621, %broadcast_in_dim3A_623 : vector<16xi1>, vector<16xi32>
        %mul3A_625 = arith.constant 1024 : i32
        %mul3A_626 = vector.broadcast %mul3A_625 : i32 to vector<16xi32>
        %mul3A_627 = arith.muli %select_n3A_624, %mul3A_626 : vector<16xi32>
        %add3A_628 = vector.broadcast %mul3A_562 : i32 to vector<16xi32>
        %add3A_629 = arith.addi %mul3A_627, %add3A_628 : vector<16xi32>
        %add3A_630 = arith.addi %add3A_629, %add3A_615 : vector<16xi32>
        %add3A_631 = arith.constant 32 : i32
        %add3A_632 = arith.addi %mul3A_562, %add3A_631 : i32
        %swap3A_633 = arith.index_cast %add3A_632 : i32 to index
        %swap3A_634 = tpu.vector_load %arg9[%swap3A_633] {strides = array<i32>} : memref<1024xi32, #tpu.memory_space<vmem>>, vector<16xi32>,
        tpu.vector_store %arg9[%swap3A_633], %add3A_630 {strides = array<i32>} : memref<1024xi32, #tpu.memory_space<vmem>>, vector<16xi32>,
        tpu.vector_store_idx %arg7[%select_n3A_624, %broadcast_in_dim3A_563, %add3A_615], %broadcast_in_dim3A_5 masked %ge3A_618 : memref<50x8x128xf32, #tpu.memory_space<vmem>>[vector<16xi32>, vector<16xi32>, vector<16xi32>], vector<16xf32>, vector<16xi1>
        %get3A_635 = arith.index_cast %scan3A_560 : i32 to index
        %get3A_636 = arith.constant 48 : index
        %get3A_637 = tpu.vector_load %arg5[%get3A_635, %get3A_636] {strides = array<i32>} : memref<16x128xf32, #tpu.memory_space<vmem>>, vector<16xf32>,
        %convert_element_type3A_638 = arith.fptosi %get3A_637 : vector<16xf32> to vector<16xi32>
        %add3A_639 = arith.constant 48 : i32
        %add3A_640 = vector.broadcast %add3A_639 : i32 to vector<16xi32>
        %add3A_641 = arith.addi %add3A_640, %iota3A : vector<16xi32>
        %ge3A_642 = arith.constant 50 : i32
        %ge3A_643 = vector.broadcast %ge3A_642 : i32 to vector<16xi32>
        %ge3A_644 = arith.cmpi sge, %convert_element_type3A_638, %ge3A_643 : vector<16xi32>
        %sub3A_645 = arith.constant 50 : i32
        %sub3A_646 = vector.broadcast %sub3A_645 : i32 to vector<16xi32>
        %sub3A_647 = arith.subi %convert_element_type3A_638, %sub3A_646 : vector<16xi32>
        %jit3A_648 = arith.constant 0 : i32
        %broadcast_in_dim3A_649 = vector.broadcast %jit3A_648 : i32 to vector<16xi32>
        %select_n3A_650 = arith.select %ge3A_644, %sub3A_647, %broadcast_in_dim3A_649 : vector<16xi1>, vector<16xi32>
        %mul3A_651 = arith.constant 1024 : i32
        %mul3A_652 = vector.broadcast %mul3A_651 : i32 to vector<16xi32>
        %mul3A_653 = arith.muli %select_n3A_650, %mul3A_652 : vector<16xi32>
        %add3A_654 = vector.broadcast %mul3A_562 : i32 to vector<16xi32>
        %add3A_655 = arith.addi %mul3A_653, %add3A_654 : vector<16xi32>
        %add3A_656 = arith.addi %add3A_655, %add3A_641 : vector<16xi32>
        %add3A_657 = arith.constant 48 : i32
        %add3A_658 = arith.addi %mul3A_562, %add3A_657 : i32
        %swap3A_659 = arith.index_cast %add3A_658 : i32 to index
        %swap3A_660 = tpu.vector_load %arg9[%swap3A_659] {strides = array<i32>} : memref<1024xi32, #tpu.memory_space<vmem>>, vector<16xi32>,
        tpu.vector_store %arg9[%swap3A_659], %add3A_656 {strides = array<i32>} : memref<1024xi32, #tpu.memory_space<vmem>>, vector<16xi32>,
        tpu.vector_store_idx %arg7[%select_n3A_650, %broadcast_in_dim3A_563, %add3A_641], %broadcast_in_dim3A_5 masked %ge3A_644 : memref<50x8x128xf32, #tpu.memory_space<vmem>>[vector<16xi32>, vector<16xi32>, vector<16xi32>], vector<16xf32>, vector<16xi1>
        %get3A_661 = arith.index_cast %scan3A_560 : i32 to index
        %get3A_662 = arith.constant 64 : index
        %get3A_663 = tpu.vector_load %arg5[%get3A_661, %get3A_662] {strides = array<i32>} : memref<16x128xf32, #tpu.memory_space<vmem>>, vector<16xf32>,
        %convert_element_type3A_664 = arith.fptosi %get3A_663 : vector<16xf32> to vector<16xi32>
        %add3A_665 = arith.constant 64 : i32
        %add3A_666 = vector.broadcast %add3A_665 : i32 to vector<16xi32>
        %add3A_667 = arith.addi %add3A_666, %iota3A : vector<16xi32>
        %ge3A_668 = arith.constant 50 : i32
        %ge3A_669 = vector.broadcast %ge3A_668 : i32 to vector<16xi32>
        %ge3A_670 = arith.cmpi sge, %convert_element_type3A_664, %ge3A_669 : vector<16xi32>
        %sub3A_671 = arith.constant 50 : i32
        %sub3A_672 = vector.broadcast %sub3A_671 : i32 to vector<16xi32>
        %sub3A_673 = arith.subi %convert_element_type3A_664, %sub3A_672 : vector<16xi32>
        %jit3A_674 = arith.constant 0 : i32
        %broadcast_in_dim3A_675 = vector.broadcast %jit3A_674 : i32 to vector<16xi32>
        %select_n3A_676 = arith.select %ge3A_670, %sub3A_673, %broadcast_in_dim3A_675 : vector<16xi1>, vector<16xi32>
        %mul3A_677 = arith.constant 1024 : i32
        %mul3A_678 = vector.broadcast %mul3A_677 : i32 to vector<16xi32>
        %mul3A_679 = arith.muli %select_n3A_676, %mul3A_678 : vector<16xi32>
        %add3A_680 = vector.broadcast %mul3A_562 : i32 to vector<16xi32>
        %add3A_681 = arith.addi %mul3A_679, %add3A_680 : vector<16xi32>
        %add3A_682 = arith.addi %add3A_681, %add3A_667 : vector<16xi32>
        %add3A_683 = arith.constant 64 : i32
        %add3A_684 = arith.addi %mul3A_562, %add3A_683 : i32
        %swap3A_685 = arith.index_cast %add3A_684 : i32 to index
        %swap3A_686 = tpu.vector_load %arg9[%swap3A_685] {strides = array<i32>} : memref<1024xi32, #tpu.memory_space<vmem>>, vector<16xi32>,
        tpu.vector_store %arg9[%swap3A_685], %add3A_682 {strides = array<i32>} : memref<1024xi32, #tpu.memory_space<vmem>>, vector<16xi32>,
        tpu.vector_store_idx %arg7[%select_n3A_676, %broadcast_in_dim3A_563, %add3A_667], %broadcast_in_dim3A_5 masked %ge3A_670 : memref<50x8x128xf32, #tpu.memory_space<vmem>>[vector<16xi32>, vector<16xi32>, vector<16xi32>], vector<16xf32>, vector<16xi1>
        %get3A_687 = arith.index_cast %scan3A_560 : i32 to index
        %get3A_688 = arith.constant 80 : index
        %get3A_689 = tpu.vector_load %arg5[%get3A_687, %get3A_688] {strides = array<i32>} : memref<16x128xf32, #tpu.memory_space<vmem>>, vector<16xf32>,
        %convert_element_type3A_690 = arith.fptosi %get3A_689 : vector<16xf32> to vector<16xi32>
        %add3A_691 = arith.constant 80 : i32
        %add3A_692 = vector.broadcast %add3A_691 : i32 to vector<16xi32>
        %add3A_693 = arith.addi %add3A_692, %iota3A : vector<16xi32>
        %ge3A_694 = arith.constant 50 : i32
        %ge3A_695 = vector.broadcast %ge3A_694 : i32 to vector<16xi32>
        %ge3A_696 = arith.cmpi sge, %convert_element_type3A_690, %ge3A_695 : vector<16xi32>
        %sub3A_697 = arith.constant 50 : i32
        %sub3A_698 = vector.broadcast %sub3A_697 : i32 to vector<16xi32>
        %sub3A_699 = arith.subi %convert_element_type3A_690, %sub3A_698 : vector<16xi32>
        %jit3A_700 = arith.constant 0 : i32
        %broadcast_in_dim3A_701 = vector.broadcast %jit3A_700 : i32 to vector<16xi32>
        %select_n3A_702 = arith.select %ge3A_696, %sub3A_699, %broadcast_in_dim3A_701 : vector<16xi1>, vector<16xi32>
        %mul3A_703 = arith.constant 1024 : i32
        %mul3A_704 = vector.broadcast %mul3A_703 : i32 to vector<16xi32>
        %mul3A_705 = arith.muli %select_n3A_702, %mul3A_704 : vector<16xi32>
        %add3A_706 = vector.broadcast %mul3A_562 : i32 to vector<16xi32>
        %add3A_707 = arith.addi %mul3A_705, %add3A_706 : vector<16xi32>
        %add3A_708 = arith.addi %add3A_707, %add3A_693 : vector<16xi32>
        %add3A_709 = arith.constant 80 : i32
        %add3A_710 = arith.addi %mul3A_562, %add3A_709 : i32
        %swap3A_711 = arith.index_cast %add3A_710 : i32 to index
        %swap3A_712 = tpu.vector_load %arg9[%swap3A_711] {strides = array<i32>} : memref<1024xi32, #tpu.memory_space<vmem>>, vector<16xi32>,
        tpu.vector_store %arg9[%swap3A_711], %add3A_708 {strides = array<i32>} : memref<1024xi32, #tpu.memory_space<vmem>>, vector<16xi32>,
        tpu.vector_store_idx %arg7[%select_n3A_702, %broadcast_in_dim3A_563, %add3A_693], %broadcast_in_dim3A_5 masked %ge3A_696 : memref<50x8x128xf32, #tpu.memory_space<vmem>>[vector<16xi32>, vector<16xi32>, vector<16xi32>], vector<16xf32>, vector<16xi1>
        %get3A_713 = arith.index_cast %scan3A_560 : i32 to index
        %get3A_714 = arith.constant 96 : index
        %get3A_715 = tpu.vector_load %arg5[%get3A_713, %get3A_714] {strides = array<i32>} : memref<16x128xf32, #tpu.memory_space<vmem>>, vector<16xf32>,
        %convert_element_type3A_716 = arith.fptosi %get3A_715 : vector<16xf32> to vector<16xi32>
        %add3A_717 = arith.constant 96 : i32
        %add3A_718 = vector.broadcast %add3A_717 : i32 to vector<16xi32>
        %add3A_719 = arith.addi %add3A_718, %iota3A : vector<16xi32>
        %ge3A_720 = arith.constant 50 : i32
        %ge3A_721 = vector.broadcast %ge3A_720 : i32 to vector<16xi32>
        %ge3A_722 = arith.cmpi sge, %convert_element_type3A_716, %ge3A_721 : vector<16xi32>
        %sub3A_723 = arith.constant 50 : i32
        %sub3A_724 = vector.broadcast %sub3A_723 : i32 to vector<16xi32>
        %sub3A_725 = arith.subi %convert_element_type3A_716, %sub3A_724 : vector<16xi32>
        %jit3A_726 = arith.constant 0 : i32
        %broadcast_in_dim3A_727 = vector.broadcast %jit3A_726 : i32 to vector<16xi32>
        %select_n3A_728 = arith.select %ge3A_722, %sub3A_725, %broadcast_in_dim3A_727 : vector<16xi1>, vector<16xi32>
        %mul3A_729 = arith.constant 1024 : i32
        %mul3A_730 = vector.broadcast %mul3A_729 : i32 to vector<16xi32>
        %mul3A_731 = arith.muli %select_n3A_728, %mul3A_730 : vector<16xi32>
        %add3A_732 = vector.broadcast %mul3A_562 : i32 to vector<16xi32>
        %add3A_733 = arith.addi %mul3A_731, %add3A_732 : vector<16xi32>
        %add3A_734 = arith.addi %add3A_733, %add3A_719 : vector<16xi32>
        %add3A_735 = arith.constant 96 : i32
        %add3A_736 = arith.addi %mul3A_562, %add3A_735 : i32
        %swap3A_737 = arith.index_cast %add3A_736 : i32 to index
        %swap3A_738 = tpu.vector_load %arg9[%swap3A_737] {strides = array<i32>} : memref<1024xi32, #tpu.memory_space<vmem>>, vector<16xi32>,
        tpu.vector_store %arg9[%swap3A_737], %add3A_734 {strides = array<i32>} : memref<1024xi32, #tpu.memory_space<vmem>>, vector<16xi32>,
        tpu.vector_store_idx %arg7[%select_n3A_728, %broadcast_in_dim3A_563, %add3A_719], %broadcast_in_dim3A_5 masked %ge3A_722 : memref<50x8x128xf32, #tpu.memory_space<vmem>>[vector<16xi32>, vector<16xi32>, vector<16xi32>], vector<16xf32>, vector<16xi1>
        %get3A_739 = arith.index_cast %scan3A_560 : i32 to index
        %get3A_740 = arith.constant 112 : index
        %get3A_741 = tpu.vector_load %arg5[%get3A_739, %get3A_740] {strides = array<i32>} : memref<16x128xf32, #tpu.memory_space<vmem>>, vector<16xf32>,
        %convert_element_type3A_742 = arith.fptosi %get3A_741 : vector<16xf32> to vector<16xi32>
        %add3A_743 = arith.constant 112 : i32
        %add3A_744 = vector.broadcast %add3A_743 : i32 to vector<16xi32>
        %add3A_745 = arith.addi %add3A_744, %iota3A : vector<16xi32>
        %ge3A_746 = arith.constant 50 : i32
        %ge3A_747 = vector.broadcast %ge3A_746 : i32 to vector<16xi32>
        %ge3A_748 = arith.cmpi sge, %convert_element_type3A_742, %ge3A_747 : vector<16xi32>
        %sub3A_749 = arith.constant 50 : i32
        %sub3A_750 = vector.broadcast %sub3A_749 : i32 to vector<16xi32>
        %sub3A_751 = arith.subi %convert_element_type3A_742, %sub3A_750 : vector<16xi32>
        %jit3A_752 = arith.constant 0 : i32
        %broadcast_in_dim3A_753 = vector.broadcast %jit3A_752 : i32 to vector<16xi32>
        %select_n3A_754 = arith.select %ge3A_748, %sub3A_751, %broadcast_in_dim3A_753 : vector<16xi1>, vector<16xi32>
        %mul3A_755 = arith.constant 1024 : i32
        %mul3A_756 = vector.broadcast %mul3A_755 : i32 to vector<16xi32>
        %mul3A_757 = arith.muli %select_n3A_754, %mul3A_756 : vector<16xi32>
        %add3A_758 = vector.broadcast %mul3A_562 : i32 to vector<16xi32>
        %add3A_759 = arith.addi %mul3A_757, %add3A_758 : vector<16xi32>
        %add3A_760 = arith.addi %add3A_759, %add3A_745 : vector<16xi32>
        %add3A_761 = arith.constant 112 : i32
        %add3A_762 = arith.addi %mul3A_562, %add3A_761 : i32
        %swap3A_763 = arith.index_cast %add3A_762 : i32 to index
        %swap3A_764 = tpu.vector_load %arg9[%swap3A_763] {strides = array<i32>} : memref<1024xi32, #tpu.memory_space<vmem>>, vector<16xi32>,
        tpu.vector_store %arg9[%swap3A_763], %add3A_760 {strides = array<i32>} : memref<1024xi32, #tpu.memory_space<vmem>>, vector<16xi32>,
        tpu.vector_store_idx %arg7[%select_n3A_754, %broadcast_in_dim3A_563, %add3A_745], %broadcast_in_dim3A_5 masked %ge3A_748 : memref<50x8x128xf32, #tpu.memory_space<vmem>>[vector<16xi32>, vector<16xi32>, vector<16xi32>], vector<16xf32>, vector<16xi1>
      }
      %scan3A_336 = arith.constant 8 : i32
      %mul3A_337 = arith.constant 8 : i32
      %mul3A_338 = arith.muli %add3A_221, %mul3A_337 : i32
      %dma_start3A_339 = arith.constant 0 : i32
      %dma_start3A_340 = arith.constant 0 : i32
      %dma_start3A_341 = arith.constant 0 : i32
      %dma_start3A_342 = tpu.memref_slice %arg7[%dma_start3A_339, %dma_start3A_340, %dma_start3A_341] : memref<50x8x128xf32, #tpu.memory_space<vmem>> -> memref<25x8x128xf32, #tpu.memory_space<vmem>>
      %dma_start3A_343 = arith.constant 50 : i32
      %dma_start3A_344 = tpu.memref_slice %arg3[%dma_start3A_343, %mul3A_338, %mul3A_2] : memref<100x200x4096xf32, #tpu.memory_space<hbm>> -> memref<25x8x128xf32, #tpu.memory_space<hbm>>
      %dma_start3A_345 = arith.constant 50 : i32
      %dma_start3A_346 = tpu.memref_slice %arg3[%dma_start3A_345, %mul3A_338, %mul3A_2] : memref<100x200x4096xf32, #tpu.memory_space<hbm>> -> memref<25x8x128xf32, #tpu.memory_space<hbm>>
      %dma_start3A_347 = arith.constant 0 : i32
      %dma_start3A_348 = arith.constant 0 : i32
      %dma_start3A_349 = arith.constant 0 : i32
      %dma_start3A_350 = tpu.memref_slice %arg7[%dma_start3A_347, %dma_start3A_348, %dma_start3A_349] : memref<50x8x128xf32, #tpu.memory_space<vmem>> -> memref<25x8x128xf32, #tpu.memory_space<vmem>>
      tpu.enqueue_dma source(%dma_start3A_350 : memref<25x8x128xf32, #tpu.memory_space<vmem>>) target(%dma_start3A_346 : memref<25x8x128xf32, #tpu.memory_space<hbm>>) target_semaphore(%arg13 : memref<!tpu.dma_semaphore, #tpu.memory_space<semaphore_mem>>)
      %mul3A_351 = arith.constant 8 : i32
      %mul3A_352 = arith.muli %add3A_221, %mul3A_351 : i32
      %dma_start3A_353 = arith.constant 25 : i32
      %dma_start3A_354 = arith.constant 0 : i32
      %dma_start3A_355 = arith.constant 0 : i32
      %dma_start3A_356 = tpu.memref_slice %arg7[%dma_start3A_353, %dma_start3A_354, %dma_start3A_355] : memref<50x8x128xf32, #tpu.memory_space<vmem>> -> memref<25x8x128xf32, #tpu.memory_space<vmem>>
      %dma_start3A_357 = arith.constant 75 : i32
      %dma_start3A_358 = tpu.memref_slice %arg3[%dma_start3A_357, %mul3A_352, %mul3A_2] : memref<100x200x4096xf32, #tpu.memory_space<hbm>> -> memref<25x8x128xf32, #tpu.memory_space<hbm>>
      %dma_start3A_359 = arith.constant 75 : i32
      %dma_start3A_360 = tpu.memref_slice %arg3[%dma_start3A_359, %mul3A_352, %mul3A_2] : memref<100x200x4096xf32, #tpu.memory_space<hbm>> -> memref<25x8x128xf32, #tpu.memory_space<hbm>>
      %dma_start3A_361 = arith.constant 25 : i32
      %dma_start3A_362 = arith.constant 0 : i32
      %dma_start3A_363 = arith.constant 0 : i32
      %dma_start3A_364 = tpu.memref_slice %arg7[%dma_start3A_361, %dma_start3A_362, %dma_start3A_363] : memref<50x8x128xf32, #tpu.memory_space<vmem>> -> memref<25x8x128xf32, #tpu.memory_space<vmem>>
      tpu.enqueue_dma source(%dma_start3A_364 : memref<25x8x128xf32, #tpu.memory_space<vmem>>) target(%dma_start3A_360 : memref<25x8x128xf32, #tpu.memory_space<hbm>>) target_semaphore(%arg13 : memref<!tpu.dma_semaphore, #tpu.memory_space<semaphore_mem>>)
      %add3A_365 = arith.constant 2 : i32
      %add3A_366 = arith.addi %add3A_221, %add3A_365 : i32
      %min3A_367 = arith.constant 24 : i32
      %min3A_368 = arith.minsi %add3A_366, %min3A_367 : i32
      %mul3A_369 = arith.constant 8 : i32
      %mul3A_370 = arith.muli %min3A_368, %mul3A_369 : i32
      %min3A_371 = arith.constant 7 : i32
      %min3A_372 = vector.broadcast %min3A_371 : i32 to vector<16xi32>
      %min3A_373 = arith.minsi %iota3A, %min3A_372 : vector<16xi32>
      %add3A_374 = vector.broadcast %mul3A_370 : i32 to vector<16xi32>
      %add3A_375 = arith.addi %add3A_374, %min3A_373 : vector<16xi32>
      %mul3A_376 = arith.constant 512 : i32
      %mul3A_377 = vector.broadcast %mul3A_376 : i32 to vector<16xi32>
      %mul3A_378 = arith.muli %add3A_375, %mul3A_377 : vector<16xi32>
      %mul3A_379 = arith.constant 8 : i32
      %mul3A_380 = arith.muli %mul3A_379, %add3A : i32
      %add3A_381 = vector.broadcast %mul3A_380 : i32 to vector<16xi32>
      %add3A_382 = arith.addi %mul3A_378, %add3A_381 : vector<16xi32>
      %add3A_383 = arith.constant 263 : i32
      %add3A_384 = vector.broadcast %add3A_383 : i32 to vector<16xi32>
      %add3A_385 = arith.addi %add3A_382, %add3A_384 : vector<16xi32>
      %dma_start3A_386 = arith.constant 0 : i32
      %dma_start3A_387 = arith.constant 0 : i32
      %dma_start3A_388 = tpu.memref_slice %arg2[%dma_start3A_386, %dma_start3A_387] : memref<102400x128xf32, #tpu.memory_space<hbm>> -> memref<102400x128xf32, #tpu.memory_space<hbm>>
      tpu.enqueue_indirect_dma source(%dma_start3A_388 : memref<102400x128xf32, #tpu.memory_space<hbm>>) target(%arg5 : memref<16x128xf32, #tpu.memory_space<vmem>>) offsets(%add3A_385 : vector<16xi32>) semaphore(%arg11 : memref<!tpu.dma_semaphore, #tpu.memory_space<semaphore_mem>>)
      %mul3A_389 = arith.constant 2 : i32
      %mul3A_390 = arith.muli %mul3A_389, %scan3A_217 : i32
      %add3A_391 = arith.constant 2 : i32
      %add3A_392 = arith.addi %mul3A_390, %add3A_391 : i32
      %dma_wait3A_393 = arith.constant 0 : i32
      %dma_wait3A_394 = arith.constant 0 : i32
      %dma_wait3A_395 = tpu.memref_slice %arg2[%dma_wait3A_393, %dma_wait3A_394] : memref<102400x128xf32, #tpu.memory_space<hbm>> -> memref<102400x128xf32, #tpu.memory_space<hbm>>
      tpu.wait_indirect_dma semaphore(%arg10 : memref<!tpu.dma_semaphore, #tpu.memory_space<semaphore_mem>>) src(%dma_wait3A_395 : memref<102400x128xf32, #tpu.memory_space<hbm>>) dst(%arg4 : memref<16x128xf32, #tpu.memory_space<vmem>>)
      %dma_wait3A_396 = arith.constant 0 : i32
      %dma_wait3A_397 = arith.constant 0 : i32
      %dma_wait3A_398 = arith.constant 0 : i32
      %dma_wait3A_399 = tpu.memref_slice %arg6[%dma_wait3A_396, %dma_wait3A_397, %dma_wait3A_398] : memref<50x8x128xf32, #tpu.memory_space<vmem>> -> memref<25x8x128xf32, #tpu.memory_space<vmem>>
      %dma_wait3A_400 = arith.constant 0 : i32
      %dma_wait3A_401 = arith.constant 0 : i32
      %dma_wait3A_402 = arith.constant 0 : i32
      %dma_wait3A_403 = tpu.memref_slice %arg3[%dma_wait3A_400, %dma_wait3A_401, %dma_wait3A_402] : memref<100x200x4096xf32, #tpu.memory_space<hbm>> -> memref<25x8x128xf32, #tpu.memory_space<hbm>>
      %dma_wait3A_404 = arith.constant 0 : i32
      %dma_wait3A_405 = arith.constant 0 : i32
      %dma_wait3A_406 = arith.constant 0 : i32
      %dma_wait3A_407 = tpu.memref_slice %arg3[%dma_wait3A_404, %dma_wait3A_405, %dma_wait3A_406] : memref<100x200x4096xf32, #tpu.memory_space<hbm>> -> memref<25x8x128xf32, #tpu.memory_space<hbm>>
      %dma_wait3A_408 = arith.constant 0 : i32
      %dma_wait3A_409 = arith.constant 0 : i32
      %dma_wait3A_410 = arith.constant 0 : i32
      %dma_wait3A_411 = tpu.memref_slice %arg6[%dma_wait3A_408, %dma_wait3A_409, %dma_wait3A_410] : memref<50x8x128xf32, #tpu.memory_space<vmem>> -> memref<25x8x128xf32, #tpu.memory_space<vmem>>
      tpu.wait_dma2 semaphore(%arg12 : memref<!tpu.dma_semaphore, #tpu.memory_space<semaphore_mem>>) src(%dma_wait3A_411 : memref<25x8x128xf32, #tpu.memory_space<vmem>>) dst(%dma_wait3A_407 : memref<25x8x128xf32, #tpu.memory_space<hbm>>)
      %dma_wait3A_412 = arith.constant 0 : i32
      %dma_wait3A_413 = arith.constant 0 : i32
      %dma_wait3A_414 = arith.constant 0 : i32
      %dma_wait3A_415 = tpu.memref_slice %arg6[%dma_wait3A_412, %dma_wait3A_413, %dma_wait3A_414] : memref<50x8x128xf32, #tpu.memory_space<vmem>> -> memref<25x8x128xf32, #tpu.memory_space<vmem>>
      %dma_wait3A_416 = arith.constant 0 : i32
      %dma_wait3A_417 = arith.constant 0 : i32
      %dma_wait3A_418 = arith.constant 0 : i32
      %dma_wait3A_419 = tpu.memref_slice %arg3[%dma_wait3A_416, %dma_wait3A_417, %dma_wait3A_418] : memref<100x200x4096xf32, #tpu.memory_space<hbm>> -> memref<25x8x128xf32, #tpu.memory_space<hbm>>
      %dma_wait3A_420 = arith.constant 0 : i32
      %dma_wait3A_421 = arith.constant 0 : i32
      %dma_wait3A_422 = arith.constant 0 : i32
      %dma_wait3A_423 = tpu.memref_slice %arg3[%dma_wait3A_420, %dma_wait3A_421, %dma_wait3A_422] : memref<100x200x4096xf32, #tpu.memory_space<hbm>> -> memref<25x8x128xf32, #tpu.memory_space<hbm>>
      %dma_wait3A_424 = arith.constant 0 : i32
      %dma_wait3A_425 = arith.constant 0 : i32
      %dma_wait3A_426 = arith.constant 0 : i32
      %dma_wait3A_427 = tpu.memref_slice %arg6[%dma_wait3A_424, %dma_wait3A_425, %dma_wait3A_426] : memref<50x8x128xf32, #tpu.memory_space<vmem>> -> memref<25x8x128xf32, #tpu.memory_space<vmem>>
      tpu.wait_dma2 semaphore(%arg12 : memref<!tpu.dma_semaphore, #tpu.memory_space<semaphore_mem>>) src(%dma_wait3A_427 : memref<25x8x128xf32, #tpu.memory_space<vmem>>) dst(%dma_wait3A_423 : memref<25x8x128xf32, #tpu.memory_space<hbm>>)
      %scan3A_428 = arith.constant 0 : i32
      %scan3A_429 = arith.constant 64 : i32
      %scan3A_430 = arith.addi %scan3A_428, %scan3A_429 : i32
      %scan3A_431 = arith.constant 1 : i32
      scf.for %scan3A_560 = %scan3A_428 to %scan3A_430 step %scan3A_431  : i32 {
        %mul3A_561 = arith.constant 16 : i32
        %mul3A_562 = arith.muli %scan3A_560, %mul3A_561 : i32
        %get3A = arith.index_cast %mul3A_562 : i32 to index
        %get3A_563 = tpu.vector_load %arg8[%get3A] {strides = array<i32>} : memref<1024xi32, #tpu.memory_space<vmem>>, vector<16xi32>,
        %shift_right_logical3A = arith.constant 10 : i32
        %shift_right_logical3A_564 = vector.broadcast %shift_right_logical3A : i32 to vector<16xi32>
        %shift_right_logical3A_565 = arith.shrui %get3A_563, %shift_right_logical3A_564 : vector<16xi32>
        %shift_right_logical3A_566 = arith.constant 7 : i32
        %shift_right_logical3A_567 = vector.broadcast %shift_right_logical3A_566 : i32 to vector<16xi32>
        %shift_right_logical3A_568 = arith.shrui %get3A_563, %shift_right_logical3A_567 : vector<16xi32>
        %and3A = arith.constant 7 : i32
        %and3A_569 = vector.broadcast %and3A : i32 to vector<16xi32>
        %and3A_570 = arith.andi %shift_right_logical3A_568, %and3A_569 : vector<16xi32>
        %and3A_571 = arith.constant 127 : i32
        %and3A_572 = vector.broadcast %and3A_571 : i32 to vector<16xi32>
        %and3A_573 = arith.andi %get3A_563, %and3A_572 : vector<16xi32>
        tpu.vector_store_idx %arg6[%shift_right_logical3A_565, %and3A_570, %and3A_573], %broadcast_in_dim3A_3 : memref<50x8x128xf32, #tpu.memory_space<vmem>>[vector<16xi32>, vector<16xi32>, vector<16xi32>], vector<16xf32>,
      }
      %scan3A_432 = arith.constant 64 : i32
      %scan3A_433 = arith.constant 0 : i32
      %scan3A_434 = arith.constant 8 : i32
      %scan3A_435 = arith.addi %scan3A_433, %scan3A_434 : i32
      %scan3A_436 = arith.constant 1 : i32
      scf.for %scan3A_560 = %scan3A_433 to %scan3A_435 step %scan3A_436  : i32 {
        %mul3A_561 = arith.constant 128 : i32
        %mul3A_562 = arith.muli %scan3A_560, %mul3A_561 : i32
        %broadcast_in_dim3A_563 = vector.broadcast %scan3A_560 : i32 to vector<16xi32>
        %get3A = arith.index_cast %scan3A_560 : i32 to index
        %get3A_564 = arith.constant 0 : index
        %get3A_565 = tpu.vector_load %arg4[%get3A, %get3A_564] {strides = array<i32>} : memref<16x128xf32, #tpu.memory_space<vmem>>, vector<16xf32>,
        %convert_element_type3A = arith.fptosi %get3A_565 : vector<16xf32> to vector<16xi32>
        %add3A_566 = arith.constant 0 : i32
        %add3A_567 = vector.broadcast %add3A_566 : i32 to vector<16xi32>
        %add3A_568 = arith.addi %add3A_567, %iota3A : vector<16xi32>
        %lt3A = arith.constant 50 : i32
        %lt3A_569 = vector.broadcast %lt3A : i32 to vector<16xi32>
        %lt3A_570 = arith.cmpi slt, %convert_element_type3A, %lt3A_569 : vector<16xi32>
        %jit3A = arith.constant 0 : i32
        %broadcast_in_dim3A_571 = vector.broadcast %jit3A : i32 to vector<16xi32>
        %select_n3A = arith.select %lt3A_570, %convert_element_type3A, %broadcast_in_dim3A_571 : vector<16xi1>, vector<16xi32>
        %mul3A_572 = arith.constant 1024 : i32
        %mul3A_573 = vector.broadcast %mul3A_572 : i32 to vector<16xi32>
        %mul3A_574 = arith.muli %select_n3A, %mul3A_573 : vector<16xi32>
        %add3A_575 = vector.broadcast %mul3A_562 : i32 to vector<16xi32>
        %add3A_576 = arith.addi %mul3A_574, %add3A_575 : vector<16xi32>
        %add3A_577 = arith.addi %add3A_576, %add3A_568 : vector<16xi32>
        %add3A_578 = arith.constant 0 : i32
        %add3A_579 = arith.addi %mul3A_562, %add3A_578 : i32
        %swap3A = arith.index_cast %add3A_579 : i32 to index
        %swap3A_580 = tpu.vector_load %arg8[%swap3A] {strides = array<i32>} : memref<1024xi32, #tpu.memory_space<vmem>>, vector<16xi32>,
        tpu.vector_store %arg8[%swap3A], %add3A_577 {strides = array<i32>} : memref<1024xi32, #tpu.memory_space<vmem>>, vector<16xi32>,
        tpu.vector_store_idx %arg6[%select_n3A, %broadcast_in_dim3A_563, %add3A_568], %broadcast_in_dim3A_5 masked %lt3A_570 : memref<50x8x128xf32, #tpu.memory_space<vmem>>[vector<16xi32>, vector<16xi32>, vector<16xi32>], vector<16xf32>, vector<16xi1>
        %get3A_581 = arith.index_cast %scan3A_560 : i32 to index
        %get3A_582 = arith.constant 16 : index
        %get3A_583 = tpu.vector_load %arg4[%get3A_581, %get3A_582] {strides = array<i32>} : memref<16x128xf32, #tpu.memory_space<vmem>>, vector<16xf32>,
        %convert_element_type3A_584 = arith.fptosi %get3A_583 : vector<16xf32> to vector<16xi32>
        %add3A_585 = arith.constant 16 : i32
        %add3A_586 = vector.broadcast %add3A_585 : i32 to vector<16xi32>
        %add3A_587 = arith.addi %add3A_586, %iota3A : vector<16xi32>
        %lt3A_588 = arith.constant 50 : i32
        %lt3A_589 = vector.broadcast %lt3A_588 : i32 to vector<16xi32>
        %lt3A_590 = arith.cmpi slt, %convert_element_type3A_584, %lt3A_589 : vector<16xi32>
        %jit3A_591 = arith.constant 0 : i32
        %broadcast_in_dim3A_592 = vector.broadcast %jit3A_591 : i32 to vector<16xi32>
        %select_n3A_593 = arith.select %lt3A_590, %convert_element_type3A_584, %broadcast_in_dim3A_592 : vector<16xi1>, vector<16xi32>
        %mul3A_594 = arith.constant 1024 : i32
        %mul3A_595 = vector.broadcast %mul3A_594 : i32 to vector<16xi32>
        %mul3A_596 = arith.muli %select_n3A_593, %mul3A_595 : vector<16xi32>
        %add3A_597 = vector.broadcast %mul3A_562 : i32 to vector<16xi32>
        %add3A_598 = arith.addi %mul3A_596, %add3A_597 : vector<16xi32>
        %add3A_599 = arith.addi %add3A_598, %add3A_587 : vector<16xi32>
        %add3A_600 = arith.constant 16 : i32
        %add3A_601 = arith.addi %mul3A_562, %add3A_600 : i32
        %swap3A_602 = arith.index_cast %add3A_601 : i32 to index
        %swap3A_603 = tpu.vector_load %arg8[%swap3A_602] {strides = array<i32>} : memref<1024xi32, #tpu.memory_space<vmem>>, vector<16xi32>,
        tpu.vector_store %arg8[%swap3A_602], %add3A_599 {strides = array<i32>} : memref<1024xi32, #tpu.memory_space<vmem>>, vector<16xi32>,
        tpu.vector_store_idx %arg6[%select_n3A_593, %broadcast_in_dim3A_563, %add3A_587], %broadcast_in_dim3A_5 masked %lt3A_590 : memref<50x8x128xf32, #tpu.memory_space<vmem>>[vector<16xi32>, vector<16xi32>, vector<16xi32>], vector<16xf32>, vector<16xi1>
        %get3A_604 = arith.index_cast %scan3A_560 : i32 to index
        %get3A_605 = arith.constant 32 : index
        %get3A_606 = tpu.vector_load %arg4[%get3A_604, %get3A_605] {strides = array<i32>} : memref<16x128xf32, #tpu.memory_space<vmem>>, vector<16xf32>,
        %convert_element_type3A_607 = arith.fptosi %get3A_606 : vector<16xf32> to vector<16xi32>
        %add3A_608 = arith.constant 32 : i32
        %add3A_609 = vector.broadcast %add3A_608 : i32 to vector<16xi32>
        %add3A_610 = arith.addi %add3A_609, %iota3A : vector<16xi32>
        %lt3A_611 = arith.constant 50 : i32
        %lt3A_612 = vector.broadcast %lt3A_611 : i32 to vector<16xi32>
        %lt3A_613 = arith.cmpi slt, %convert_element_type3A_607, %lt3A_612 : vector<16xi32>
        %jit3A_614 = arith.constant 0 : i32
        %broadcast_in_dim3A_615 = vector.broadcast %jit3A_614 : i32 to vector<16xi32>
        %select_n3A_616 = arith.select %lt3A_613, %convert_element_type3A_607, %broadcast_in_dim3A_615 : vector<16xi1>, vector<16xi32>
        %mul3A_617 = arith.constant 1024 : i32
        %mul3A_618 = vector.broadcast %mul3A_617 : i32 to vector<16xi32>
        %mul3A_619 = arith.muli %select_n3A_616, %mul3A_618 : vector<16xi32>
        %add3A_620 = vector.broadcast %mul3A_562 : i32 to vector<16xi32>
        %add3A_621 = arith.addi %mul3A_619, %add3A_620 : vector<16xi32>
        %add3A_622 = arith.addi %add3A_621, %add3A_610 : vector<16xi32>
        %add3A_623 = arith.constant 32 : i32
        %add3A_624 = arith.addi %mul3A_562, %add3A_623 : i32
        %swap3A_625 = arith.index_cast %add3A_624 : i32 to index
        %swap3A_626 = tpu.vector_load %arg8[%swap3A_625] {strides = array<i32>} : memref<1024xi32, #tpu.memory_space<vmem>>, vector<16xi32>,
        tpu.vector_store %arg8[%swap3A_625], %add3A_622 {strides = array<i32>} : memref<1024xi32, #tpu.memory_space<vmem>>, vector<16xi32>,
        tpu.vector_store_idx %arg6[%select_n3A_616, %broadcast_in_dim3A_563, %add3A_610], %broadcast_in_dim3A_5 masked %lt3A_613 : memref<50x8x128xf32, #tpu.memory_space<vmem>>[vector<16xi32>, vector<16xi32>, vector<16xi32>], vector<16xf32>, vector<16xi1>
        %get3A_627 = arith.index_cast %scan3A_560 : i32 to index
        %get3A_628 = arith.constant 48 : index
        %get3A_629 = tpu.vector_load %arg4[%get3A_627, %get3A_628] {strides = array<i32>} : memref<16x128xf32, #tpu.memory_space<vmem>>, vector<16xf32>,
        %convert_element_type3A_630 = arith.fptosi %get3A_629 : vector<16xf32> to vector<16xi32>
        %add3A_631 = arith.constant 48 : i32
        %add3A_632 = vector.broadcast %add3A_631 : i32 to vector<16xi32>
        %add3A_633 = arith.addi %add3A_632, %iota3A : vector<16xi32>
        %lt3A_634 = arith.constant 50 : i32
        %lt3A_635 = vector.broadcast %lt3A_634 : i32 to vector<16xi32>
        %lt3A_636 = arith.cmpi slt, %convert_element_type3A_630, %lt3A_635 : vector<16xi32>
        %jit3A_637 = arith.constant 0 : i32
        %broadcast_in_dim3A_638 = vector.broadcast %jit3A_637 : i32 to vector<16xi32>
        %select_n3A_639 = arith.select %lt3A_636, %convert_element_type3A_630, %broadcast_in_dim3A_638 : vector<16xi1>, vector<16xi32>
        %mul3A_640 = arith.constant 1024 : i32
        %mul3A_641 = vector.broadcast %mul3A_640 : i32 to vector<16xi32>
        %mul3A_642 = arith.muli %select_n3A_639, %mul3A_641 : vector<16xi32>
        %add3A_643 = vector.broadcast %mul3A_562 : i32 to vector<16xi32>
        %add3A_644 = arith.addi %mul3A_642, %add3A_643 : vector<16xi32>
        %add3A_645 = arith.addi %add3A_644, %add3A_633 : vector<16xi32>
        %add3A_646 = arith.constant 48 : i32
        %add3A_647 = arith.addi %mul3A_562, %add3A_646 : i32
        %swap3A_648 = arith.index_cast %add3A_647 : i32 to index
        %swap3A_649 = tpu.vector_load %arg8[%swap3A_648] {strides = array<i32>} : memref<1024xi32, #tpu.memory_space<vmem>>, vector<16xi32>,
        tpu.vector_store %arg8[%swap3A_648], %add3A_645 {strides = array<i32>} : memref<1024xi32, #tpu.memory_space<vmem>>, vector<16xi32>,
        tpu.vector_store_idx %arg6[%select_n3A_639, %broadcast_in_dim3A_563, %add3A_633], %broadcast_in_dim3A_5 masked %lt3A_636 : memref<50x8x128xf32, #tpu.memory_space<vmem>>[vector<16xi32>, vector<16xi32>, vector<16xi32>], vector<16xf32>, vector<16xi1>
        %get3A_650 = arith.index_cast %scan3A_560 : i32 to index
        %get3A_651 = arith.constant 64 : index
        %get3A_652 = tpu.vector_load %arg4[%get3A_650, %get3A_651] {strides = array<i32>} : memref<16x128xf32, #tpu.memory_space<vmem>>, vector<16xf32>,
        %convert_element_type3A_653 = arith.fptosi %get3A_652 : vector<16xf32> to vector<16xi32>
        %add3A_654 = arith.constant 64 : i32
        %add3A_655 = vector.broadcast %add3A_654 : i32 to vector<16xi32>
        %add3A_656 = arith.addi %add3A_655, %iota3A : vector<16xi32>
        %lt3A_657 = arith.constant 50 : i32
        %lt3A_658 = vector.broadcast %lt3A_657 : i32 to vector<16xi32>
        %lt3A_659 = arith.cmpi slt, %convert_element_type3A_653, %lt3A_658 : vector<16xi32>
        %jit3A_660 = arith.constant 0 : i32
        %broadcast_in_dim3A_661 = vector.broadcast %jit3A_660 : i32 to vector<16xi32>
        %select_n3A_662 = arith.select %lt3A_659, %convert_element_type3A_653, %broadcast_in_dim3A_661 : vector<16xi1>, vector<16xi32>
        %mul3A_663 = arith.constant 1024 : i32
        %mul3A_664 = vector.broadcast %mul3A_663 : i32 to vector<16xi32>
        %mul3A_665 = arith.muli %select_n3A_662, %mul3A_664 : vector<16xi32>
        %add3A_666 = vector.broadcast %mul3A_562 : i32 to vector<16xi32>
        %add3A_667 = arith.addi %mul3A_665, %add3A_666 : vector<16xi32>
        %add3A_668 = arith.addi %add3A_667, %add3A_656 : vector<16xi32>
        %add3A_669 = arith.constant 64 : i32
        %add3A_670 = arith.addi %mul3A_562, %add3A_669 : i32
        %swap3A_671 = arith.index_cast %add3A_670 : i32 to index
        %swap3A_672 = tpu.vector_load %arg8[%swap3A_671] {strides = array<i32>} : memref<1024xi32, #tpu.memory_space<vmem>>, vector<16xi32>,
        tpu.vector_store %arg8[%swap3A_671], %add3A_668 {strides = array<i32>} : memref<1024xi32, #tpu.memory_space<vmem>>, vector<16xi32>,
        tpu.vector_store_idx %arg6[%select_n3A_662, %broadcast_in_dim3A_563, %add3A_656], %broadcast_in_dim3A_5 masked %lt3A_659 : memref<50x8x128xf32, #tpu.memory_space<vmem>>[vector<16xi32>, vector<16xi32>, vector<16xi32>], vector<16xf32>, vector<16xi1>
        %get3A_673 = arith.index_cast %scan3A_560 : i32 to index
        %get3A_674 = arith.constant 80 : index
        %get3A_675 = tpu.vector_load %arg4[%get3A_673, %get3A_674] {strides = array<i32>} : memref<16x128xf32, #tpu.memory_space<vmem>>, vector<16xf32>,
        %convert_element_type3A_676 = arith.fptosi %get3A_675 : vector<16xf32> to vector<16xi32>
        %add3A_677 = arith.constant 80 : i32
        %add3A_678 = vector.broadcast %add3A_677 : i32 to vector<16xi32>
        %add3A_679 = arith.addi %add3A_678, %iota3A : vector<16xi32>
        %lt3A_680 = arith.constant 50 : i32
        %lt3A_681 = vector.broadcast %lt3A_680 : i32 to vector<16xi32>
        %lt3A_682 = arith.cmpi slt, %convert_element_type3A_676, %lt3A_681 : vector<16xi32>
        %jit3A_683 = arith.constant 0 : i32
        %broadcast_in_dim3A_684 = vector.broadcast %jit3A_683 : i32 to vector<16xi32>
        %select_n3A_685 = arith.select %lt3A_682, %convert_element_type3A_676, %broadcast_in_dim3A_684 : vector<16xi1>, vector<16xi32>
        %mul3A_686 = arith.constant 1024 : i32
        %mul3A_687 = vector.broadcast %mul3A_686 : i32 to vector<16xi32>
        %mul3A_688 = arith.muli %select_n3A_685, %mul3A_687 : vector<16xi32>
        %add3A_689 = vector.broadcast %mul3A_562 : i32 to vector<16xi32>
        %add3A_690 = arith.addi %mul3A_688, %add3A_689 : vector<16xi32>
        %add3A_691 = arith.addi %add3A_690, %add3A_679 : vector<16xi32>
        %add3A_692 = arith.constant 80 : i32
        %add3A_693 = arith.addi %mul3A_562, %add3A_692 : i32
        %swap3A_694 = arith.index_cast %add3A_693 : i32 to index
        %swap3A_695 = tpu.vector_load %arg8[%swap3A_694] {strides = array<i32>} : memref<1024xi32, #tpu.memory_space<vmem>>, vector<16xi32>,
        tpu.vector_store %arg8[%swap3A_694], %add3A_691 {strides = array<i32>} : memref<1024xi32, #tpu.memory_space<vmem>>, vector<16xi32>,
        tpu.vector_store_idx %arg6[%select_n3A_685, %broadcast_in_dim3A_563, %add3A_679], %broadcast_in_dim3A_5 masked %lt3A_682 : memref<50x8x128xf32, #tpu.memory_space<vmem>>[vector<16xi32>, vector<16xi32>, vector<16xi32>], vector<16xf32>, vector<16xi1>
        %get3A_696 = arith.index_cast %scan3A_560 : i32 to index
        %get3A_697 = arith.constant 96 : index
        %get3A_698 = tpu.vector_load %arg4[%get3A_696, %get3A_697] {strides = array<i32>} : memref<16x128xf32, #tpu.memory_space<vmem>>, vector<16xf32>,
        %convert_element_type3A_699 = arith.fptosi %get3A_698 : vector<16xf32> to vector<16xi32>
        %add3A_700 = arith.constant 96 : i32
        %add3A_701 = vector.broadcast %add3A_700 : i32 to vector<16xi32>
        %add3A_702 = arith.addi %add3A_701, %iota3A : vector<16xi32>
        %lt3A_703 = arith.constant 50 : i32
        %lt3A_704 = vector.broadcast %lt3A_703 : i32 to vector<16xi32>
        %lt3A_705 = arith.cmpi slt, %convert_element_type3A_699, %lt3A_704 : vector<16xi32>
        %jit3A_706 = arith.constant 0 : i32
        %broadcast_in_dim3A_707 = vector.broadcast %jit3A_706 : i32 to vector<16xi32>
        %select_n3A_708 = arith.select %lt3A_705, %convert_element_type3A_699, %broadcast_in_dim3A_707 : vector<16xi1>, vector<16xi32>
        %mul3A_709 = arith.constant 1024 : i32
        %mul3A_710 = vector.broadcast %mul3A_709 : i32 to vector<16xi32>
        %mul3A_711 = arith.muli %select_n3A_708, %mul3A_710 : vector<16xi32>
        %add3A_712 = vector.broadcast %mul3A_562 : i32 to vector<16xi32>
        %add3A_713 = arith.addi %mul3A_711, %add3A_712 : vector<16xi32>
        %add3A_714 = arith.addi %add3A_713, %add3A_702 : vector<16xi32>
        %add3A_715 = arith.constant 96 : i32
        %add3A_716 = arith.addi %mul3A_562, %add3A_715 : i32
        %swap3A_717 = arith.index_cast %add3A_716 : i32 to index
        %swap3A_718 = tpu.vector_load %arg8[%swap3A_717] {strides = array<i32>} : memref<1024xi32, #tpu.memory_space<vmem>>, vector<16xi32>,
        tpu.vector_store %arg8[%swap3A_717], %add3A_714 {strides = array<i32>} : memref<1024xi32, #tpu.memory_space<vmem>>, vector<16xi32>,
        tpu.vector_store_idx %arg6[%select_n3A_708, %broadcast_in_dim3A_563, %add3A_702], %broadcast_in_dim3A_5 masked %lt3A_705 : memref<50x8x128xf32, #tpu.memory_space<vmem>>[vector<16xi32>, vector<16xi32>, vector<16xi32>], vector<16xf32>, vector<16xi1>
        %get3A_719 = arith.index_cast %scan3A_560 : i32 to index
        %get3A_720 = arith.constant 112 : index
        %get3A_721 = tpu.vector_load %arg4[%get3A_719, %get3A_720] {strides = array<i32>} : memref<16x128xf32, #tpu.memory_space<vmem>>, vector<16xf32>,
        %convert_element_type3A_722 = arith.fptosi %get3A_721 : vector<16xf32> to vector<16xi32>
        %add3A_723 = arith.constant 112 : i32
        %add3A_724 = vector.broadcast %add3A_723 : i32 to vector<16xi32>
        %add3A_725 = arith.addi %add3A_724, %iota3A : vector<16xi32>
        %lt3A_726 = arith.constant 50 : i32
        %lt3A_727 = vector.broadcast %lt3A_726 : i32 to vector<16xi32>
        %lt3A_728 = arith.cmpi slt, %convert_element_type3A_722, %lt3A_727 : vector<16xi32>
        %jit3A_729 = arith.constant 0 : i32
        %broadcast_in_dim3A_730 = vector.broadcast %jit3A_729 : i32 to vector<16xi32>
        %select_n3A_731 = arith.select %lt3A_728, %convert_element_type3A_722, %broadcast_in_dim3A_730 : vector<16xi1>, vector<16xi32>
        %mul3A_732 = arith.constant 1024 : i32
        %mul3A_733 = vector.broadcast %mul3A_732 : i32 to vector<16xi32>
        %mul3A_734 = arith.muli %select_n3A_731, %mul3A_733 : vector<16xi32>
        %add3A_735 = vector.broadcast %mul3A_562 : i32 to vector<16xi32>
        %add3A_736 = arith.addi %mul3A_734, %add3A_735 : vector<16xi32>
        %add3A_737 = arith.addi %add3A_736, %add3A_725 : vector<16xi32>
        %add3A_738 = arith.constant 112 : i32
        %add3A_739 = arith.addi %mul3A_562, %add3A_738 : i32
        %swap3A_740 = arith.index_cast %add3A_739 : i32 to index
        %swap3A_741 = tpu.vector_load %arg8[%swap3A_740] {strides = array<i32>} : memref<1024xi32, #tpu.memory_space<vmem>>, vector<16xi32>,
        tpu.vector_store %arg8[%swap3A_740], %add3A_737 {strides = array<i32>} : memref<1024xi32, #tpu.memory_space<vmem>>, vector<16xi32>,
        tpu.vector_store_idx %arg6[%select_n3A_731, %broadcast_in_dim3A_563, %add3A_725], %broadcast_in_dim3A_5 masked %lt3A_728 : memref<50x8x128xf32, #tpu.memory_space<vmem>>[vector<16xi32>, vector<16xi32>, vector<16xi32>], vector<16xf32>, vector<16xi1>
      }
      %scan3A_437 = arith.constant 8 : i32
      %mul3A_438 = arith.constant 8 : i32
      %mul3A_439 = arith.muli %add3A_392, %mul3A_438 : i32
      %dma_start3A_440 = arith.constant 0 : i32
      %dma_start3A_441 = arith.constant 0 : i32
      %dma_start3A_442 = arith.constant 0 : i32
      %dma_start3A_443 = tpu.memref_slice %arg6[%dma_start3A_440, %dma_start3A_441, %dma_start3A_442] : memref<50x8x128xf32, #tpu.memory_space<vmem>> -> memref<25x8x128xf32, #tpu.memory_space<vmem>>
      %dma_start3A_444 = arith.constant 0 : i32
      %dma_start3A_445 = tpu.memref_slice %arg3[%dma_start3A_444, %mul3A_439, %mul3A_2] : memref<100x200x4096xf32, #tpu.memory_space<hbm>> -> memref<25x8x128xf32, #tpu.memory_space<hbm>>
      %dma_start3A_446 = arith.constant 0 : i32
      %dma_start3A_447 = tpu.memref_slice %arg3[%dma_start3A_446, %mul3A_439, %mul3A_2] : memref<100x200x4096xf32, #tpu.memory_space<hbm>> -> memref<25x8x128xf32, #tpu.memory_space<hbm>>
      %dma_start3A_448 = arith.constant 0 : i32
      %dma_start3A_449 = arith.constant 0 : i32
      %dma_start3A_450 = arith.constant 0 : i32
      %dma_start3A_451 = tpu.memref_slice %arg6[%dma_start3A_448, %dma_start3A_449, %dma_start3A_450] : memref<50x8x128xf32, #tpu.memory_space<vmem>> -> memref<25x8x128xf32, #tpu.memory_space<vmem>>
      tpu.enqueue_dma source(%dma_start3A_451 : memref<25x8x128xf32, #tpu.memory_space<vmem>>) target(%dma_start3A_447 : memref<25x8x128xf32, #tpu.memory_space<hbm>>) target_semaphore(%arg12 : memref<!tpu.dma_semaphore, #tpu.memory_space<semaphore_mem>>)
      %mul3A_452 = arith.constant 8 : i32
      %mul3A_453 = arith.muli %add3A_392, %mul3A_452 : i32
      %dma_start3A_454 = arith.constant 25 : i32
      %dma_start3A_455 = arith.constant 0 : i32
      %dma_start3A_456 = arith.constant 0 : i32
      %dma_start3A_457 = tpu.memref_slice %arg6[%dma_start3A_454, %dma_start3A_455, %dma_start3A_456] : memref<50x8x128xf32, #tpu.memory_space<vmem>> -> memref<25x8x128xf32, #tpu.memory_space<vmem>>
      %dma_start3A_458 = arith.constant 25 : i32
      %dma_start3A_459 = tpu.memref_slice %arg3[%dma_start3A_458, %mul3A_453, %mul3A_2] : memref<100x200x4096xf32, #tpu.memory_space<hbm>> -> memref<25x8x128xf32, #tpu.memory_space<hbm>>
      %dma_start3A_460 = arith.constant 25 : i32
      %dma_start3A_461 = tpu.memref_slice %arg3[%dma_start3A_460, %mul3A_453, %mul3A_2] : memref<100x200x4096xf32, #tpu.memory_space<hbm>> -> memref<25x8x128xf32, #tpu.memory_space<hbm>>
      %dma_start3A_462 = arith.constant 25 : i32
      %dma_start3A_463 = arith.constant 0 : i32
      %dma_start3A_464 = arith.constant 0 : i32
      %dma_start3A_465 = tpu.memref_slice %arg6[%dma_start3A_462, %dma_start3A_463, %dma_start3A_464] : memref<50x8x128xf32, #tpu.memory_space<vmem>> -> memref<25x8x128xf32, #tpu.memory_space<vmem>>
      tpu.enqueue_dma source(%dma_start3A_465 : memref<25x8x128xf32, #tpu.memory_space<vmem>>) target(%dma_start3A_461 : memref<25x8x128xf32, #tpu.memory_space<hbm>>) target_semaphore(%arg12 : memref<!tpu.dma_semaphore, #tpu.memory_space<semaphore_mem>>)
      %dma_wait3A_466 = arith.constant 0 : i32
      %dma_wait3A_467 = arith.constant 0 : i32
      %dma_wait3A_468 = arith.constant 0 : i32
      %dma_wait3A_469 = tpu.memref_slice %arg7[%dma_wait3A_466, %dma_wait3A_467, %dma_wait3A_468] : memref<50x8x128xf32, #tpu.memory_space<vmem>> -> memref<25x8x128xf32, #tpu.memory_space<vmem>>
      %dma_wait3A_470 = arith.constant 0 : i32
      %dma_wait3A_471 = arith.constant 0 : i32
      %dma_wait3A_472 = arith.constant 0 : i32
      %dma_wait3A_473 = tpu.memref_slice %arg3[%dma_wait3A_470, %dma_wait3A_471, %dma_wait3A_472] : memref<100x200x4096xf32, #tpu.memory_space<hbm>> -> memref<25x8x128xf32, #tpu.memory_space<hbm>>
      %dma_wait3A_474 = arith.constant 0 : i32
      %dma_wait3A_475 = arith.constant 0 : i32
      %dma_wait3A_476 = arith.constant 0 : i32
      %dma_wait3A_477 = tpu.memref_slice %arg3[%dma_wait3A_474, %dma_wait3A_475, %dma_wait3A_476] : memref<100x200x4096xf32, #tpu.memory_space<hbm>> -> memref<25x8x128xf32, #tpu.memory_space<hbm>>
      %dma_wait3A_478 = arith.constant 0 : i32
      %dma_wait3A_479 = arith.constant 0 : i32
      %dma_wait3A_480 = arith.constant 0 : i32
      %dma_wait3A_481 = tpu.memref_slice %arg7[%dma_wait3A_478, %dma_wait3A_479, %dma_wait3A_480] : memref<50x8x128xf32, #tpu.memory_space<vmem>> -> memref<25x8x128xf32, #tpu.memory_space<vmem>>
      tpu.wait_dma2 semaphore(%arg13 : memref<!tpu.dma_semaphore, #tpu.memory_space<semaphore_mem>>) src(%dma_wait3A_481 : memref<25x8x128xf32, #tpu.memory_space<vmem>>) dst(%dma_wait3A_477 : memref<25x8x128xf32, #tpu.memory_space<hbm>>)
      %dma_wait3A_482 = arith.constant 0 : i32
      %dma_wait3A_483 = arith.constant 0 : i32
      %dma_wait3A_484 = arith.constant 0 : i32
      %dma_wait3A_485 = tpu.memref_slice %arg7[%dma_wait3A_482, %dma_wait3A_483, %dma_wait3A_484] : memref<50x8x128xf32, #tpu.memory_space<vmem>> -> memref<25x8x128xf32, #tpu.memory_space<vmem>>
      %dma_wait3A_486 = arith.constant 0 : i32
      %dma_wait3A_487 = arith.constant 0 : i32
      %dma_wait3A_488 = arith.constant 0 : i32
      %dma_wait3A_489 = tpu.memref_slice %arg3[%dma_wait3A_486, %dma_wait3A_487, %dma_wait3A_488] : memref<100x200x4096xf32, #tpu.memory_space<hbm>> -> memref<25x8x128xf32, #tpu.memory_space<hbm>>
      %dma_wait3A_490 = arith.constant 0 : i32
      %dma_wait3A_491 = arith.constant 0 : i32
      %dma_wait3A_492 = arith.constant 0 : i32
      %dma_wait3A_493 = tpu.memref_slice %arg3[%dma_wait3A_490, %dma_wait3A_491, %dma_wait3A_492] : memref<100x200x4096xf32, #tpu.memory_space<hbm>> -> memref<25x8x128xf32, #tpu.memory_space<hbm>>
      %dma_wait3A_494 = arith.constant 0 : i32
      %dma_wait3A_495 = arith.constant 0 : i32
      %dma_wait3A_496 = arith.constant 0 : i32
      %dma_wait3A_497 = tpu.memref_slice %arg7[%dma_wait3A_494, %dma_wait3A_495, %dma_wait3A_496] : memref<50x8x128xf32, #tpu.memory_space<vmem>> -> memref<25x8x128xf32, #tpu.memory_space<vmem>>
      tpu.wait_dma2 semaphore(%arg13 : memref<!tpu.dma_semaphore, #tpu.memory_space<semaphore_mem>>) src(%dma_wait3A_497 : memref<25x8x128xf32, #tpu.memory_space<vmem>>) dst(%dma_wait3A_493 : memref<25x8x128xf32, #tpu.memory_space<hbm>>)
      %scan3A_498 = arith.constant 0 : i32
      %scan3A_499 = arith.constant 64 : i32
      %scan3A_500 = arith.addi %scan3A_498, %scan3A_499 : i32
      %scan3A_501 = arith.constant 1 : i32
      scf.for %scan3A_560 = %scan3A_498 to %scan3A_500 step %scan3A_501  : i32 {
        %mul3A_561 = arith.constant 16 : i32
        %mul3A_562 = arith.muli %scan3A_560, %mul3A_561 : i32
        %get3A = arith.index_cast %mul3A_562 : i32 to index
        %get3A_563 = tpu.vector_load %arg9[%get3A] {strides = array<i32>} : memref<1024xi32, #tpu.memory_space<vmem>>, vector<16xi32>,
        %shift_right_logical3A = arith.constant 10 : i32
        %shift_right_logical3A_564 = vector.broadcast %shift_right_logical3A : i32 to vector<16xi32>
        %shift_right_logical3A_565 = arith.shrui %get3A_563, %shift_right_logical3A_564 : vector<16xi32>
        %shift_right_logical3A_566 = arith.constant 7 : i32
        %shift_right_logical3A_567 = vector.broadcast %shift_right_logical3A_566 : i32 to vector<16xi32>
        %shift_right_logical3A_568 = arith.shrui %get3A_563, %shift_right_logical3A_567 : vector<16xi32>
        %and3A = arith.constant 7 : i32
        %and3A_569 = vector.broadcast %and3A : i32 to vector<16xi32>
        %and3A_570 = arith.andi %shift_right_logical3A_568, %and3A_569 : vector<16xi32>
        %and3A_571 = arith.constant 127 : i32
        %and3A_572 = vector.broadcast %and3A_571 : i32 to vector<16xi32>
        %and3A_573 = arith.andi %get3A_563, %and3A_572 : vector<16xi32>
        tpu.vector_store_idx %arg7[%shift_right_logical3A_565, %and3A_570, %and3A_573], %broadcast_in_dim3A_3 : memref<50x8x128xf32, #tpu.memory_space<vmem>>[vector<16xi32>, vector<16xi32>, vector<16xi32>], vector<16xf32>,
      }
      %scan3A_502 = arith.constant 64 : i32
      %scan3A_503 = arith.constant 0 : i32
      %scan3A_504 = arith.constant 8 : i32
      %scan3A_505 = arith.addi %scan3A_503, %scan3A_504 : i32
      %scan3A_506 = arith.constant 1 : i32
      scf.for %scan3A_560 = %scan3A_503 to %scan3A_505 step %scan3A_506  : i32 {
        %mul3A_561 = arith.constant 128 : i32
        %mul3A_562 = arith.muli %scan3A_560, %mul3A_561 : i32
        %broadcast_in_dim3A_563 = vector.broadcast %scan3A_560 : i32 to vector<16xi32>
        %get3A = arith.index_cast %scan3A_560 : i32 to index
        %get3A_564 = arith.constant 0 : index
        %get3A_565 = tpu.vector_load %arg4[%get3A, %get3A_564] {strides = array<i32>} : memref<16x128xf32, #tpu.memory_space<vmem>>, vector<16xf32>,
        %convert_element_type3A = arith.fptosi %get3A_565 : vector<16xf32> to vector<16xi32>
        %add3A_566 = arith.constant 0 : i32
        %add3A_567 = vector.broadcast %add3A_566 : i32 to vector<16xi32>
        %add3A_568 = arith.addi %add3A_567, %iota3A : vector<16xi32>
        %ge3A = arith.constant 50 : i32
        %ge3A_569 = vector.broadcast %ge3A : i32 to vector<16xi32>
        %ge3A_570 = arith.cmpi sge, %convert_element_type3A, %ge3A_569 : vector<16xi32>
        %sub3A = arith.constant 50 : i32
        %sub3A_571 = vector.broadcast %sub3A : i32 to vector<16xi32>
        %sub3A_572 = arith.subi %convert_element_type3A, %sub3A_571 : vector<16xi32>
        %jit3A = arith.constant 0 : i32
        %broadcast_in_dim3A_573 = vector.broadcast %jit3A : i32 to vector<16xi32>
        %select_n3A = arith.select %ge3A_570, %sub3A_572, %broadcast_in_dim3A_573 : vector<16xi1>, vector<16xi32>
        %mul3A_574 = arith.constant 1024 : i32
        %mul3A_575 = vector.broadcast %mul3A_574 : i32 to vector<16xi32>
        %mul3A_576 = arith.muli %select_n3A, %mul3A_575 : vector<16xi32>
        %add3A_577 = vector.broadcast %mul3A_562 : i32 to vector<16xi32>
        %add3A_578 = arith.addi %mul3A_576, %add3A_577 : vector<16xi32>
        %add3A_579 = arith.addi %add3A_578, %add3A_568 : vector<16xi32>
        %add3A_580 = arith.constant 0 : i32
        %add3A_581 = arith.addi %mul3A_562, %add3A_580 : i32
        %swap3A = arith.index_cast %add3A_581 : i32 to index
        %swap3A_582 = tpu.vector_load %arg9[%swap3A] {strides = array<i32>} : memref<1024xi32, #tpu.memory_space<vmem>>, vector<16xi32>,
        tpu.vector_store %arg9[%swap3A], %add3A_579 {strides = array<i32>} : memref<1024xi32, #tpu.memory_space<vmem>>, vector<16xi32>,
        tpu.vector_store_idx %arg7[%select_n3A, %broadcast_in_dim3A_563, %add3A_568], %broadcast_in_dim3A_5 masked %ge3A_570 : memref<50x8x128xf32, #tpu.memory_space<vmem>>[vector<16xi32>, vector<16xi32>, vector<16xi32>], vector<16xf32>, vector<16xi1>
        %get3A_583 = arith.index_cast %scan3A_560 : i32 to index
        %get3A_584 = arith.constant 16 : index
        %get3A_585 = tpu.vector_load %arg4[%get3A_583, %get3A_584] {strides = array<i32>} : memref<16x128xf32, #tpu.memory_space<vmem>>, vector<16xf32>,
        %convert_element_type3A_586 = arith.fptosi %get3A_585 : vector<16xf32> to vector<16xi32>
        %add3A_587 = arith.constant 16 : i32
        %add3A_588 = vector.broadcast %add3A_587 : i32 to vector<16xi32>
        %add3A_589 = arith.addi %add3A_588, %iota3A : vector<16xi32>
        %ge3A_590 = arith.constant 50 : i32
        %ge3A_591 = vector.broadcast %ge3A_590 : i32 to vector<16xi32>
        %ge3A_592 = arith.cmpi sge, %convert_element_type3A_586, %ge3A_591 : vector<16xi32>
        %sub3A_593 = arith.constant 50 : i32
        %sub3A_594 = vector.broadcast %sub3A_593 : i32 to vector<16xi32>
        %sub3A_595 = arith.subi %convert_element_type3A_586, %sub3A_594 : vector<16xi32>
        %jit3A_596 = arith.constant 0 : i32
        %broadcast_in_dim3A_597 = vector.broadcast %jit3A_596 : i32 to vector<16xi32>
        %select_n3A_598 = arith.select %ge3A_592, %sub3A_595, %broadcast_in_dim3A_597 : vector<16xi1>, vector<16xi32>
        %mul3A_599 = arith.constant 1024 : i32
        %mul3A_600 = vector.broadcast %mul3A_599 : i32 to vector<16xi32>
        %mul3A_601 = arith.muli %select_n3A_598, %mul3A_600 : vector<16xi32>
        %add3A_602 = vector.broadcast %mul3A_562 : i32 to vector<16xi32>
        %add3A_603 = arith.addi %mul3A_601, %add3A_602 : vector<16xi32>
        %add3A_604 = arith.addi %add3A_603, %add3A_589 : vector<16xi32>
        %add3A_605 = arith.constant 16 : i32
        %add3A_606 = arith.addi %mul3A_562, %add3A_605 : i32
        %swap3A_607 = arith.index_cast %add3A_606 : i32 to index
        %swap3A_608 = tpu.vector_load %arg9[%swap3A_607] {strides = array<i32>} : memref<1024xi32, #tpu.memory_space<vmem>>, vector<16xi32>,
        tpu.vector_store %arg9[%swap3A_607], %add3A_604 {strides = array<i32>} : memref<1024xi32, #tpu.memory_space<vmem>>, vector<16xi32>,
        tpu.vector_store_idx %arg7[%select_n3A_598, %broadcast_in_dim3A_563, %add3A_589], %broadcast_in_dim3A_5 masked %ge3A_592 : memref<50x8x128xf32, #tpu.memory_space<vmem>>[vector<16xi32>, vector<16xi32>, vector<16xi32>], vector<16xf32>, vector<16xi1>
        %get3A_609 = arith.index_cast %scan3A_560 : i32 to index
        %get3A_610 = arith.constant 32 : index
        %get3A_611 = tpu.vector_load %arg4[%get3A_609, %get3A_610] {strides = array<i32>} : memref<16x128xf32, #tpu.memory_space<vmem>>, vector<16xf32>,
        %convert_element_type3A_612 = arith.fptosi %get3A_611 : vector<16xf32> to vector<16xi32>
        %add3A_613 = arith.constant 32 : i32
        %add3A_614 = vector.broadcast %add3A_613 : i32 to vector<16xi32>
        %add3A_615 = arith.addi %add3A_614, %iota3A : vector<16xi32>
        %ge3A_616 = arith.constant 50 : i32
        %ge3A_617 = vector.broadcast %ge3A_616 : i32 to vector<16xi32>
        %ge3A_618 = arith.cmpi sge, %convert_element_type3A_612, %ge3A_617 : vector<16xi32>
        %sub3A_619 = arith.constant 50 : i32
        %sub3A_620 = vector.broadcast %sub3A_619 : i32 to vector<16xi32>
        %sub3A_621 = arith.subi %convert_element_type3A_612, %sub3A_620 : vector<16xi32>
        %jit3A_622 = arith.constant 0 : i32
        %broadcast_in_dim3A_623 = vector.broadcast %jit3A_622 : i32 to vector<16xi32>
        %select_n3A_624 = arith.select %ge3A_618, %sub3A_621, %broadcast_in_dim3A_623 : vector<16xi1>, vector<16xi32>
        %mul3A_625 = arith.constant 1024 : i32
        %mul3A_626 = vector.broadcast %mul3A_625 : i32 to vector<16xi32>
        %mul3A_627 = arith.muli %select_n3A_624, %mul3A_626 : vector<16xi32>
        %add3A_628 = vector.broadcast %mul3A_562 : i32 to vector<16xi32>
        %add3A_629 = arith.addi %mul3A_627, %add3A_628 : vector<16xi32>
        %add3A_630 = arith.addi %add3A_629, %add3A_615 : vector<16xi32>
        %add3A_631 = arith.constant 32 : i32
        %add3A_632 = arith.addi %mul3A_562, %add3A_631 : i32
        %swap3A_633 = arith.index_cast %add3A_632 : i32 to index
        %swap3A_634 = tpu.vector_load %arg9[%swap3A_633] {strides = array<i32>} : memref<1024xi32, #tpu.memory_space<vmem>>, vector<16xi32>,
        tpu.vector_store %arg9[%swap3A_633], %add3A_630 {strides = array<i32>} : memref<1024xi32, #tpu.memory_space<vmem>>, vector<16xi32>,
        tpu.vector_store_idx %arg7[%select_n3A_624, %broadcast_in_dim3A_563, %add3A_615], %broadcast_in_dim3A_5 masked %ge3A_618 : memref<50x8x128xf32, #tpu.memory_space<vmem>>[vector<16xi32>, vector<16xi32>, vector<16xi32>], vector<16xf32>, vector<16xi1>
        %get3A_635 = arith.index_cast %scan3A_560 : i32 to index
        %get3A_636 = arith.constant 48 : index
        %get3A_637 = tpu.vector_load %arg4[%get3A_635, %get3A_636] {strides = array<i32>} : memref<16x128xf32, #tpu.memory_space<vmem>>, vector<16xf32>,
        %convert_element_type3A_638 = arith.fptosi %get3A_637 : vector<16xf32> to vector<16xi32>
        %add3A_639 = arith.constant 48 : i32
        %add3A_640 = vector.broadcast %add3A_639 : i32 to vector<16xi32>
        %add3A_641 = arith.addi %add3A_640, %iota3A : vector<16xi32>
        %ge3A_642 = arith.constant 50 : i32
        %ge3A_643 = vector.broadcast %ge3A_642 : i32 to vector<16xi32>
        %ge3A_644 = arith.cmpi sge, %convert_element_type3A_638, %ge3A_643 : vector<16xi32>
        %sub3A_645 = arith.constant 50 : i32
        %sub3A_646 = vector.broadcast %sub3A_645 : i32 to vector<16xi32>
        %sub3A_647 = arith.subi %convert_element_type3A_638, %sub3A_646 : vector<16xi32>
        %jit3A_648 = arith.constant 0 : i32
        %broadcast_in_dim3A_649 = vector.broadcast %jit3A_648 : i32 to vector<16xi32>
        %select_n3A_650 = arith.select %ge3A_644, %sub3A_647, %broadcast_in_dim3A_649 : vector<16xi1>, vector<16xi32>
        %mul3A_651 = arith.constant 1024 : i32
        %mul3A_652 = vector.broadcast %mul3A_651 : i32 to vector<16xi32>
        %mul3A_653 = arith.muli %select_n3A_650, %mul3A_652 : vector<16xi32>
        %add3A_654 = vector.broadcast %mul3A_562 : i32 to vector<16xi32>
        %add3A_655 = arith.addi %mul3A_653, %add3A_654 : vector<16xi32>
        %add3A_656 = arith.addi %add3A_655, %add3A_641 : vector<16xi32>
        %add3A_657 = arith.constant 48 : i32
        %add3A_658 = arith.addi %mul3A_562, %add3A_657 : i32
        %swap3A_659 = arith.index_cast %add3A_658 : i32 to index
        %swap3A_660 = tpu.vector_load %arg9[%swap3A_659] {strides = array<i32>} : memref<1024xi32, #tpu.memory_space<vmem>>, vector<16xi32>,
        tpu.vector_store %arg9[%swap3A_659], %add3A_656 {strides = array<i32>} : memref<1024xi32, #tpu.memory_space<vmem>>, vector<16xi32>,
        tpu.vector_store_idx %arg7[%select_n3A_650, %broadcast_in_dim3A_563, %add3A_641], %broadcast_in_dim3A_5 masked %ge3A_644 : memref<50x8x128xf32, #tpu.memory_space<vmem>>[vector<16xi32>, vector<16xi32>, vector<16xi32>], vector<16xf32>, vector<16xi1>
        %get3A_661 = arith.index_cast %scan3A_560 : i32 to index
        %get3A_662 = arith.constant 64 : index
        %get3A_663 = tpu.vector_load %arg4[%get3A_661, %get3A_662] {strides = array<i32>} : memref<16x128xf32, #tpu.memory_space<vmem>>, vector<16xf32>,
        %convert_element_type3A_664 = arith.fptosi %get3A_663 : vector<16xf32> to vector<16xi32>
        %add3A_665 = arith.constant 64 : i32
        %add3A_666 = vector.broadcast %add3A_665 : i32 to vector<16xi32>
        %add3A_667 = arith.addi %add3A_666, %iota3A : vector<16xi32>
        %ge3A_668 = arith.constant 50 : i32
        %ge3A_669 = vector.broadcast %ge3A_668 : i32 to vector<16xi32>
        %ge3A_670 = arith.cmpi sge, %convert_element_type3A_664, %ge3A_669 : vector<16xi32>
        %sub3A_671 = arith.constant 50 : i32
        %sub3A_672 = vector.broadcast %sub3A_671 : i32 to vector<16xi32>
        %sub3A_673 = arith.subi %convert_element_type3A_664, %sub3A_672 : vector<16xi32>
        %jit3A_674 = arith.constant 0 : i32
        %broadcast_in_dim3A_675 = vector.broadcast %jit3A_674 : i32 to vector<16xi32>
        %select_n3A_676 = arith.select %ge3A_670, %sub3A_673, %broadcast_in_dim3A_675 : vector<16xi1>, vector<16xi32>
        %mul3A_677 = arith.constant 1024 : i32
        %mul3A_678 = vector.broadcast %mul3A_677 : i32 to vector<16xi32>
        %mul3A_679 = arith.muli %select_n3A_676, %mul3A_678 : vector<16xi32>
        %add3A_680 = vector.broadcast %mul3A_562 : i32 to vector<16xi32>
        %add3A_681 = arith.addi %mul3A_679, %add3A_680 : vector<16xi32>
        %add3A_682 = arith.addi %add3A_681, %add3A_667 : vector<16xi32>
        %add3A_683 = arith.constant 64 : i32
        %add3A_684 = arith.addi %mul3A_562, %add3A_683 : i32
        %swap3A_685 = arith.index_cast %add3A_684 : i32 to index
        %swap3A_686 = tpu.vector_load %arg9[%swap3A_685] {strides = array<i32>} : memref<1024xi32, #tpu.memory_space<vmem>>, vector<16xi32>,
        tpu.vector_store %arg9[%swap3A_685], %add3A_682 {strides = array<i32>} : memref<1024xi32, #tpu.memory_space<vmem>>, vector<16xi32>,
        tpu.vector_store_idx %arg7[%select_n3A_676, %broadcast_in_dim3A_563, %add3A_667], %broadcast_in_dim3A_5 masked %ge3A_670 : memref<50x8x128xf32, #tpu.memory_space<vmem>>[vector<16xi32>, vector<16xi32>, vector<16xi32>], vector<16xf32>, vector<16xi1>
        %get3A_687 = arith.index_cast %scan3A_560 : i32 to index
        %get3A_688 = arith.constant 80 : index
        %get3A_689 = tpu.vector_load %arg4[%get3A_687, %get3A_688] {strides = array<i32>} : memref<16x128xf32, #tpu.memory_space<vmem>>, vector<16xf32>,
        %convert_element_type3A_690 = arith.fptosi %get3A_689 : vector<16xf32> to vector<16xi32>
        %add3A_691 = arith.constant 80 : i32
        %add3A_692 = vector.broadcast %add3A_691 : i32 to vector<16xi32>
        %add3A_693 = arith.addi %add3A_692, %iota3A : vector<16xi32>
        %ge3A_694 = arith.constant 50 : i32
        %ge3A_695 = vector.broadcast %ge3A_694 : i32 to vector<16xi32>
        %ge3A_696 = arith.cmpi sge, %convert_element_type3A_690, %ge3A_695 : vector<16xi32>
        %sub3A_697 = arith.constant 50 : i32
        %sub3A_698 = vector.broadcast %sub3A_697 : i32 to vector<16xi32>
        %sub3A_699 = arith.subi %convert_element_type3A_690, %sub3A_698 : vector<16xi32>
        %jit3A_700 = arith.constant 0 : i32
        %broadcast_in_dim3A_701 = vector.broadcast %jit3A_700 : i32 to vector<16xi32>
        %select_n3A_702 = arith.select %ge3A_696, %sub3A_699, %broadcast_in_dim3A_701 : vector<16xi1>, vector<16xi32>
        %mul3A_703 = arith.constant 1024 : i32
        %mul3A_704 = vector.broadcast %mul3A_703 : i32 to vector<16xi32>
        %mul3A_705 = arith.muli %select_n3A_702, %mul3A_704 : vector<16xi32>
        %add3A_706 = vector.broadcast %mul3A_562 : i32 to vector<16xi32>
        %add3A_707 = arith.addi %mul3A_705, %add3A_706 : vector<16xi32>
        %add3A_708 = arith.addi %add3A_707, %add3A_693 : vector<16xi32>
        %add3A_709 = arith.constant 80 : i32
        %add3A_710 = arith.addi %mul3A_562, %add3A_709 : i32
        %swap3A_711 = arith.index_cast %add3A_710 : i32 to index
        %swap3A_712 = tpu.vector_load %arg9[%swap3A_711] {strides = array<i32>} : memref<1024xi32, #tpu.memory_space<vmem>>, vector<16xi32>,
        tpu.vector_store %arg9[%swap3A_711], %add3A_708 {strides = array<i32>} : memref<1024xi32, #tpu.memory_space<vmem>>, vector<16xi32>,
        tpu.vector_store_idx %arg7[%select_n3A_702, %broadcast_in_dim3A_563, %add3A_693], %broadcast_in_dim3A_5 masked %ge3A_696 : memref<50x8x128xf32, #tpu.memory_space<vmem>>[vector<16xi32>, vector<16xi32>, vector<16xi32>], vector<16xf32>, vector<16xi1>
        %get3A_713 = arith.index_cast %scan3A_560 : i32 to index
        %get3A_714 = arith.constant 96 : index
        %get3A_715 = tpu.vector_load %arg4[%get3A_713, %get3A_714] {strides = array<i32>} : memref<16x128xf32, #tpu.memory_space<vmem>>, vector<16xf32>,
        %convert_element_type3A_716 = arith.fptosi %get3A_715 : vector<16xf32> to vector<16xi32>
        %add3A_717 = arith.constant 96 : i32
        %add3A_718 = vector.broadcast %add3A_717 : i32 to vector<16xi32>
        %add3A_719 = arith.addi %add3A_718, %iota3A : vector<16xi32>
        %ge3A_720 = arith.constant 50 : i32
        %ge3A_721 = vector.broadcast %ge3A_720 : i32 to vector<16xi32>
        %ge3A_722 = arith.cmpi sge, %convert_element_type3A_716, %ge3A_721 : vector<16xi32>
        %sub3A_723 = arith.constant 50 : i32
        %sub3A_724 = vector.broadcast %sub3A_723 : i32 to vector<16xi32>
        %sub3A_725 = arith.subi %convert_element_type3A_716, %sub3A_724 : vector<16xi32>
        %jit3A_726 = arith.constant 0 : i32
        %broadcast_in_dim3A_727 = vector.broadcast %jit3A_726 : i32 to vector<16xi32>
        %select_n3A_728 = arith.select %ge3A_722, %sub3A_725, %broadcast_in_dim3A_727 : vector<16xi1>, vector<16xi32>
        %mul3A_729 = arith.constant 1024 : i32
        %mul3A_730 = vector.broadcast %mul3A_729 : i32 to vector<16xi32>
        %mul3A_731 = arith.muli %select_n3A_728, %mul3A_730 : vector<16xi32>
        %add3A_732 = vector.broadcast %mul3A_562 : i32 to vector<16xi32>
        %add3A_733 = arith.addi %mul3A_731, %add3A_732 : vector<16xi32>
        %add3A_734 = arith.addi %add3A_733, %add3A_719 : vector<16xi32>
        %add3A_735 = arith.constant 96 : i32
        %add3A_736 = arith.addi %mul3A_562, %add3A_735 : i32
        %swap3A_737 = arith.index_cast %add3A_736 : i32 to index
        %swap3A_738 = tpu.vector_load %arg9[%swap3A_737] {strides = array<i32>} : memref<1024xi32, #tpu.memory_space<vmem>>, vector<16xi32>,
        tpu.vector_store %arg9[%swap3A_737], %add3A_734 {strides = array<i32>} : memref<1024xi32, #tpu.memory_space<vmem>>, vector<16xi32>,
        tpu.vector_store_idx %arg7[%select_n3A_728, %broadcast_in_dim3A_563, %add3A_719], %broadcast_in_dim3A_5 masked %ge3A_722 : memref<50x8x128xf32, #tpu.memory_space<vmem>>[vector<16xi32>, vector<16xi32>, vector<16xi32>], vector<16xf32>, vector<16xi1>
        %get3A_739 = arith.index_cast %scan3A_560 : i32 to index
        %get3A_740 = arith.constant 112 : index
        %get3A_741 = tpu.vector_load %arg4[%get3A_739, %get3A_740] {strides = array<i32>} : memref<16x128xf32, #tpu.memory_space<vmem>>, vector<16xf32>,
        %convert_element_type3A_742 = arith.fptosi %get3A_741 : vector<16xf32> to vector<16xi32>
        %add3A_743 = arith.constant 112 : i32
        %add3A_744 = vector.broadcast %add3A_743 : i32 to vector<16xi32>
        %add3A_745 = arith.addi %add3A_744, %iota3A : vector<16xi32>
        %ge3A_746 = arith.constant 50 : i32
        %ge3A_747 = vector.broadcast %ge3A_746 : i32 to vector<16xi32>
        %ge3A_748 = arith.cmpi sge, %convert_element_type3A_742, %ge3A_747 : vector<16xi32>
        %sub3A_749 = arith.constant 50 : i32
        %sub3A_750 = vector.broadcast %sub3A_749 : i32 to vector<16xi32>
        %sub3A_751 = arith.subi %convert_element_type3A_742, %sub3A_750 : vector<16xi32>
        %jit3A_752 = arith.constant 0 : i32
        %broadcast_in_dim3A_753 = vector.broadcast %jit3A_752 : i32 to vector<16xi32>
        %select_n3A_754 = arith.select %ge3A_748, %sub3A_751, %broadcast_in_dim3A_753 : vector<16xi1>, vector<16xi32>
        %mul3A_755 = arith.constant 1024 : i32
        %mul3A_756 = vector.broadcast %mul3A_755 : i32 to vector<16xi32>
        %mul3A_757 = arith.muli %select_n3A_754, %mul3A_756 : vector<16xi32>
        %add3A_758 = vector.broadcast %mul3A_562 : i32 to vector<16xi32>
        %add3A_759 = arith.addi %mul3A_757, %add3A_758 : vector<16xi32>
        %add3A_760 = arith.addi %add3A_759, %add3A_745 : vector<16xi32>
        %add3A_761 = arith.constant 112 : i32
        %add3A_762 = arith.addi %mul3A_562, %add3A_761 : i32
        %swap3A_763 = arith.index_cast %add3A_762 : i32 to index
        %swap3A_764 = tpu.vector_load %arg9[%swap3A_763] {strides = array<i32>} : memref<1024xi32, #tpu.memory_space<vmem>>, vector<16xi32>,
        tpu.vector_store %arg9[%swap3A_763], %add3A_760 {strides = array<i32>} : memref<1024xi32, #tpu.memory_space<vmem>>, vector<16xi32>,
        tpu.vector_store_idx %arg7[%select_n3A_754, %broadcast_in_dim3A_563, %add3A_745], %broadcast_in_dim3A_5 masked %ge3A_748 : memref<50x8x128xf32, #tpu.memory_space<vmem>>[vector<16xi32>, vector<16xi32>, vector<16xi32>], vector<16xf32>, vector<16xi1>
      }
      %scan3A_507 = arith.constant 8 : i32
      %mul3A_508 = arith.constant 8 : i32
      %mul3A_509 = arith.muli %add3A_392, %mul3A_508 : i32
      %dma_start3A_510 = arith.constant 0 : i32
      %dma_start3A_511 = arith.constant 0 : i32
      %dma_start3A_512 = arith.constant 0 : i32
      %dma_start3A_513 = tpu.memref_slice %arg7[%dma_start3A_510, %dma_start3A_511, %dma_start3A_512] : memref<50x8x128xf32, #tpu.memory_space<vmem>> -> memref<25x8x128xf32, #tpu.memory_space<vmem>>
      %dma_start3A_514 = arith.constant 50 : i32
      %dma_start3A_515 = tpu.memref_slice %arg3[%dma_start3A_514, %mul3A_509, %mul3A_2] : memref<100x200x4096xf32, #tpu.memory_space<hbm>> -> memref<25x8x128xf32, #tpu.memory_space<hbm>>
      %dma_start3A_516 = arith.constant 50 : i32
      %dma_start3A_517 = tpu.memref_slice %arg3[%dma_start3A_516, %mul3A_509, %mul3A_2] : memref<100x200x4096xf32, #tpu.memory_space<hbm>> -> memref<25x8x128xf32, #tpu.memory_space<hbm>>
      %dma_start3A_518 = arith.constant 0 : i32
      %dma_start3A_519 = arith.constant 0 : i32
      %dma_start3A_520 = arith.constant 0 : i32
      %dma_start3A_521 = tpu.memref_slice %arg7[%dma_start3A_518, %dma_start3A_519, %dma_start3A_520] : memref<50x8x128xf32, #tpu.memory_space<vmem>> -> memref<25x8x128xf32, #tpu.memory_space<vmem>>
      tpu.enqueue_dma source(%dma_start3A_521 : memref<25x8x128xf32, #tpu.memory_space<vmem>>) target(%dma_start3A_517 : memref<25x8x128xf32, #tpu.memory_space<hbm>>) target_semaphore(%arg13 : memref<!tpu.dma_semaphore, #tpu.memory_space<semaphore_mem>>)
      %mul3A_522 = arith.constant 8 : i32
      %mul3A_523 = arith.muli %add3A_392, %mul3A_522 : i32
      %dma_start3A_524 = arith.constant 25 : i32
      %dma_start3A_525 = arith.constant 0 : i32
      %dma_start3A_526 = arith.constant 0 : i32
      %dma_start3A_527 = tpu.memref_slice %arg7[%dma_start3A_524, %dma_start3A_525, %dma_start3A_526] : memref<50x8x128xf32, #tpu.memory_space<vmem>> -> memref<25x8x128xf32, #tpu.memory_space<vmem>>
      %dma_start3A_528 = arith.constant 75 : i32
      %dma_start3A_529 = tpu.memref_slice %arg3[%dma_start3A_528, %mul3A_523, %mul3A_2] : memref<100x200x4096xf32, #tpu.memory_space<hbm>> -> memref<25x8x128xf32, #tpu.memory_space<hbm>>
      %dma_start3A_530 = arith.constant 75 : i32
      %dma_start3A_531 = tpu.memref_slice %arg3[%dma_start3A_530, %mul3A_523, %mul3A_2] : memref<100x200x4096xf32, #tpu.memory_space<hbm>> -> memref<25x8x128xf32, #tpu.memory_space<hbm>>
      %dma_start3A_532 = arith.constant 25 : i32
      %dma_start3A_533 = arith.constant 0 : i32
      %dma_start3A_534 = arith.constant 0 : i32
      %dma_start3A_535 = tpu.memref_slice %arg7[%dma_start3A_532, %dma_start3A_533, %dma_start3A_534] : memref<50x8x128xf32, #tpu.memory_space<vmem>> -> memref<25x8x128xf32, #tpu.memory_space<vmem>>
      tpu.enqueue_dma source(%dma_start3A_535 : memref<25x8x128xf32, #tpu.memory_space<vmem>>) target(%dma_start3A_531 : memref<25x8x128xf32, #tpu.memory_space<hbm>>) target_semaphore(%arg13 : memref<!tpu.dma_semaphore, #tpu.memory_space<semaphore_mem>>)
      %add3A_536 = arith.constant 2 : i32
      %add3A_537 = arith.addi %add3A_392, %add3A_536 : i32
      %min3A_538 = arith.constant 24 : i32
      %min3A_539 = arith.minsi %add3A_537, %min3A_538 : i32
      %mul3A_540 = arith.constant 8 : i32
      %mul3A_541 = arith.muli %min3A_539, %mul3A_540 : i32
      %min3A_542 = arith.constant 7 : i32
      %min3A_543 = vector.broadcast %min3A_542 : i32 to vector<16xi32>
      %min3A_544 = arith.minsi %iota3A, %min3A_543 : vector<16xi32>
      %add3A_545 = vector.broadcast %mul3A_541 : i32 to vector<16xi32>
      %add3A_546 = arith.addi %add3A_545, %min3A_544 : vector<16xi32>
      %mul3A_547 = arith.constant 512 : i32
      %mul3A_548 = vector.broadcast %mul3A_547 : i32 to vector<16xi32>
      %mul3A_549 = arith.muli %add3A_546, %mul3A_548 : vector<16xi32>
      %mul3A_550 = arith.constant 8 : i32
      %mul3A_551 = arith.muli %mul3A_550, %add3A : i32
      %add3A_552 = vector.broadcast %mul3A_551 : i32 to vector<16xi32>
      %add3A_553 = arith.addi %mul3A_549, %add3A_552 : vector<16xi32>
      %add3A_554 = arith.constant 263 : i32
      %add3A_555 = vector.broadcast %add3A_554 : i32 to vector<16xi32>
      %add3A_556 = arith.addi %add3A_553, %add3A_555 : vector<16xi32>
      %dma_start3A_557 = arith.constant 0 : i32
      %dma_start3A_558 = arith.constant 0 : i32
      %dma_start3A_559 = tpu.memref_slice %arg2[%dma_start3A_557, %dma_start3A_558] : memref<102400x128xf32, #tpu.memory_space<hbm>> -> memref<102400x128xf32, #tpu.memory_space<hbm>>
      tpu.enqueue_indirect_dma source(%dma_start3A_559 : memref<102400x128xf32, #tpu.memory_space<hbm>>) target(%arg4 : memref<16x128xf32, #tpu.memory_space<vmem>>) offsets(%add3A_556 : vector<16xi32>) semaphore(%arg10 : memref<!tpu.dma_semaphore, #tpu.memory_space<semaphore_mem>>)
    }
    %scan3A_146 = arith.constant 12 : i32
    %dma_wait3A_147 = arith.constant 0 : i32
    %dma_wait3A_148 = arith.constant 0 : i32
    %dma_wait3A_149 = tpu.memref_slice %arg2[%dma_wait3A_147, %dma_wait3A_148] : memref<102400x128xf32, #tpu.memory_space<hbm>> -> memref<102400x128xf32, #tpu.memory_space<hbm>>
    tpu.wait_indirect_dma semaphore(%arg10 : memref<!tpu.dma_semaphore, #tpu.memory_space<semaphore_mem>>) src(%dma_wait3A_149 : memref<102400x128xf32, #tpu.memory_space<hbm>>) dst(%arg4 : memref<16x128xf32, #tpu.memory_space<vmem>>)
    %dma_wait3A_150 = arith.constant 0 : i32
    %dma_wait3A_151 = arith.constant 0 : i32
    %dma_wait3A_152 = tpu.memref_slice %arg2[%dma_wait3A_150, %dma_wait3A_151] : memref<102400x128xf32, #tpu.memory_space<hbm>> -> memref<102400x128xf32, #tpu.memory_space<hbm>>
    tpu.wait_indirect_dma semaphore(%arg11 : memref<!tpu.dma_semaphore, #tpu.memory_space<semaphore_mem>>) src(%dma_wait3A_152 : memref<102400x128xf32, #tpu.memory_space<hbm>>) dst(%arg5 : memref<16x128xf32, #tpu.memory_space<vmem>>)
    %dma_wait3A_153 = arith.constant 0 : i32
    %dma_wait3A_154 = arith.constant 0 : i32
    %dma_wait3A_155 = arith.constant 0 : i32
    %dma_wait3A_156 = tpu.memref_slice %arg6[%dma_wait3A_153, %dma_wait3A_154, %dma_wait3A_155] : memref<50x8x128xf32, #tpu.memory_space<vmem>> -> memref<25x8x128xf32, #tpu.memory_space<vmem>>
    %dma_wait3A_157 = arith.constant 0 : i32
    %dma_wait3A_158 = arith.constant 0 : i32
    %dma_wait3A_159 = arith.constant 0 : i32
    %dma_wait3A_160 = tpu.memref_slice %arg3[%dma_wait3A_157, %dma_wait3A_158, %dma_wait3A_159] : memref<100x200x4096xf32, #tpu.memory_space<hbm>> -> memref<25x8x128xf32, #tpu.memory_space<hbm>>
    %dma_wait3A_161 = arith.constant 0 : i32
    %dma_wait3A_162 = arith.constant 0 : i32
    %dma_wait3A_163 = arith.constant 0 : i32
    %dma_wait3A_164 = tpu.memref_slice %arg3[%dma_wait3A_161, %dma_wait3A_162, %dma_wait3A_163] : memref<100x200x4096xf32, #tpu.memory_space<hbm>> -> memref<25x8x128xf32, #tpu.memory_space<hbm>>
    %dma_wait3A_165 = arith.constant 0 : i32
    %dma_wait3A_166 = arith.constant 0 : i32
    %dma_wait3A_167 = arith.constant 0 : i32
    %dma_wait3A_168 = tpu.memref_slice %arg6[%dma_wait3A_165, %dma_wait3A_166, %dma_wait3A_167] : memref<50x8x128xf32, #tpu.memory_space<vmem>> -> memref<25x8x128xf32, #tpu.memory_space<vmem>>
    tpu.wait_dma2 semaphore(%arg12 : memref<!tpu.dma_semaphore, #tpu.memory_space<semaphore_mem>>) src(%dma_wait3A_168 : memref<25x8x128xf32, #tpu.memory_space<vmem>>) dst(%dma_wait3A_164 : memref<25x8x128xf32, #tpu.memory_space<hbm>>)
    %dma_wait3A_169 = arith.constant 0 : i32
    %dma_wait3A_170 = arith.constant 0 : i32
    %dma_wait3A_171 = arith.constant 0 : i32
    %dma_wait3A_172 = tpu.memref_slice %arg6[%dma_wait3A_169, %dma_wait3A_170, %dma_wait3A_171] : memref<50x8x128xf32, #tpu.memory_space<vmem>> -> memref<25x8x128xf32, #tpu.memory_space<vmem>>
    %dma_wait3A_173 = arith.constant 0 : i32
    %dma_wait3A_174 = arith.constant 0 : i32
    %dma_wait3A_175 = arith.constant 0 : i32
    %dma_wait3A_176 = tpu.memref_slice %arg3[%dma_wait3A_173, %dma_wait3A_174, %dma_wait3A_175] : memref<100x200x4096xf32, #tpu.memory_space<hbm>> -> memref<25x8x128xf32, #tpu.memory_space<hbm>>
    %dma_wait3A_177 = arith.constant 0 : i32
    %dma_wait3A_178 = arith.constant 0 : i32
    %dma_wait3A_179 = arith.constant 0 : i32
    %dma_wait3A_180 = tpu.memref_slice %arg3[%dma_wait3A_177, %dma_wait3A_178, %dma_wait3A_179] : memref<100x200x4096xf32, #tpu.memory_space<hbm>> -> memref<25x8x128xf32, #tpu.memory_space<hbm>>
    %dma_wait3A_181 = arith.constant 0 : i32
    %dma_wait3A_182 = arith.constant 0 : i32
    %dma_wait3A_183 = arith.constant 0 : i32
    %dma_wait3A_184 = tpu.memref_slice %arg6[%dma_wait3A_181, %dma_wait3A_182, %dma_wait3A_183] : memref<50x8x128xf32, #tpu.memory_space<vmem>> -> memref<25x8x128xf32, #tpu.memory_space<vmem>>
    tpu.wait_dma2 semaphore(%arg12 : memref<!tpu.dma_semaphore, #tpu.memory_space<semaphore_mem>>) src(%dma_wait3A_184 : memref<25x8x128xf32, #tpu.memory_space<vmem>>) dst(%dma_wait3A_180 : memref<25x8x128xf32, #tpu.memory_space<hbm>>)
    %dma_wait3A_185 = arith.constant 0 : i32
    %dma_wait3A_186 = arith.constant 0 : i32
    %dma_wait3A_187 = arith.constant 0 : i32
    %dma_wait3A_188 = tpu.memref_slice %arg7[%dma_wait3A_185, %dma_wait3A_186, %dma_wait3A_187] : memref<50x8x128xf32, #tpu.memory_space<vmem>> -> memref<25x8x128xf32, #tpu.memory_space<vmem>>
    %dma_wait3A_189 = arith.constant 0 : i32
    %dma_wait3A_190 = arith.constant 0 : i32
    %dma_wait3A_191 = arith.constant 0 : i32
    %dma_wait3A_192 = tpu.memref_slice %arg3[%dma_wait3A_189, %dma_wait3A_190, %dma_wait3A_191] : memref<100x200x4096xf32, #tpu.memory_space<hbm>> -> memref<25x8x128xf32, #tpu.memory_space<hbm>>
    %dma_wait3A_193 = arith.constant 0 : i32
    %dma_wait3A_194 = arith.constant 0 : i32
    %dma_wait3A_195 = arith.constant 0 : i32
    %dma_wait3A_196 = tpu.memref_slice %arg3[%dma_wait3A_193, %dma_wait3A_194, %dma_wait3A_195] : memref<100x200x4096xf32, #tpu.memory_space<hbm>> -> memref<25x8x128xf32, #tpu.memory_space<hbm>>
    %dma_wait3A_197 = arith.constant 0 : i32
    %dma_wait3A_198 = arith.constant 0 : i32
    %dma_wait3A_199 = arith.constant 0 : i32
    %dma_wait3A_200 = tpu.memref_slice %arg7[%dma_wait3A_197, %dma_wait3A_198, %dma_wait3A_199] : memref<50x8x128xf32, #tpu.memory_space<vmem>> -> memref<25x8x128xf32, #tpu.memory_space<vmem>>
    tpu.wait_dma2 semaphore(%arg13 : memref<!tpu.dma_semaphore, #tpu.memory_space<semaphore_mem>>) src(%dma_wait3A_200 : memref<25x8x128xf32, #tpu.memory_space<vmem>>) dst(%dma_wait3A_196 : memref<25x8x128xf32, #tpu.memory_space<hbm>>)
    %dma_wait3A_201 = arith.constant 0 : i32
    %dma_wait3A_202 = arith.constant 0 : i32
    %dma_wait3A_203 = arith.constant 0 : i32
    %dma_wait3A_204 = tpu.memref_slice %arg7[%dma_wait3A_201, %dma_wait3A_202, %dma_wait3A_203] : memref<50x8x128xf32, #tpu.memory_space<vmem>> -> memref<25x8x128xf32, #tpu.memory_space<vmem>>
    %dma_wait3A_205 = arith.constant 0 : i32
    %dma_wait3A_206 = arith.constant 0 : i32
    %dma_wait3A_207 = arith.constant 0 : i32
    %dma_wait3A_208 = tpu.memref_slice %arg3[%dma_wait3A_205, %dma_wait3A_206, %dma_wait3A_207] : memref<100x200x4096xf32, #tpu.memory_space<hbm>> -> memref<25x8x128xf32, #tpu.memory_space<hbm>>
    %dma_wait3A_209 = arith.constant 0 : i32
    %dma_wait3A_210 = arith.constant 0 : i32
    %dma_wait3A_211 = arith.constant 0 : i32
    %dma_wait3A_212 = tpu.memref_slice %arg3[%dma_wait3A_209, %dma_wait3A_210, %dma_wait3A_211] : memref<100x200x4096xf32, #tpu.memory_space<hbm>> -> memref<25x8x128xf32, #tpu.memory_space<hbm>>
    %dma_wait3A_213 = arith.constant 0 : i32
    %dma_wait3A_214 = arith.constant 0 : i32
    %dma_wait3A_215 = arith.constant 0 : i32
    %dma_wait3A_216 = tpu.memref_slice %arg7[%dma_wait3A_213, %dma_wait3A_214, %dma_wait3A_215] : memref<50x8x128xf32, #tpu.memory_space<vmem>> -> memref<25x8x128xf32, #tpu.memory_space<vmem>>
    tpu.wait_dma2 semaphore(%arg13 : memref<!tpu.dma_semaphore, #tpu.memory_space<semaphore_mem>>) src(%dma_wait3A_216 : memref<25x8x128xf32, #tpu.memory_space<vmem>>) dst(%dma_wait3A_212 : memref<25x8x128xf32, #tpu.memory_space<hbm>>)
    return
  }
}

</mosaic_0001>

<sc_bundles>
// kernel: kernel.3.cloned.1.call-start
scs
__scs_entry_jumppad:
0x0: {  	(pc) =	sbr.rel $0x88, $3  }
0x1: {  	(tag) =	ssettag $0x0;
	lr =	simm.s32 $0x1  }
0x2: {  	[smem:$0x3FA0] =	sst lr;
	_ =	strace $0xD0000000  }
0x3: {  	_ = 	snop  }
0x4: {  	_ = 	snop  }
0x5: {  	_ = 	snop  }
0x6: {  	_ = 	snop  }
0x7: {  	_ = 	snop  }
__scs_overlays_trampoline_lowered:
0x8: {  	[smem:$0x3FAF] =	sst s0  }
0x9: {  	[smem:$0x3FB0] =	sst s1  }
0xa: {  	[smem:$0x3FB1] =	sst s2  }
0xb: {  	[smem:$0x3FB2] =	sst s3  }
0xc: {  	[smem:$0x3FB3] =	sst s4  }
0xd: {  	[smem:$0x3FB4] =	sst s5  }
0xe: {  	[smem:$0x3FB5] =	sst s6  }
0xf: {  	[smem:$0x3FB6] =	sst s7  }
0x10: {  	[smem:$0x3FB7] =	sst s8  }
0x11: {  	[smem:$0x3FB8] =	sst s9;
	s0 =	simm.s32 @!p0 $0x0  }
0x12: {  	s1 =	sld [smem:$0x3F9E];
	s0 =	simm.s32 @p0 $0x1  }
0x13: {  	[smem:$0x3FB9] =	sst s0;
	s0 =	simm.s32 @!p1 $0x0  }
0x14: {  	s2 =	sld [smem:$0x3F9D];
	s0 =	simm.s32 @p1 $0x1  }
0x15: {  	[smem:$0x3FBA] =	sst s0;
	s0 =	simm.s32 @!p2 $0x0  }
0x16: {  	s3 =	sld [smem:$0x3FDB];
	s0 =	simm.s32 @p2 $0x1  }
0x17: {  	s4 =	simm.s32 $0x1BF5;
	[smem:$0x3FBC] =	sst s0  }
0x18: {  	s0 =	sld [smem:$0x3F9F];
	_ =	swait.ge [sflag:s4], $0x0  }
0x19: {  	s7 =	sld [smem:$0x3FA0]  }
0x1a: {  	s8 =	sadd.s32 $0xFFFFE003, lr  }
0x1b: {  	s9 =	sadd.s32 $0xFFFFFEF7, lr;
	s5 =	simm.s32 $0xFFFFFFFF;
	p2 =	slt.u32 s8, $0xFFFFF086  }
0x1c: {  	p1 =	slt.u32 s9, $0xF7A;
	s5 =	simm.s32 @!p2 $0x0  }
0x1d: {  	s5 =	simm.s32 @p1 $0x1;
	p0 =	seq.s32 s7, s2  }
0x1e: {  	s7 =	smul.u32 @!p0 $0xF7A, s2;
	p2 =	seq.s32 @!p0 s5, $0x0  }
0x1f: {  	s9 =	smul.u32 $0xF7A, s1;
	s8 =	simm.s32 @!p0 $0x1BF5;
	p2 =	por !p2, p0  }
0x20: {  	[sflag:s8] =	ssyncset.s32 @!p0 $0xFFFFF086;
	s6 =	sadd.s32 @!p0 s3, s7;
	s7 =	simm.s32 @!p0 $0x108  }
0x21: {  	s3 =	sadd.s32 s3, s9;
	s6 =	sadd.s32 @!p0 $0x88, s6;
	s7 =	simm.s32 @p2 $0x1082  }
0x22: {  	[simem:s7], [sflag:s8] =	dma.local @!p0 [hbm:s6], $0xF7A  }
0x23: {  	s9 =	sor.u32 $0xD0000000, s2;
	s6 =	simm.s32 $0x108;
	_ =	swait.ge @!p0 [sflag:s8], $0x0  }
0x24: {  	s3 =	sadd.s32 $0x88, s3;
	s6 =	simm.s32 @!p1 $0x1082;
	[sflag:s4] =	ssyncset.s32 $0xFFFFF086  }
0x25: {  	[simem:s6], [sflag:s4] =	dma.local [hbm:s3], $0xF7A  }
0x26: {  	[smem:$0x3FA0] =	sst s1;
	(tag) =	ssettag s2;
	_ =	strace s9  }
0x27: {  	s1 =	sld [smem:$0x3FB0]  }
0x28: {  	s2 =	sld [smem:$0x3FB1]  }
0x29: {  	s4 =	sld [smem:$0x3FB3]  }
0x2a: {  	p0 =	seq.s32 s5, $0x0;
	s5 =	sld [smem:$0x3FB4]  }
0x2b: {  	s6 =	sld [smem:$0x3FB5]  }
0x2c: {  	s7 =	sld [smem:$0x3FB6]  }
0x2d: {  	s3 =	simm.s32 $0x108;
	s8 =	sld [smem:$0x3FB7]  }
0x2e: {  	s3 =	simm.s32 @!p0 $0x1082;
	s9 =	sld [smem:$0x3FB8]  }
0x2f: {  	lr =	sadd.s32 s0, s3;
	s0 =	sld [smem:$0x3FAF]  }
0x30: {  	s3 =	sld [smem:$0x3FB2]  }
0x31: {  	[smem:$0x3FBB] =	sst s10  }
0x32: {  	s10 =	sld [smem:$0x3FB9];
	_ =	sdelay $0x3  }
0x33: {  	p0 =	seq.s32 s10, $0x1;
	s10 =	sld [smem:$0x3FBB];
	_ =	sdelay $0x3  }
0x34: {  	[smem:$0x3FBB] =	sst s10  }
0x35: {  	s10 =	sld [smem:$0x3FBA];
	_ =	sdelay $0x3  }
0x36: {  	p1 =	seq.s32 s10, $0x1;
	s10 =	sld [smem:$0x3FBB];
	_ =	sdelay $0x3  }
0x37: {  	[smem:$0x3FBB] =	sst s10  }
0x38: {  	s10 =	sld [smem:$0x3FBC]  }
0x39: {  	_ = 	snop;
	(pc) =	sbr.ind lr, $3  }
0x3a: {  	_ = 	snop  }
0x3b: {  	_ = 	snop  }
0x3c: {  	p2 =	seq.s32 s10, $0x1;
	s10 =	sld [smem:$0x3FBB]  }
0x3d: {  	_ =	shalt  }
0x3e: {  	_ =	shalt  }
0x3f: {  	_ =	shalt  }
0x40: {  	_ =	shalt  }
0x41: {  	_ =	shalt  }
0x42: {  	_ =	shalt  }
0x43: {  	_ =	shalt  }
0x44: {  	_ =	shalt  }
0x45: {  	_ =	shalt  }
0x46: {  	_ =	shalt  }
0x47: {  	_ =	shalt  }
0x48: {  	_ =	shalt  }
0x49: {  	_ =	shalt  }
0x4a: {  	_ =	shalt  }
0x4b: {  	_ =	shalt  }
0x4c: {  	_ =	shalt  }
0x4d: {  	_ =	shalt  }
0x4e: {  	_ =	shalt  }
0x4f: {  	_ =	shalt  }
0x50: {  	_ =	shalt  }
0x51: {  	_ =	shalt  }
0x52: {  	_ =	shalt  }
0x53: {  	_ =	shalt  }
0x54: {  	_ =	shalt  }
0x55: {  	_ =	shalt  }
0x56: {  	_ =	shalt  }
0x57: {  	_ =	shalt  }
0x58: {  	_ =	shalt  }
0x59: {  	_ =	shalt  }
0x5a: {  	_ =	shalt  }
0x5b: {  	_ =	shalt  }
0x5c: {  	_ =	shalt  }
0x5d: {  	_ =	shalt  }
0x5e: {  	_ =	shalt  }
0x5f: {  	_ =	shalt  }
0x60: {  	_ =	shalt  }
0x61: {  	_ =	shalt  }
0x62: {  	_ =	shalt  }
0x63: {  	_ =	shalt  }
0x64: {  	_ =	shalt  }
0x65: {  	_ =	shalt  }
0x66: {  	_ =	shalt  }
0x67: {  	_ =	shalt  }
0x68: {  	_ =	shalt  }
0x69: {  	_ =	shalt  }
0x6a: {  	_ =	shalt  }
0x6b: {  	_ =	shalt  }
0x6c: {  	_ =	shalt  }
0x6d: {  	_ =	shalt  }
0x6e: {  	_ =	shalt  }
0x6f: {  	_ =	shalt  }
0x70: {  	_ =	shalt  }
0x71: {  	_ =	shalt  }
0x72: {  	_ =	shalt  }
0x73: {  	_ =	shalt  }
0x74: {  	_ =	shalt  }
0x75: {  	_ =	shalt  }
0x76: {  	_ =	shalt  }
0x77: {  	_ =	shalt  }
0x78: {  	_ =	shalt  }
0x79: {  	_ =	shalt  }
0x7a: {  	_ =	shalt  }
0x7b: {  	_ =	shalt  }
0x7c: {  	_ =	shalt  }
0x7d: {  	_ =	shalt  }
0x7e: {  	_ =	shalt  }
0x7f: {  	_ =	shalt  }
0x80: {  	_ =	shalt  }
0x81: {  	_ =	shalt  }
0x82: {  	_ =	shalt  }
0x83: {  	_ =	shalt  }
0x84: {  	_ =	shalt  }
0x85: {  	_ =	shalt  }
0x86: {  	_ =	shalt  }
0x87: {  	_ =	shalt  }
.Lfunc_end0:
.L_simem_size_0:
called_computation_lowered:
.L_overlay_start_0:
0x88: {  	s2 =	sld [smem:$0x3FD9]  }
0x89: {  	s3 =	sld [smem:$0x3FFE];
	_ =	sdelay $0x1  }
0x8a: {  	s1 =	srdreg.scid  }
0x8b: {  	s0 =	sand.u32 $0x1, s1  }
0x8c: {  	s18 =	sshll.u32 s0, $0xA;
	s2 =	sadd.s32 s3, s2  }
0x8d: {  	s2 =	sadd.s32 s2, s18  }
0x8e: {  	[smem:$0x3FC7] =	sst s2  }
0x8f: {  	_ = 	snop  }
0x90: {  	s2 =	sld [smem:$0x3FC9]  }
0x91: {  	s19 =	sld [smem:$0x3FD0];
	(tm) =	ssettm $0x1  }
0x92: {  	s4 =	sld [smem:$0x3FFB];
	_ =	sdelay $0x3  }
0x93: {  	_ =	strace s4  }
0x94: {  	s4 =	sld [smem:$0x3FFC];
	_ =	sdelay $0x3  }
0x95: {  	_ =	strace s4  }
0x96: {  	s4 =	sld [smem:$0x3FFD];
	_ =	sdelay $0x3  }
0x97: {  	_ =	strace s4  }
0x98: {  	_ =	strace $0x8FFFFFFF  }
0x99: {  	s20 =	sld [smem:$0x3FDB];
	_ =	sdelay $0x1  }
0x9a: {  	s5 =	simm.s32 $_scs_section_size  }
0x9b: {  	s6 =	simm.s32 $_size__tile_overlayer_lowered;
	s7 =	simm.s32 $_tile_overlayer_lowered  }
0x9c: {  	s23 =	simm.s32 $0x1BFF;
	s22 =	sshll.u32 s7, $0x1;
	s4 =	sadd.s32 s5, s20  }
0x9d: {  	s8 =	simm.s32 $0x0;
	s21 =	sshll.u32 s6, $0x1;
	s6 =	sadd.s32 s22, s4  }
0x9e: {  	[timem:s8], [sflag:s23] =	dma.local [hbm:s6], s21  }
0x9f: {  	_ =	swait.ge [sflag:s23], s21  }
0xa0: {  	s5 =	ssub.s32 $0x0, s21;
	[sflag:s23] =	ssyncset.done $0x0  }
0xa1: {  	[sflag:s23] =	ssyncadd.s32 s5;
	_ =	sdelay $0x1  }
0xa2: {  	s24 =	simm.s32 $0x1B8B  }
0xa3: {  	_ =	swait.ge [sflag:s24], $0x1  }
0xa4: {  	[sflag:s24] =	ssyncset.done $0x0  }
0xa5: {  	s25 =	simm.s32 $0x1B8E;
	[sflag:s24] =	ssyncadd.s32 $0xFFFFFFFF  }
0xa6: {  	s26 =	simm.s32 $execute0_lowered;
	[smem:$0x3FD2] =	sst s25  }
0xa7: {  	s5 =	sshll.u32 s26, $0x1;
	_ =	strace $0x80000046;
	[dreg:$0x1] =	wrdreg $0xFFFFFFFF  }
0xa8: {  	s28 =	simm.s32 $_size_execute0_lowered;
	s4 =	sadd.s32 s4, s5;
	[dreg:$0x0] =	wrdreg $0x0  }
0xa9: {  	s5 =	sshll.u32 s28, $0x1;
	[dreg:$0x2] =	wrdreg s4  }
0xaa: {  	[dreg:$0x3] =	wrdreg s5  }
0xab: {  	[dreg:$0x4] =	wrdreg $0xC0  }
0xac: {  	_ =	task [dreg:s8], $0x5FFFF  }
0xad: {  	[dreg:$0x1] =	wrdreg $0xFFFFFFFF  }
0xae: {  	[dreg:$0x0] =	wrdreg $0x60  }
0xaf: {  	[dreg:$0x2] =	wrdreg s2  }
0xb0: {  	[dreg:$0x3] =	wrdreg s19  }
0xb1: {  	[dreg:$0x4] =	wrdreg $0x9  }
0xb2: {  	_ =	task.clear_ibuf [dreg:s8], $0x5FFFF;
	_ =	strace $0x90000046  }
0xb3: {  	s29 =	simm.s32 $0x9;
	_ =	strace $0x80000048  }
0xb4: {  	_ =	swait.ge [sflag:s29], $0x1  }
0xb5: {  	[sflag:s29] =	ssyncadd.s32 $0xFFFFFFFF  }
0xb6: {  	_ =	strace $0x90000048  }
0xb7: {  	_ =	sfence  }
0xb8: {  	s30 =	sld [smem:$0x0];
	_ =	sdelay $0x2  }
0xb9: {  	s31 =	sshll.u32 s1, $0xD;
	s1 =	sshrl.u32 s1, $0x2  }
0xba: {  	s3 =	sand.u32 $0x4000, s31;
	s1 =	sadd.s32 s1, s30  }
0xbb: {  	s0 =	sor.u32 s3, s0;
	s1 =	sshll.u32 s1, $0x11  }
0xbc: {  	s0 =	sor.u32 s1, s0  }
0xbd: {  	s0 =	sadd.s32 $0x8F2B, s0  }
0xbe: {  	[sflag:s0] =	ssyncadd.remote.s32 $0x1  }
0xbf: {  	_ =	sfence.sel $0xFFFF  }
0xc0: {  	[dreg:$0x0] =	wrdreg $0xFFFFFFFF;
	(pc) =	sbr.abs _section_cstart, $3  }
0xc1: {  	[dreg:$0x1] =	wrdreg $0xFFFFFFFF  }
0xc2: {  	_ =	task.clear_ibuf [dreg:s8], $0x2FFFF;
	_ =	strace $0x9FFFFFFF  }
0xc3: {  	(tm) =	ssettm $0x7FFFFFFF  }
tec
execute0_lowered:
.L_overlay_start_1:
0x0: {  	(tag) =	ssettag $0x1  }
0x1: {  	v0 =	vimm.s32 $0xF07;
	vm7 =	vcmask $0x300;
	vm6 =	vcmask $0x704  }
0x2: {  	vm5 =	vcmask $0xB08;
	vm4 =	vcmask $0xF0C;
	v1 =	vimm.s32 $0x1F07  }
0x3: {  	v2 =	vimm.s32 $0x2F07;
	vm1 =	vcmask $0x1310;
	vm2 =	vcmask $0x1714  }
0x4: {  	vm3 =	vcmask $0x1B18;
	v4 =	vimm.f32 $0.0e+00;
	vm0 =	vmmov $0xffff  }
0x5: {  	v5 =	vlaneseq.u32;
	v6 =	vimm.f32 $1.000000000e+00;
	v10 =	vimm.s32 $0xE00  }
0x6: {  	v0 =	vsel vm7, $0x107, v0;
	v1 =	vsel vm7, $0x1107, v1;
	v2 =	vsel vm7, $0x2107, v2  }
0x7: {  	v7 =	vor.u32 $0x10, v5;
	v8 =	vor.u32 $0x20, v5;
	v9 =	vor.u32 $0x30, v5  }
0x8: {  	v12 =	vsel vm7, $0x0, v10;
	v10 =	vor.u32 $0x40, v5;
	v11 =	vor.u32 $0x50, v5  }
0x9: {  	v13 =	vor.u32 $0x70, v5;
	v15 =	vor.u32 $0xFFFF3810, v5;
	v17 =	vor.u32 $0xFFFF3830, v5  }
0xa: {  	s0 =	srdreg.scid;
	s1 =	stileid.u32;
	v19 =	vor.u32 $0xFFFF3850, v5;
	v21 =	vor.u32 $0xFFFF3870, v5;
	v0 =	vsel vm6, $0x307, v0  }
0xb: {  	s3 =	rddreg [dreg:$0x1];
	s0 =	sand.u32 $0x1, s0;
	s1 =	sshll.u32 s1, $0x1;
	v1 =	vsel vm6, $0x1307, v1;
	v2 =	vsel vm6, $0x2307, v2;
	v14 =	vsel vm6, $0x200, v12  }
0xc: {  	s4 =	simm.s32 $0x0;
	s13 =	simm.s32 $0x800;
	s2 =	sor.u32 s0, s1;
	v12 =	vor.u32 $0x60, v5;
	v0 =	vsel vm5, $0x507, v0;
	v1 =	vsel vm5, $0x1507, v1  }
0xd: {  	s14 =	simm.s32 $0x1;
	s15 =	simm.s32 $0x1000;
	s5 =	sshll.u32 s2, $0x3;
	v2 =	vsel vm5, $0x2507, v2;
	v16 =	vsel vm5, $0x400, v14;
	v14 =	vor.u32 $0xFFFF3800, v5  }
0xe: {  	s16 =	simm.s32 $0x400;
	s17 =	simm.s32 $0xC8000;
	s18 =	simm.s32 $0x7400;
	v3 =	vmov s5;
	v0 =	vsel vm4, $0x707, v0;
	v1 =	vsel vm4, $0x1707, v1  }
0xf: {  	s19 =	simm.s32 $0xD800;
	s20 =	simm.s32 $0x13C00;
	s21 =	simm.s32 $0x2;
	v2 =	vsel vm4, $0x2707, v2;
	v18 =	vsel vm4, $0x600, v16;
	v16 =	vor.u32 $0xFFFF3820, v5  }
0x10: {  	s22 =	simm.s32 $0x3;
	s23 =	simm.s32 $0x4;
	s24 =	simm.s32 $0x0;
	v0 =	vsel vm1, $0x907, v0;
	v1 =	vsel vm1, $0x1907, v1;
	v2 =	vsel vm1, $0x2907, v2  }
0x11: {  	[smem:$0x7FF] =	sst s4;
	s11 =	sadd.s32 $0x1000, s3;
	s0 =	ssub.s32 $0x2, s0;
	v3 =	vor.u32 $0x107, v3;
	v20 =	vsel vm1, $0x800, v18;
	v0 =	vsel vm2, $0xB07, v0  }
0x12: {  	s1 =	rddreg [dreg:$0x0];
	s31 =	sshrl.u32 s0, $0x1;
	s6 =	sshll.u32 s2, $0x7;
	v1 =	vsel vm2, $0x1B07, v1;
	v2 =	vsel vm2, $0x2B07, v2;
	v22 =	vsel vm2, $0xA00, v20  }
0x13: {  	_ =	strace $0x80000047;
	s0 =	ssub.s32 s0, s31;
	s6 =	sadd.s32 s3, s6;
	v0 =	vsel vm3, $0xD07, v0;
	v1 =	vsel vm3, $0x1D07, v1;
	v2 =	vsel vm3, $0x2D07, v2  }
0x14: {  	s7 =	sadd.s32 $0x271000, s6;
	s8 =	sadd.s32 $0x4E2000, s6;
	v0 =	vor.u32 s5, v0;
	v1 =	vor.u32 s5, v1;
	v2 =	vor.u32 s5, v2;
	s5 =	sshll.u32 s2, $0xA  }
0x15: {  	s9 =	sadd.s32 $0x753000, s6;
	s12 =	smax.u32 s0, $0x1;
	v18 =	vor.u32 $0xFFFF3840, v5;
	v20 =	vor.u32 $0xFFFF3860, v5;
	v22 =	vsel vm3, $0xC00, v22;
	s10 =	sor.u32 $0x10000, s5  }
.LBB2_1:
0x16: {  	s25 =	simm.s32 $0x0;
	s26 =	simm.s32 $0x1000  }
.LBB2_2:
0x17: {  	p0 =	sne.s32 s26, $0x31000;
	[tilespmem:s25+$0x13F0] =	vst v4  }
0x18: {  	[tilespmem:s25+$0x1000] =	vst v4  }
0x19: {  	[tilespmem:s25+$0x1010] =	vst v4  }
0x1a: {  	[tilespmem:s25+$0x1020] =	vst v4  }
0x1b: {  	[tilespmem:s25+$0x1030] =	vst v4  }
0x1c: {  	[tilespmem:s25+$0x1040] =	vst v4  }
0x1d: {  	[tilespmem:s25+$0x1050] =	vst v4  }
0x1e: {  	[tilespmem:s25+$0x1060] =	vst v4  }
0x1f: {  	[tilespmem:s25+$0x1070] =	vst v4  }
0x20: {  	[tilespmem:s25+$0x1080] =	vst v4  }
0x21: {  	[tilespmem:s25+$0x1090] =	vst v4  }
0x22: {  	[tilespmem:s25+$0x10A0] =	vst v4  }
0x23: {  	[tilespmem:s25+$0x10B0] =	vst v4  }
0x24: {  	[tilespmem:s25+$0x10C0] =	vst v4  }
0x25: {  	[tilespmem:s25+$0x10D0] =	vst v4  }
0x26: {  	[tilespmem:s25+$0x10E0] =	vst v4  }
0x27: {  	[tilespmem:s25+$0x10F0] =	vst v4  }
0x28: {  	[tilespmem:s25+$0x1100] =	vst v4  }
0x29: {  	[tilespmem:s25+$0x1110] =	vst v4  }
0x2a: {  	[tilespmem:s25+$0x1120] =	vst v4  }
0x2b: {  	[tilespmem:s25+$0x1130] =	vst v4  }
0x2c: {  	[tilespmem:s25+$0x1140] =	vst v4  }
0x2d: {  	[tilespmem:s25+$0x1150] =	vst v4  }
0x2e: {  	[tilespmem:s25+$0x1160] =	vst v4  }
0x2f: {  	[tilespmem:s25+$0x1170] =	vst v4  }
0x30: {  	[tilespmem:s25+$0x1180] =	vst v4  }
0x31: {  	[tilespmem:s25+$0x1190] =	vst v4  }
0x32: {  	[tilespmem:s25+$0x11A0] =	vst v4  }
0x33: {  	[tilespmem:s25+$0x11B0] =	vst v4  }
0x34: {  	[tilespmem:s25+$0x11C0] =	vst v4  }
0x35: {  	[tilespmem:s25+$0x11D0] =	vst v4  }
0x36: {  	[tilespmem:s25+$0x11E0] =	vst v4  }
0x37: {  	[tilespmem:s25+$0x11F0] =	vst v4  }
0x38: {  	[tilespmem:s25+$0x1200] =	vst v4  }
0x39: {  	[tilespmem:s25+$0x1210] =	vst v4  }
0x3a: {  	[tilespmem:s25+$0x1220] =	vst v4  }
0x3b: {  	[tilespmem:s25+$0x1230] =	vst v4  }
0x3c: {  	[tilespmem:s25+$0x1240] =	vst v4  }
0x3d: {  	[tilespmem:s25+$0x1250] =	vst v4  }
0x3e: {  	[tilespmem:s25+$0x1260] =	vst v4  }
0x3f: {  	[tilespmem:s25+$0x1270] =	vst v4  }
0x40: {  	[tilespmem:s25+$0x1280] =	vst v4  }
0x41: {  	[tilespmem:s25+$0x1290] =	vst v4  }
0x42: {  	[tilespmem:s25+$0x12A0] =	vst v4  }
0x43: {  	[tilespmem:s25+$0x12B0] =	vst v4  }
0x44: {  	[tilespmem:s25+$0x12C0] =	vst v4  }
0x45: {  	[tilespmem:s25+$0x12D0] =	vst v4  }
0x46: {  	[tilespmem:s25+$0x12E0] =	vst v4  }
0x47: {  	[tilespmem:s25+$0x12F0] =	vst v4  }
0x48: {  	[tilespmem:s25+$0x1300] =	vst v4  }
0x49: {  	[tilespmem:s25+$0x1310] =	vst v4  }
0x4a: {  	[tilespmem:s25+$0x1320] =	vst v4  }
0x4b: {  	[tilespmem:s25+$0x1330] =	vst v4  }
0x4c: {  	[tilespmem:s25+$0x1340] =	vst v4  }
0x4d: {  	[tilespmem:s25+$0x1350] =	vst v4  }
0x4e: {  	[tilespmem:s25+$0x1360] =	vst v4  }
0x4f: {  	[tilespmem:s25+$0x1370] =	vst v4  }
0x50: {  	[tilespmem:s25+$0x1380] =	vst v4  }
0x51: {  	[tilespmem:s25+$0x1390] =	vst v4  }
.Ltmp0:
0x52: {  	[tilespmem:s25+$0x13A0] =	vst v4;
	(pc) =	sbr.rel @p0 .LBB2_2-.Ltmp0, $4  }
0x53: {  	[tilespmem:s25+$0x13B0] =	vst v4  }
0x54: {  	[tilespmem:s25+$0x13C0] =	vst v4  }
0x55: {  	[tilespmem:s25+$0x13D0] =	vst v4  }
0x56: {  	[tilespmem:s25+$0x13E0] =	vst v4;
	s25 =	sshra.s32 s26, $0x2;
	s26 =	sadd.s32 $0x1000, s26  }
0x57: {  	[tilespmem:s25+$0x13F0] =	vst v4  }
0x58: {  	[tilespmem:s25+$0x1000] =	vst v4  }
0x59: {  	[tilespmem:s25+$0x1010] =	vst v4  }
0x5a: {  	[tilespmem:s25+$0x1020] =	vst v4  }
0x5b: {  	[tilespmem:s25+$0x1030] =	vst v4  }
0x5c: {  	[tilespmem:s25+$0x1040] =	vst v4  }
0x5d: {  	[tilespmem:s25+$0x1050] =	vst v4  }
0x5e: {  	[tilespmem:s25+$0x1060] =	vst v4  }
0x5f: {  	[tilespmem:s25+$0x1070] =	vst v4  }
0x60: {  	[tilespmem:s25+$0x1080] =	vst v4  }
0x61: {  	[tilespmem:s25+$0x1090] =	vst v4  }
0x62: {  	[tilespmem:s25+$0x10A0] =	vst v4  }
0x63: {  	[tilespmem:s25+$0x10B0] =	vst v4  }
0x64: {  	[tilespmem:s25+$0x10C0] =	vst v4  }
0x65: {  	[tilespmem:s25+$0x10D0] =	vst v4  }
0x66: {  	[tilespmem:s25+$0x10E0] =	vst v4  }
0x67: {  	[tilespmem:s25+$0x10F0] =	vst v4  }
0x68: {  	[tilespmem:s25+$0x1100] =	vst v4  }
0x69: {  	[tilespmem:s25+$0x1110] =	vst v4  }
0x6a: {  	[tilespmem:s25+$0x1120] =	vst v4  }
0x6b: {  	[tilespmem:s25+$0x1130] =	vst v4  }
0x6c: {  	[tilespmem:s25+$0x1140] =	vst v4  }
0x6d: {  	[tilespmem:s25+$0x1150] =	vst v4  }
0x6e: {  	[tilespmem:s25+$0x1160] =	vst v4  }
0x6f: {  	[tilespmem:s25+$0x1170] =	vst v4  }
0x70: {  	[tilespmem:s25+$0x1180] =	vst v4  }
0x71: {  	[tilespmem:s25+$0x1190] =	vst v4  }
0x72: {  	[tilespmem:s25+$0x11A0] =	vst v4  }
0x73: {  	[tilespmem:s25+$0x11B0] =	vst v4  }
0x74: {  	[tilespmem:s25+$0x11C0] =	vst v4  }
0x75: {  	[tilespmem:s25+$0x11D0] =	vst v4  }
0x76: {  	[tilespmem:s25+$0x11E0] =	vst v4  }
0x77: {  	[tilespmem:s25+$0x11F0] =	vst v4  }
0x78: {  	[tilespmem:s25+$0x1200] =	vst v4  }
0x79: {  	[tilespmem:s25+$0x1210] =	vst v4  }
0x7a: {  	[tilespmem:s25+$0x1220] =	vst v4  }
0x7b: {  	[tilespmem:s25+$0x1230] =	vst v4  }
0x7c: {  	[tilespmem:s25+$0x1240] =	vst v4  }
0x7d: {  	[tilespmem:s25+$0x1250] =	vst v4  }
0x7e: {  	[tilespmem:s25+$0x1260] =	vst v4  }
0x7f: {  	[tilespmem:s25+$0x1270] =	vst v4  }
0x80: {  	[tilespmem:s25+$0x1280] =	vst v4  }
0x81: {  	[tilespmem:s25+$0x1290] =	vst v4  }
0x82: {  	[tilespmem:s25+$0x12A0] =	vst v4  }
0x83: {  	[tilespmem:s25+$0x12B0] =	vst v4  }
0x84: {  	[tilespmem:s25+$0x12C0] =	vst v4  }
0x85: {  	[tilespmem:s25+$0x12D0] =	vst v4  }
0x86: {  	[tilespmem:s25+$0x12E0] =	vst v4  }
0x87: {  	[tilespmem:s25+$0x12F0] =	vst v4  }
0x88: {  	[tilespmem:s25+$0x1300] =	vst v4  }
0x89: {  	[tilespmem:s25+$0x1310] =	vst v4  }
0x8a: {  	[tilespmem:s25+$0x1320] =	vst v4  }
0x8b: {  	[tilespmem:s25+$0x1330] =	vst v4  }
0x8c: {  	[tilespmem:s25+$0x1340] =	vst v4  }
0x8d: {  	[tilespmem:s25+$0x1350] =	vst v4  }
0x8e: {  	[tilespmem:s25+$0x1360] =	vst v4  }
0x8f: {  	[tilespmem:s25+$0x1370] =	vst v4  }
0x90: {  	[tilespmem:s25+$0x1380] =	vst v4  }
0x91: {  	[tilespmem:s25+$0x1390] =	vst v4  }
0x92: {  	[tilespmem:s25+$0x13A0] =	vst v4  }
0x93: {  	[tilespmem:s25+$0x13B0] =	vst v4  }
0x94: {  	[tilespmem:s25+$0x13C0] =	vst v4  }
0x95: {  	[tilespmem:s25+$0x13D0] =	vst v4  }
0x96: {  	[tilespmem:s25+$0x13E0] =	vst v4;
	s25 =	simm.s32 $0x0;
	s26 =	simm.s32 $0x1000  }
.LBB2_4:
0x97: {  	p0 =	sne.s32 s26, $0x31000;
	[tilespmem:s25+$0xDBF0] =	vst v4  }
0x98: {  	[tilespmem:s25+$0xD800] =	vst v4  }
0x99: {  	[tilespmem:s25+$0xD810] =	vst v4  }
0x9a: {  	[tilespmem:s25+$0xD820] =	vst v4  }
0x9b: {  	[tilespmem:s25+$0xD830] =	vst v4  }
0x9c: {  	[tilespmem:s25+$0xD840] =	vst v4  }
0x9d: {  	[tilespmem:s25+$0xD850] =	vst v4  }
0x9e: {  	[tilespmem:s25+$0xD860] =	vst v4  }
0x9f: {  	[tilespmem:s25+$0xD870] =	vst v4  }
0xa0: {  	[tilespmem:s25+$0xD880] =	vst v4  }
0xa1: {  	[tilespmem:s25+$0xD890] =	vst v4  }
0xa2: {  	[tilespmem:s25+$0xD8A0] =	vst v4  }
0xa3: {  	[tilespmem:s25+$0xD8B0] =	vst v4  }
0xa4: {  	[tilespmem:s25+$0xD8C0] =	vst v4  }
0xa5: {  	[tilespmem:s25+$0xD8D0] =	vst v4  }
0xa6: {  	[tilespmem:s25+$0xD8E0] =	vst v4  }
0xa7: {  	[tilespmem:s25+$0xD8F0] =	vst v4  }
0xa8: {  	[tilespmem:s25+$0xD900] =	vst v4  }
0xa9: {  	[tilespmem:s25+$0xD910] =	vst v4  }
0xaa: {  	[tilespmem:s25+$0xD920] =	vst v4  }
0xab: {  	[tilespmem:s25+$0xD930] =	vst v4  }
0xac: {  	[tilespmem:s25+$0xD940] =	vst v4  }
0xad: {  	[tilespmem:s25+$0xD950] =	vst v4  }
0xae: {  	[tilespmem:s25+$0xD960] =	vst v4  }
0xaf: {  	[tilespmem:s25+$0xD970] =	vst v4  }
0xb0: {  	[tilespmem:s25+$0xD980] =	vst v4  }
0xb1: {  	[tilespmem:s25+$0xD990] =	vst v4  }
0xb2: {  	[tilespmem:s25+$0xD9A0] =	vst v4  }
0xb3: {  	[tilespmem:s25+$0xD9B0] =	vst v4  }
0xb4: {  	[tilespmem:s25+$0xD9C0] =	vst v4  }
0xb5: {  	[tilespmem:s25+$0xD9D0] =	vst v4  }
0xb6: {  	[tilespmem:s25+$0xD9E0] =	vst v4  }
0xb7: {  	[tilespmem:s25+$0xD9F0] =	vst v4  }
0xb8: {  	[tilespmem:s25+$0xDA00] =	vst v4  }
0xb9: {  	[tilespmem:s25+$0xDA10] =	vst v4  }
0xba: {  	[tilespmem:s25+$0xDA20] =	vst v4  }
0xbb: {  	[tilespmem:s25+$0xDA30] =	vst v4  }
0xbc: {  	[tilespmem:s25+$0xDA40] =	vst v4  }
0xbd: {  	[tilespmem:s25+$0xDA50] =	vst v4  }
0xbe: {  	[tilespmem:s25+$0xDA60] =	vst v4  }
0xbf: {  	[tilespmem:s25+$0xDA70] =	vst v4  }
0xc0: {  	[tilespmem:s25+$0xDA80] =	vst v4  }
0xc1: {  	[tilespmem:s25+$0xDA90] =	vst v4  }
0xc2: {  	[tilespmem:s25+$0xDAA0] =	vst v4  }
0xc3: {  	[tilespmem:s25+$0xDAB0] =	vst v4  }
0xc4: {  	[tilespmem:s25+$0xDAC0] =	vst v4  }
0xc5: {  	[tilespmem:s25+$0xDAD0] =	vst v4  }
0xc6: {  	[tilespmem:s25+$0xDAE0] =	vst v4  }
0xc7: {  	[tilespmem:s25+$0xDAF0] =	vst v4  }
0xc8: {  	[tilespmem:s25+$0xDB00] =	vst v4  }
0xc9: {  	[tilespmem:s25+$0xDB10] =	vst v4  }
0xca: {  	[tilespmem:s25+$0xDB20] =	vst v4  }
0xcb: {  	[tilespmem:s25+$0xDB30] =	vst v4  }
0xcc: {  	[tilespmem:s25+$0xDB40] =	vst v4  }
0xcd: {  	[tilespmem:s25+$0xDB50] =	vst v4  }
0xce: {  	[tilespmem:s25+$0xDB60] =	vst v4  }
0xcf: {  	[tilespmem:s25+$0xDB70] =	vst v4  }
0xd0: {  	[tilespmem:s25+$0xDB80] =	vst v4  }
0xd1: {  	[tilespmem:s25+$0xDB90] =	vst v4  }
.Ltmp1:
0xd2: {  	[tilespmem:s25+$0xDBA0] =	vst v4;
	(pc) =	sbr.rel @p0 .LBB2_4-.Ltmp1, $4  }
0xd3: {  	[tilespmem:s25+$0xDBB0] =	vst v4  }
0xd4: {  	[tilespmem:s25+$0xDBC0] =	vst v4  }
0xd5: {  	[tilespmem:s25+$0xDBD0] =	vst v4  }
0xd6: {  	[tilespmem:s25+$0xDBE0] =	vst v4;
	s25 =	sshra.s32 s26, $0x2;
	s26 =	sadd.s32 $0x1000, s26  }
0xd7: {  	[tilespmem:s25+$0xDBF0] =	vst v4  }
0xd8: {  	[tilespmem:s25+$0xD800] =	vst v4  }
0xd9: {  	[tilespmem:s25+$0xD810] =	vst v4  }
0xda: {  	[tilespmem:s25+$0xD820] =	vst v4  }
0xdb: {  	[tilespmem:s25+$0xD830] =	vst v4  }
0xdc: {  	[tilespmem:s25+$0xD840] =	vst v4  }
0xdd: {  	[tilespmem:s25+$0xD850] =	vst v4  }
0xde: {  	[tilespmem:s25+$0xD860] =	vst v4  }
0xdf: {  	[tilespmem:s25+$0xD870] =	vst v4  }
0xe0: {  	[tilespmem:s25+$0xD880] =	vst v4  }
0xe1: {  	[tilespmem:s25+$0xD890] =	vst v4  }
0xe2: {  	[tilespmem:s25+$0xD8A0] =	vst v4  }
0xe3: {  	[tilespmem:s25+$0xD8B0] =	vst v4  }
0xe4: {  	[tilespmem:s25+$0xD8C0] =	vst v4  }
0xe5: {  	[tilespmem:s25+$0xD8D0] =	vst v4  }
0xe6: {  	[tilespmem:s25+$0xD8E0] =	vst v4  }
0xe7: {  	[tilespmem:s25+$0xD8F0] =	vst v4  }
0xe8: {  	[tilespmem:s25+$0xD900] =	vst v4  }
0xe9: {  	[tilespmem:s25+$0xD910] =	vst v4  }
0xea: {  	[tilespmem:s25+$0xD920] =	vst v4  }
0xeb: {  	[tilespmem:s25+$0xD930] =	vst v4  }
0xec: {  	[tilespmem:s25+$0xD940] =	vst v4  }
0xed: {  	[tilespmem:s25+$0xD950] =	vst v4  }
0xee: {  	[tilespmem:s25+$0xD960] =	vst v4  }
0xef: {  	[tilespmem:s25+$0xD970] =	vst v4  }
0xf0: {  	[tilespmem:s25+$0xD980] =	vst v4  }
0xf1: {  	[tilespmem:s25+$0xD990] =	vst v4  }
0xf2: {  	[tilespmem:s25+$0xD9A0] =	vst v4  }
0xf3: {  	[tilespmem:s25+$0xD9B0] =	vst v4  }
0xf4: {  	[tilespmem:s25+$0xD9C0] =	vst v4  }
0xf5: {  	[tilespmem:s25+$0xD9D0] =	vst v4  }
0xf6: {  	[tilespmem:s25+$0xD9E0] =	vst v4  }
0xf7: {  	[tilespmem:s25+$0xD9F0] =	vst v4  }
0xf8: {  	[tilespmem:s25+$0xDA00] =	vst v4  }
0xf9: {  	[tilespmem:s25+$0xDA10] =	vst v4  }
0xfa: {  	[tilespmem:s25+$0xDA20] =	vst v4  }
0xfb: {  	[tilespmem:s25+$0xDA30] =	vst v4  }
0xfc: {  	[tilespmem:s25+$0xDA40] =	vst v4  }
0xfd: {  	[tilespmem:s25+$0xDA50] =	vst v4  }
0xfe: {  	[tilespmem:s25+$0xDA60] =	vst v4  }
0xff: {  	[tilespmem:s25+$0xDA70] =	vst v4  }
0x100: {  	[tilespmem:s25+$0xDA80] =	vst v4  }
0x101: {  	[tilespmem:s25+$0xDA90] =	vst v4  }
0x102: {  	[tilespmem:s25+$0xDAA0] =	vst v4  }
0x103: {  	[tilespmem:s25+$0xDAB0] =	vst v4  }
0x104: {  	[tilespmem:s25+$0xDAC0] =	vst v4  }
0x105: {  	[tilespmem:s25+$0xDAD0] =	vst v4  }
0x106: {  	[tilespmem:s25+$0xDAE0] =	vst v4  }
0x107: {  	[tilespmem:s25+$0xDAF0] =	vst v4  }
0x108: {  	[tilespmem:s25+$0xDB00] =	vst v4  }
0x109: {  	[tilespmem:s25+$0xDB10] =	vst v4  }
0x10a: {  	[tilespmem:s25+$0xDB20] =	vst v4  }
0x10b: {  	[tilespmem:s25+$0xDB30] =	vst v4  }
0x10c: {  	[tilespmem:s25+$0xDB40] =	vst v4  }
0x10d: {  	[tilespmem:s25+$0xDB50] =	vst v4  }
0x10e: {  	[tilespmem:s25+$0xDB60] =	vst v4  }
0x10f: {  	[tilespmem:s25+$0xDB70] =	vst v4  }
0x110: {  	[tilespmem:s25+$0xDB80] =	vst v4  }
0x111: {  	[tilespmem:s25+$0xDB90] =	vst v4  }
0x112: {  	[tilespmem:s25+$0xDBA0] =	vst v4  }
0x113: {  	[tilespmem:s25+$0xDBB0] =	vst v4  }
0x114: {  	[tilespmem:s25+$0xDBC0] =	vst v4  }
0x115: {  	[tilespmem:s25+$0xDBD0] =	vst v4  }
0x116: {  	[tilespmem:s25+$0xDBE0] =	vst v4;
	s25 =	simm.s32 $0x0  }
0x117: {  	[tilespmem:s25], [sflag:$0x1] =	stream.indirect_vreg.gather [hbm4b:s1+s25], $0x80, v0, vm0, $0xb8;
	[tilespmem:$0x1A800] =	vst v63  }
0x118: {  	_ = 	snop  }
0x119: {  	[tilespmem:s13], [sflag:$0x2] =	stream.indirect_vreg.gather [hbm4b:s1+s25], $0x80, v1, vm0, $0xb8;
	[tilespmem:$0x1A800] =	vst v63  }
0x11a: {  	_ =	swait.ge [sflag:s14], $0x800  }
0x11b: {  	s2 =	simm.s32 $0x40;
	[sflag:s14] =	ssyncset.done $0x0  }
0x11c: {  	s26 =	simm.s32 $0x1A040;
	s28 =	simm.s32 $0x0;
	[sflag:s14] =	ssyncadd.s32 $0xFFFFF800  }
.LBB2_6:
0x11d: {  	v23 =	vld [tilespmem:s2+$0xFFFFFFC0];
	_ =	sdelay $0x4  }
0x11e: {  	v23 =	vtrunc.f32 v23  }
0x11f: {  	v23 =	vcvt.f32.s32 v23;
	_ =	sdelay $0x1  }
0x120: {  	v24 =	vshll.u32 v23, $0xA  }
0x121: {  	vm1 =	vlt.s32 v23, $0x32;
	v23 =	vor.u32 v5, v24  }
0x122: {  	s0 =	sshll.u32 s28, $0x7;
	v23 =	vsel vm1, v23, v5  }
0x123: {  	v49 =	vor.u32 s0, v23;
	_ =	sdelay $0x2  }
0x124: {  	v23 =	vor.u32 s25, v23  }
0x125: {  	[tilespmem:s26+$0xFFFFFFC0] =	vst v23  }
0x126: {  	[tilespmem:v49+s15+$0x0] =	vst.idx.msk vm1, v6  }
0x127: {  	v23 =	vld [tilespmem:s2+$0xFFFFFFD0];
	_ =	sdelay $0x4  }
0x128: {  	v23 =	vtrunc.f32 v23  }
0x129: {  	v23 =	vcvt.f32.s32 v23;
	_ =	sdelay $0x1  }
0x12a: {  	v50 =	vshll.u32 v23, $0xA  }
0x12b: {  	vm1 =	vlt.s32 v23, $0x32;
	v23 =	vor.u32 v7, v50  }
0x12c: {  	v23 =	vsel vm1, v23, v7  }
0x12d: {  	v51 =	vor.u32 s0, v23;
	_ =	sdelay $0x2  }
0x12e: {  	v23 =	vor.u32 s25, v23  }
0x12f: {  	[tilespmem:s26+$0xFFFFFFD0] =	vst v23  }
0x130: {  	[tilespmem:v51+s15+$0x0] =	vst.idx.msk vm1, v6  }
0x131: {  	v23 =	vld [tilespmem:s2+$0xFFFFFFE0];
	_ =	sdelay $0x4  }
0x132: {  	v23 =	vtrunc.f32 v23  }
0x133: {  	v23 =	vcvt.f32.s32 v23;
	_ =	sdelay $0x1  }
0x134: {  	v52 =	vshll.u32 v23, $0xA  }
0x135: {  	vm1 =	vlt.s32 v23, $0x32;
	v23 =	vor.u32 v8, v52  }
0x136: {  	v23 =	vsel vm1, v23, v8  }
0x137: {  	v53 =	vor.u32 s0, v23;
	_ =	sdelay $0x2  }
0x138: {  	v23 =	vor.u32 s25, v23  }
0x139: {  	[tilespmem:s26+$0xFFFFFFE0] =	vst v23  }
0x13a: {  	[tilespmem:v53+s15+$0x0] =	vst.idx.msk vm1, v6  }
0x13b: {  	v23 =	vld [tilespmem:s2+$0xFFFFFFF0];
	_ =	sdelay $0x4  }
0x13c: {  	v23 =	vtrunc.f32 v23  }
0x13d: {  	v23 =	vcvt.f32.s32 v23;
	_ =	sdelay $0x1  }
0x13e: {  	v54 =	vshll.u32 v23, $0xA  }
0x13f: {  	vm1 =	vlt.s32 v23, $0x32;
	v23 =	vor.u32 v9, v54  }
0x140: {  	v23 =	vsel vm1, v23, v9  }
0x141: {  	v55 =	vor.u32 s0, v23;
	_ =	sdelay $0x2  }
0x142: {  	v23 =	vor.u32 s25, v23  }
0x143: {  	[tilespmem:s26+$0xFFFFFFF0] =	vst v23  }
0x144: {  	[tilespmem:v55+s15+$0x0] =	vst.idx.msk vm1, v6  }
0x145: {  	v23 =	vld [tilespmem:s2+$0x0];
	_ =	sdelay $0x4  }
0x146: {  	v23 =	vtrunc.f32 v23  }
0x147: {  	v23 =	vcvt.f32.s32 v23;
	_ =	sdelay $0x1  }
0x148: {  	v56 =	vshll.u32 v23, $0xA  }
0x149: {  	vm1 =	vlt.s32 v23, $0x32;
	v23 =	vor.u32 v10, v56  }
0x14a: {  	v23 =	vsel vm1, v23, v10  }
0x14b: {  	v57 =	vor.u32 s0, v23;
	_ =	sdelay $0x2  }
0x14c: {  	v23 =	vor.u32 s25, v23  }
0x14d: {  	[tilespmem:s26+$0x0] =	vst v23  }
0x14e: {  	[tilespmem:v57+s15+$0x0] =	vst.idx.msk vm1, v6  }
0x14f: {  	v23 =	vld [tilespmem:s2+$0x10];
	_ =	sdelay $0x4  }
0x150: {  	v23 =	vtrunc.f32 v23  }
0x151: {  	v23 =	vcvt.f32.s32 v23;
	_ =	sdelay $0x1  }
0x152: {  	v58 =	vshll.u32 v23, $0xA  }
0x153: {  	vm1 =	vlt.s32 v23, $0x32;
	v23 =	vor.u32 v11, v58  }
0x154: {  	v23 =	vsel vm1, v23, v11  }
0x155: {  	v59 =	vor.u32 s0, v23;
	_ =	sdelay $0x2  }
0x156: {  	v23 =	vor.u32 s25, v23  }
0x157: {  	[tilespmem:s26+$0x10] =	vst v23  }
0x158: {  	[tilespmem:v59+s15+$0x0] =	vst.idx.msk vm1, v6  }
0x159: {  	v23 =	vld [tilespmem:s2+$0x20];
	_ =	sdelay $0x4  }
0x15a: {  	v23 =	vtrunc.f32 v23  }
0x15b: {  	v23 =	vcvt.f32.s32 v23;
	_ =	sdelay $0x1  }
0x15c: {  	v60 =	vshll.u32 v23, $0xA  }
0x15d: {  	vm1 =	vlt.s32 v23, $0x32;
	v23 =	vor.u32 v12, v60  }
0x15e: {  	v23 =	vsel vm1, v23, v12  }
0x15f: {  	v61 =	vor.u32 s0, v23;
	_ =	sdelay $0x2  }
0x160: {  	v23 =	vor.u32 s25, v23  }
0x161: {  	[tilespmem:s26+$0x20] =	vst v23  }
0x162: {  	[tilespmem:v61+s15+$0x0] =	vst.idx.msk vm1, v6  }
0x163: {  	v23 =	vld [tilespmem:s2+$0x30];
	_ =	sdelay $0x4  }
0x164: {  	v23 =	vtrunc.f32 v23  }
0x165: {  	v23 =	vcvt.f32.s32 v23;
	_ =	sdelay $0x1  }
0x166: {  	v62 =	vshll.u32 v23, $0xA  }
0x167: {  	vm1 =	vlt.s32 v23, $0x32;
	v23 =	vor.u32 v13, v62  }
0x168: {  	v23 =	vsel vm1, v23, v13  }
0x169: {  	p0 =	sne.s32 s28, $0x7;
	v63 =	vor.u32 s0, v23  }
.Ltmp2:
0x16a: {  	_ = 	snop;
	(pc) =	sbr.rel @p0 .LBB2_6-.Ltmp2, $4  }
0x16b: {  	_ = 	snop  }
0x16c: {  	v23 =	vor.u32 s25, v23  }
0x16d: {  	s28 =	sadd.s32 $0x1, s28;
	[tilespmem:s26+$0x30] =	vst v23  }
0x16e: {  	s2 =	sadd.s32 $0x80, s2;
	s25 =	sadd.s32 $0x80, s25;
	s26 =	sadd.s32 $0x80, s26;
	[tilespmem:v63+s15+$0x0] =	vst.idx.msk vm1, v6  }
0x16f: {  	[hbm4b:s6+s16] =	stream.strided.scatter [tilespmem:s15], [sflag:$0x3], $0x6400, s17, s16, $0x38;
	[tilespmem:$0x1A800] =	vst v63  }
0x170: {  	s25 =	simm.s32 $0x40  }
0x171: {  	s26 =	simm.s32 $0x0;
	s28 =	simm.s32 $0x1A440;
	s29 =	simm.s32 $0x0  }
0x172: {  	[hbm4b:s7+s16] =	stream.strided.scatter [tilespmem:s18], [sflag:$0x3], $0x6400, s17, s16, $0x38;
	[tilespmem:$0x1A800] =	vst v63  }
.LBB2_8:
0x173: {  	v23 =	vld [tilespmem:s25+$0xFFFFFFC0];
	_ =	sdelay $0x4  }
0x174: {  	v23 =	vtrunc.f32 v23  }
0x175: {  	v23 =	vcvt.f32.s32 v23;
	_ =	sdelay $0x1  }
0x176: {  	vm1 =	vgt.s32 v23, $0x32  }
0x177: {  	v24 =	vnsel vm1, $0x32, v23  }
0x178: {  	v24 =	vshll.u32 v24, $0xA  }
0x179: {  	s2 =	sshll.u32 s29, $0x7;
	vm1 =	vgt.s32 v23, $0x31;
	v23 =	vadd.s32 v14, v24  }
0x17a: {  	v24 =	vor.u32 s2, v23;
	_ =	sdelay $0x2  }
0x17b: {  	v23 =	vor.u32 s26, v23  }
0x17c: {  	[tilespmem:s28+$0xFFFFFFC0] =	vst v23  }
0x17d: {  	[tilespmem:v24+s19+$0x0] =	vst.idx.msk vm1, v6  }
0x17e: {  	v23 =	vld [tilespmem:s25+$0xFFFFFFD0];
	_ =	sdelay $0x4  }
0x17f: {  	v23 =	vtrunc.f32 v23  }
0x180: {  	v23 =	vcvt.f32.s32 v23;
	_ =	sdelay $0x1  }
0x181: {  	vm1 =	vgt.s32 v23, $0x32  }
0x182: {  	v57 =	vnsel vm1, $0x32, v23  }
0x183: {  	v24 =	vshll.u32 v57, $0xA  }
0x184: {  	vm1 =	vgt.s32 v23, $0x31;
	v23 =	vadd.s32 v15, v24  }
0x185: {  	v24 =	vor.u32 s2, v23;
	_ =	sdelay $0x2  }
0x186: {  	v23 =	vor.u32 s26, v23  }
0x187: {  	[tilespmem:s28+$0xFFFFFFD0] =	vst v23  }
0x188: {  	[tilespmem:v24+s19+$0x0] =	vst.idx.msk vm1, v6  }
0x189: {  	v23 =	vld [tilespmem:s25+$0xFFFFFFE0];
	_ =	sdelay $0x4  }
0x18a: {  	v23 =	vtrunc.f32 v23  }
0x18b: {  	v23 =	vcvt.f32.s32 v23;
	_ =	sdelay $0x1  }
0x18c: {  	vm1 =	vgt.s32 v23, $0x32  }
0x18d: {  	v58 =	vnsel vm1, $0x32, v23  }
0x18e: {  	v24 =	vshll.u32 v58, $0xA  }
0x18f: {  	vm1 =	vgt.s32 v23, $0x31;
	v23 =	vadd.s32 v16, v24  }
0x190: {  	v24 =	vor.u32 s2, v23;
	_ =	sdelay $0x2  }
0x191: {  	v23 =	vor.u32 s26, v23  }
0x192: {  	[tilespmem:s28+$0xFFFFFFE0] =	vst v23  }
0x193: {  	[tilespmem:v24+s19+$0x0] =	vst.idx.msk vm1, v6  }
0x194: {  	v23 =	vld [tilespmem:s25+$0xFFFFFFF0];
	_ =	sdelay $0x4  }
0x195: {  	v23 =	vtrunc.f32 v23  }
0x196: {  	v23 =	vcvt.f32.s32 v23;
	_ =	sdelay $0x1  }
0x197: {  	vm1 =	vgt.s32 v23, $0x32  }
0x198: {  	v59 =	vnsel vm1, $0x32, v23  }
0x199: {  	v24 =	vshll.u32 v59, $0xA  }
0x19a: {  	vm1 =	vgt.s32 v23, $0x31;
	v23 =	vadd.s32 v17, v24  }
0x19b: {  	v24 =	vor.u32 s2, v23;
	_ =	sdelay $0x2  }
0x19c: {  	v23 =	vor.u32 s26, v23  }
0x19d: {  	[tilespmem:s28+$0xFFFFFFF0] =	vst v23  }
0x19e: {  	[tilespmem:v24+s19+$0x0] =	vst.idx.msk vm1, v6  }
0x19f: {  	v23 =	vld [tilespmem:s25+$0x0];
	_ =	sdelay $0x4  }
0x1a0: {  	v23 =	vtrunc.f32 v23  }
0x1a1: {  	v23 =	vcvt.f32.s32 v23;
	_ =	sdelay $0x1  }
0x1a2: {  	vm1 =	vgt.s32 v23, $0x32  }
0x1a3: {  	v60 =	vnsel vm1, $0x32, v23  }
0x1a4: {  	v24 =	vshll.u32 v60, $0xA  }
0x1a5: {  	vm1 =	vgt.s32 v23, $0x31;
	v23 =	vadd.s32 v18, v24  }
0x1a6: {  	v24 =	vor.u32 s2, v23;
	_ =	sdelay $0x2  }
0x1a7: {  	v23 =	vor.u32 s26, v23  }
0x1a8: {  	[tilespmem:s28+$0x0] =	vst v23  }
0x1a9: {  	[tilespmem:v24+s19+$0x0] =	vst.idx.msk vm1, v6  }
0x1aa: {  	v23 =	vld [tilespmem:s25+$0x10];
	_ =	sdelay $0x4  }
0x1ab: {  	v23 =	vtrunc.f32 v23  }
0x1ac: {  	v23 =	vcvt.f32.s32 v23;
	_ =	sdelay $0x1  }
0x1ad: {  	vm1 =	vgt.s32 v23, $0x32  }
0x1ae: {  	v61 =	vnsel vm1, $0x32, v23  }
0x1af: {  	v24 =	vshll.u32 v61, $0xA  }
0x1b0: {  	vm1 =	vgt.s32 v23, $0x31;
	v23 =	vadd.s32 v19, v24  }
0x1b1: {  	v24 =	vor.u32 s2, v23;
	_ =	sdelay $0x2  }
0x1b2: {  	v23 =	vor.u32 s26, v23  }
0x1b3: {  	[tilespmem:s28+$0x10] =	vst v23  }
0x1b4: {  	[tilespmem:v24+s19+$0x0] =	vst.idx.msk vm1, v6  }
0x1b5: {  	v23 =	vld [tilespmem:s25+$0x20];
	_ =	sdelay $0x4  }
0x1b6: {  	v23 =	vtrunc.f32 v23  }
0x1b7: {  	v23 =	vcvt.f32.s32 v23;
	_ =	sdelay $0x1  }
0x1b8: {  	vm1 =	vgt.s32 v23, $0x32  }
0x1b9: {  	v62 =	vnsel vm1, $0x32, v23  }
0x1ba: {  	v24 =	vshll.u32 v62, $0xA  }
0x1bb: {  	vm1 =	vgt.s32 v23, $0x31;
	v23 =	vadd.s32 v20, v24  }
0x1bc: {  	v24 =	vor.u32 s2, v23;
	_ =	sdelay $0x2  }
0x1bd: {  	v23 =	vor.u32 s26, v23  }
0x1be: {  	[tilespmem:s28+$0x20] =	vst v23  }
0x1bf: {  	[tilespmem:v24+s19+$0x0] =	vst.idx.msk vm1, v6  }
0x1c0: {  	v23 =	vld [tilespmem:s25+$0x30];
	_ =	sdelay $0x4  }
0x1c1: {  	v23 =	vtrunc.f32 v23  }
0x1c2: {  	v23 =	vcvt.f32.s32 v23;
	_ =	sdelay $0x1  }
0x1c3: {  	vm1 =	vgt.s32 v23, $0x32  }
0x1c4: {  	v63 =	vnsel vm1, $0x32, v23  }
0x1c5: {  	v24 =	vshll.u32 v63, $0xA  }
0x1c6: {  	vm1 =	vgt.s32 v23, $0x31;
	v23 =	vadd.s32 v21, v24  }
0x1c7: {  	p0 =	sne.s32 s29, $0x7;
	v24 =	vor.u32 s2, v23  }
.Ltmp3:
0x1c8: {  	_ = 	snop;
	(pc) =	sbr.rel @p0 .LBB2_8-.Ltmp3, $4  }
0x1c9: {  	_ = 	snop  }
0x1ca: {  	v23 =	vor.u32 s26, v23  }
0x1cb: {  	s29 =	sadd.s32 $0x1, s29;
	[tilespmem:s28+$0x30] =	vst v23  }
0x1cc: {  	s25 =	sadd.s32 $0x80, s25;
	s26 =	sadd.s32 $0x80, s26;
	s28 =	sadd.s32 $0x80, s28;
	[tilespmem:v24+s19+$0x0] =	vst.idx.msk vm1, v6  }
0x1cd: {  	[hbm4b:s8+s16] =	stream.strided.scatter [tilespmem:s19], [sflag:$0x4], $0x6400, s17, s16, $0x38;
	[tilespmem:$0x1A800] =	vst v63  }
0x1ce: {  	_ = 	snop  }
0x1cf: {  	[hbm4b:s9+s16] =	stream.strided.scatter [tilespmem:s20], [sflag:$0x4], $0x6400, s17, s16, $0x38;
	[tilespmem:$0x1A800] =	vst v63  }
0x1d0: {  	s25 =	simm.s32 $0x0  }
0x1d1: {  	[tilespmem:s25], [sflag:$0x1] =	stream.indirect_vreg.gather [hbm4b:s1+s25], $0x80, v2, vm0, $0xb8;
	[tilespmem:$0x1A800] =	vst v63  }
.LBB2_10:
0x1d2: {  	_ =	swait.ge [sflag:s21], $0x800  }
0x1d3: {  	[sflag:s21] =	ssyncset.done $0x0  }
0x1d4: {  	[sflag:s21] =	ssyncadd.s32 $0xFFFFF800  }
0x1d5: {  	_ =	swait.ge [sflag:s22], $0x6400  }
0x1d6: {  	[sflag:s22] =	ssyncset.done $0x0  }
0x1d7: {  	[sflag:s22] =	ssyncadd.s32 $0xFFFF9C00  }
0x1d8: {  	_ =	swait.ge [sflag:s22], $0x6400  }
0x1d9: {  	[sflag:s22] =	ssyncset.done $0x0  }
0x1da: {  	s0 =	simm.s32 $0x0;
	[sflag:s22] =	ssyncadd.s32 $0xFFFF9C00  }
.LBB2_11:
0x1db: {  	s2 =	sshra.s32 s0, $0x2  }
0x1dc: {  	v23 =	vld [tilespmem:s2+$0x1A000];
	_ =	sdelay $0x2  }
0x1dd: {  	p0 =	sne.s32 s0, $0xFC0  }
.Ltmp4:
0x1de: {  	_ = 	snop;
	(pc) =	sbr.rel @p0 .LBB2_11-.Ltmp4, $2  }
0x1df: {  	_ =	sdelay $0x2  }
0x1e0: {  	s0 =	sadd.s32 $0x40, s0;
	[tilespmem:v23+s15+$0x0] =	vst.idx.msk $0xffff, v4  }
0x1e1: {  	s2 =	simm.s32 $0x840  }
0x1e2: {  	s26 =	simm.s32 $0x0;
	s28 =	simm.s32 $0x1A040;
	s29 =	simm.s32 $0x0  }
.LBB2_13:
0x1e3: {  	v23 =	vld [tilespmem:s2+$0xFFFFFFC0];
	_ =	sdelay $0x4  }
0x1e4: {  	v23 =	vtrunc.f32 v23  }
0x1e5: {  	v23 =	vcvt.f32.s32 v23;
	_ =	sdelay $0x1  }
0x1e6: {  	v24 =	vshll.u32 v23, $0xA  }
0x1e7: {  	vm1 =	vlt.s32 v23, $0x32;
	v23 =	vor.u32 v5, v24  }
0x1e8: {  	s0 =	sshll.u32 s29, $0x7;
	v23 =	vsel vm1, v23, v5  }
0x1e9: {  	v49 =	vor.u32 s0, v23;
	_ =	sdelay $0x2  }
0x1ea: {  	v23 =	vor.u32 s26, v23  }
0x1eb: {  	[tilespmem:s28+$0xFFFFFFC0] =	vst v23  }
0x1ec: {  	[tilespmem:v49+s15+$0x0] =	vst.idx.msk vm1, v6  }
0x1ed: {  	v23 =	vld [tilespmem:s2+$0xFFFFFFD0];
	_ =	sdelay $0x4  }
0x1ee: {  	v23 =	vtrunc.f32 v23  }
0x1ef: {  	v23 =	vcvt.f32.s32 v23;
	_ =	sdelay $0x1  }
0x1f0: {  	v50 =	vshll.u32 v23, $0xA  }
0x1f1: {  	vm1 =	vlt.s32 v23, $0x32;
	v23 =	vor.u32 v7, v50  }
0x1f2: {  	v23 =	vsel vm1, v23, v7  }
0x1f3: {  	v51 =	vor.u32 s0, v23;
	_ =	sdelay $0x2  }
0x1f4: {  	v23 =	vor.u32 s26, v23  }
0x1f5: {  	[tilespmem:s28+$0xFFFFFFD0] =	vst v23  }
0x1f6: {  	[tilespmem:v51+s15+$0x0] =	vst.idx.msk vm1, v6  }
0x1f7: {  	v23 =	vld [tilespmem:s2+$0xFFFFFFE0];
	_ =	sdelay $0x4  }
0x1f8: {  	v23 =	vtrunc.f32 v23  }
0x1f9: {  	v23 =	vcvt.f32.s32 v23;
	_ =	sdelay $0x1  }
0x1fa: {  	v52 =	vshll.u32 v23, $0xA  }
0x1fb: {  	vm1 =	vlt.s32 v23, $0x32;
	v23 =	vor.u32 v8, v52  }
0x1fc: {  	v23 =	vsel vm1, v23, v8  }
0x1fd: {  	v53 =	vor.u32 s0, v23;
	_ =	sdelay $0x2  }
0x1fe: {  	v23 =	vor.u32 s26, v23  }
0x1ff: {  	[tilespmem:s28+$0xFFFFFFE0] =	vst v23  }
0x200: {  	[tilespmem:v53+s15+$0x0] =	vst.idx.msk vm1, v6  }
0x201: {  	v23 =	vld [tilespmem:s2+$0xFFFFFFF0];
	_ =	sdelay $0x4  }
0x202: {  	v23 =	vtrunc.f32 v23  }
0x203: {  	v23 =	vcvt.f32.s32 v23;
	_ =	sdelay $0x1  }
0x204: {  	v54 =	vshll.u32 v23, $0xA  }
0x205: {  	vm1 =	vlt.s32 v23, $0x32;
	v23 =	vor.u32 v9, v54  }
0x206: {  	v23 =	vsel vm1, v23, v9  }
0x207: {  	v55 =	vor.u32 s0, v23;
	_ =	sdelay $0x2  }
0x208: {  	v23 =	vor.u32 s26, v23  }
0x209: {  	[tilespmem:s28+$0xFFFFFFF0] =	vst v23  }
0x20a: {  	[tilespmem:v55+s15+$0x0] =	vst.idx.msk vm1, v6  }
0x20b: {  	v23 =	vld [tilespmem:s2+$0x0];
	_ =	sdelay $0x4  }
0x20c: {  	v23 =	vtrunc.f32 v23  }
0x20d: {  	v23 =	vcvt.f32.s32 v23;
	_ =	sdelay $0x1  }
0x20e: {  	v56 =	vshll.u32 v23, $0xA  }
0x20f: {  	vm1 =	vlt.s32 v23, $0x32;
	v23 =	vor.u32 v10, v56  }
0x210: {  	v23 =	vsel vm1, v23, v10  }
0x211: {  	v57 =	vor.u32 s0, v23;
	_ =	sdelay $0x2  }
0x212: {  	v23 =	vor.u32 s26, v23  }
0x213: {  	[tilespmem:s28+$0x0] =	vst v23  }
0x214: {  	[tilespmem:v57+s15+$0x0] =	vst.idx.msk vm1, v6  }
0x215: {  	v23 =	vld [tilespmem:s2+$0x10];
	_ =	sdelay $0x4  }
0x216: {  	v23 =	vtrunc.f32 v23  }
0x217: {  	v23 =	vcvt.f32.s32 v23;
	_ =	sdelay $0x1  }
0x218: {  	v58 =	vshll.u32 v23, $0xA  }
0x219: {  	vm1 =	vlt.s32 v23, $0x32;
	v23 =	vor.u32 v11, v58  }
0x21a: {  	v23 =	vsel vm1, v23, v11  }
0x21b: {  	v59 =	vor.u32 s0, v23;
	_ =	sdelay $0x2  }
0x21c: {  	v23 =	vor.u32 s26, v23  }
0x21d: {  	[tilespmem:s28+$0x10] =	vst v23  }
0x21e: {  	[tilespmem:v59+s15+$0x0] =	vst.idx.msk vm1, v6  }
0x21f: {  	v23 =	vld [tilespmem:s2+$0x20];
	_ =	sdelay $0x4  }
0x220: {  	v23 =	vtrunc.f32 v23  }
0x221: {  	v23 =	vcvt.f32.s32 v23;
	_ =	sdelay $0x1  }
0x222: {  	v60 =	vshll.u32 v23, $0xA  }
0x223: {  	vm1 =	vlt.s32 v23, $0x32;
	v23 =	vor.u32 v12, v60  }
0x224: {  	v23 =	vsel vm1, v23, v12  }
0x225: {  	v61 =	vor.u32 s0, v23;
	_ =	sdelay $0x2  }
0x226: {  	v23 =	vor.u32 s26, v23  }
0x227: {  	[tilespmem:s28+$0x20] =	vst v23  }
0x228: {  	[tilespmem:v61+s15+$0x0] =	vst.idx.msk vm1, v6  }
0x229: {  	v23 =	vld [tilespmem:s2+$0x30];
	_ =	sdelay $0x4  }
0x22a: {  	v23 =	vtrunc.f32 v23  }
0x22b: {  	v23 =	vcvt.f32.s32 v23;
	_ =	sdelay $0x1  }
0x22c: {  	v62 =	vshll.u32 v23, $0xA  }
0x22d: {  	vm1 =	vlt.s32 v23, $0x32;
	v23 =	vor.u32 v13, v62  }
0x22e: {  	v23 =	vsel vm1, v23, v13  }
0x22f: {  	p0 =	sne.s32 s29, $0x7;
	v63 =	vor.u32 s0, v23  }
.Ltmp5:
0x230: {  	_ = 	snop;
	(pc) =	sbr.rel @p0 .LBB2_13-.Ltmp5, $4  }
0x231: {  	_ = 	snop  }
0x232: {  	v23 =	vor.u32 s26, v23  }
0x233: {  	s29 =	sadd.s32 $0x1, s29;
	[tilespmem:s28+$0x30] =	vst v23  }
0x234: {  	s2 =	sadd.s32 $0x80, s2;
	s26 =	sadd.s32 $0x80, s26;
	s28 =	sadd.s32 $0x80, s28;
	[tilespmem:v63+s15+$0x0] =	vst.idx.msk vm1, v6  }
0x235: {  	s26 =	sshll.u32 s25, $0x10  }
0x236: {  	s0 =	sor.u32 s5, s26  }
0x237: {  	s0 =	sshrl.u32 s0, $0x3  }
0x238: {  	s2 =	sadd.s32 s0, s11;
	s29 =	sadd.s32 s3, s0  }
0x239: {  	[hbm4b:s2+s16] =	stream.strided.scatter [tilespmem:s15], [sflag:$0x3], $0x6400, s17, s16, $0x38;
	[tilespmem:$0x1A800] =	vst v63  }
0x23a: {  	s0 =	sadd.s32 $0x272000, s29  }
0x23b: {  	[hbm4b:s0+s16] =	stream.strided.scatter [tilespmem:s18], [sflag:$0x3], $0x6400, s17, s16, $0x38;
	[tilespmem:$0x1A800] =	vst v63  }
0x23c: {  	_ =	swait.ge [sflag:s23], $0x6400  }
0x23d: {  	[sflag:s23] =	ssyncset.done $0x0  }
0x23e: {  	[sflag:s23] =	ssyncadd.s32 $0xFFFF9C00  }
0x23f: {  	_ =	swait.ge [sflag:s23], $0x6400  }
0x240: {  	[sflag:s23] =	ssyncset.done $0x0  }
0x241: {  	s28 =	simm.s32 $0x0;
	s0 =	simm.s32 $0x0;
	[sflag:s23] =	ssyncadd.s32 $0xFFFF9C00  }
.LBB2_15:
0x242: {  	s2 =	sshra.s32 s0, $0x2  }
0x243: {  	v23 =	vld [tilespmem:s2+$0x1A400];
	_ =	sdelay $0x2  }
0x244: {  	p0 =	sne.s32 s0, $0xFC0  }
.Ltmp6:
0x245: {  	_ = 	snop;
	(pc) =	sbr.rel @p0 .LBB2_15-.Ltmp6, $2  }
0x246: {  	_ =	sdelay $0x2  }
0x247: {  	s0 =	sadd.s32 $0x40, s0;
	[tilespmem:v23+s19+$0x0] =	vst.idx.msk $0xffff, v4  }
0x248: {  	s30 =	simm.s32 $0x840;
	s31 =	simm.s32 $0x1A440;
	s2 =	simm.s32 $0x0  }
.LBB2_17:
0x249: {  	v23 =	vld [tilespmem:s30+$0xFFFFFFC0];
	_ =	sdelay $0x4  }
0x24a: {  	v23 =	vtrunc.f32 v23  }
0x24b: {  	v23 =	vcvt.f32.s32 v23;
	_ =	sdelay $0x1  }
0x24c: {  	vm1 =	vgt.s32 v23, $0x32  }
0x24d: {  	v24 =	vnsel vm1, $0x32, v23  }
0x24e: {  	v24 =	vshll.u32 v24, $0xA  }
0x24f: {  	s0 =	sshll.u32 s2, $0x7;
	vm1 =	vgt.s32 v23, $0x31;
	v23 =	vadd.s32 v14, v24  }
0x250: {  	v24 =	vor.u32 s0, v23;
	_ =	sdelay $0x2  }
0x251: {  	v23 =	vor.u32 s28, v23  }
0x252: {  	[tilespmem:s31+$0xFFFFFFC0] =	vst v23  }
0x253: {  	[tilespmem:v24+s19+$0x0] =	vst.idx.msk vm1, v6  }
0x254: {  	v23 =	vld [tilespmem:s30+$0xFFFFFFD0];
	_ =	sdelay $0x4  }
0x255: {  	v23 =	vtrunc.f32 v23  }
0x256: {  	v23 =	vcvt.f32.s32 v23;
	_ =	sdelay $0x1  }
0x257: {  	vm1 =	vgt.s32 v23, $0x32  }
0x258: {  	v57 =	vnsel vm1, $0x32, v23  }
0x259: {  	v24 =	vshll.u32 v57, $0xA  }
0x25a: {  	vm1 =	vgt.s32 v23, $0x31;
	v23 =	vadd.s32 v15, v24  }
0x25b: {  	v24 =	vor.u32 s0, v23;
	_ =	sdelay $0x2  }
0x25c: {  	v23 =	vor.u32 s28, v23  }
0x25d: {  	[tilespmem:s31+$0xFFFFFFD0] =	vst v23  }
0x25e: {  	[tilespmem:v24+s19+$0x0] =	vst.idx.msk vm1, v6  }
0x25f: {  	v23 =	vld [tilespmem:s30+$0xFFFFFFE0];
	_ =	sdelay $0x4  }
0x260: {  	v23 =	vtrunc.f32 v23  }
0x261: {  	v23 =	vcvt.f32.s32 v23;
	_ =	sdelay $0x1  }
0x262: {  	vm1 =	vgt.s32 v23, $0x32  }
0x263: {  	v58 =	vnsel vm1, $0x32, v23  }
0x264: {  	v24 =	vshll.u32 v58, $0xA  }
0x265: {  	vm1 =	vgt.s32 v23, $0x31;
	v23 =	vadd.s32 v16, v24  }
0x266: {  	v24 =	vor.u32 s0, v23;
	_ =	sdelay $0x2  }
0x267: {  	v23 =	vor.u32 s28, v23  }
0x268: {  	[tilespmem:s31+$0xFFFFFFE0] =	vst v23  }
0x269: {  	[tilespmem:v24+s19+$0x0] =	vst.idx.msk vm1, v6  }
0x26a: {  	v23 =	vld [tilespmem:s30+$0xFFFFFFF0];
	_ =	sdelay $0x4  }
0x26b: {  	v23 =	vtrunc.f32 v23  }
0x26c: {  	v23 =	vcvt.f32.s32 v23;
	_ =	sdelay $0x1  }
0x26d: {  	vm1 =	vgt.s32 v23, $0x32  }
0x26e: {  	v59 =	vnsel vm1, $0x32, v23  }
0x26f: {  	v24 =	vshll.u32 v59, $0xA  }
0x270: {  	vm1 =	vgt.s32 v23, $0x31;
	v23 =	vadd.s32 v17, v24  }
0x271: {  	v24 =	vor.u32 s0, v23;
	_ =	sdelay $0x2  }
0x272: {  	v23 =	vor.u32 s28, v23  }
0x273: {  	[tilespmem:s31+$0xFFFFFFF0] =	vst v23  }
0x274: {  	[tilespmem:v24+s19+$0x0] =	vst.idx.msk vm1, v6  }
0x275: {  	v23 =	vld [tilespmem:s30+$0x0];
	_ =	sdelay $0x4  }
0x276: {  	v23 =	vtrunc.f32 v23  }
0x277: {  	v23 =	vcvt.f32.s32 v23;
	_ =	sdelay $0x1  }
0x278: {  	vm1 =	vgt.s32 v23, $0x32  }
0x279: {  	v60 =	vnsel vm1, $0x32, v23  }
0x27a: {  	v24 =	vshll.u32 v60, $0xA  }
0x27b: {  	vm1 =	vgt.s32 v23, $0x31;
	v23 =	vadd.s32 v18, v24  }
0x27c: {  	v24 =	vor.u32 s0, v23;
	_ =	sdelay $0x2  }
0x27d: {  	v23 =	vor.u32 s28, v23  }
0x27e: {  	[tilespmem:s31+$0x0] =	vst v23  }
0x27f: {  	[tilespmem:v24+s19+$0x0] =	vst.idx.msk vm1, v6  }
0x280: {  	v23 =	vld [tilespmem:s30+$0x10];
	_ =	sdelay $0x4  }
0x281: {  	v23 =	vtrunc.f32 v23  }
0x282: {  	v23 =	vcvt.f32.s32 v23;
	_ =	sdelay $0x1  }
0x283: {  	vm1 =	vgt.s32 v23, $0x32  }
0x284: {  	v61 =	vnsel vm1, $0x32, v23  }
0x285: {  	v24 =	vshll.u32 v61, $0xA  }
0x286: {  	vm1 =	vgt.s32 v23, $0x31;
	v23 =	vadd.s32 v19, v24  }
0x287: {  	v24 =	vor.u32 s0, v23;
	_ =	sdelay $0x2  }
0x288: {  	v23 =	vor.u32 s28, v23  }
0x289: {  	[tilespmem:s31+$0x10] =	vst v23  }
0x28a: {  	[tilespmem:v24+s19+$0x0] =	vst.idx.msk vm1, v6  }
0x28b: {  	v23 =	vld [tilespmem:s30+$0x20];
	_ =	sdelay $0x4  }
0x28c: {  	v23 =	vtrunc.f32 v23  }
0x28d: {  	v23 =	vcvt.f32.s32 v23;
	_ =	sdelay $0x1  }
0x28e: {  	vm1 =	vgt.s32 v23, $0x32  }
0x28f: {  	v62 =	vnsel vm1, $0x32, v23  }
0x290: {  	v24 =	vshll.u32 v62, $0xA  }
0x291: {  	vm1 =	vgt.s32 v23, $0x31;
	v23 =	vadd.s32 v20, v24  }
0x292: {  	v24 =	vor.u32 s0, v23;
	_ =	sdelay $0x2  }
0x293: {  	v23 =	vor.u32 s28, v23  }
0x294: {  	[tilespmem:s31+$0x20] =	vst v23  }
0x295: {  	[tilespmem:v24+s19+$0x0] =	vst.idx.msk vm1, v6  }
0x296: {  	v23 =	vld [tilespmem:s30+$0x30];
	_ =	sdelay $0x4  }
0x297: {  	v23 =	vtrunc.f32 v23  }
0x298: {  	v23 =	vcvt.f32.s32 v23;
	_ =	sdelay $0x1  }
0x299: {  	vm1 =	vgt.s32 v23, $0x32  }
0x29a: {  	v63 =	vnsel vm1, $0x32, v23  }
0x29b: {  	v24 =	vshll.u32 v63, $0xA  }
0x29c: {  	vm1 =	vgt.s32 v23, $0x31;
	v23 =	vadd.s32 v21, v24  }
0x29d: {  	p0 =	sne.s32 s2, $0x7;
	v24 =	vor.u32 s0, v23  }
.Ltmp7:
0x29e: {  	_ = 	snop;
	(pc) =	sbr.rel @p0 .LBB2_17-.Ltmp7, $4  }
0x29f: {  	_ = 	snop  }
0x2a0: {  	v23 =	vor.u32 s28, v23  }
0x2a1: {  	s2 =	sadd.s32 $0x1, s2;
	[tilespmem:s31+$0x30] =	vst v23  }
0x2a2: {  	s30 =	sadd.s32 $0x80, s30;
	s28 =	sadd.s32 $0x80, s28;
	s31 =	sadd.s32 $0x80, s31;
	[tilespmem:v24+s19+$0x0] =	vst.idx.msk vm1, v6  }
0x2a3: {  	s28 =	sshll.u32 s25, $0x1  }
0x2a4: {  	s0 =	smin.u32 s28, $0x15  }
0x2a5: {  	s0 =	sshll.u32 s0, $0x3  }
0x2a6: {  	s0 =	sadd.s32 $0x18, s0  }
0x2a7: {  	v23 =	vmov s0  }
0x2a8: {  	v23 =	vshll.u32 v23, $0x9  }
0x2a9: {  	v23 =	vor.u32 v22, v23  }
0x2aa: {  	s30 =	sadd.s32 $0x4E3000, s29;
	v23 =	vor.u32 v3, v23  }
0x2ab: {  	[hbm4b:s30+s16] =	stream.strided.scatter [tilespmem:s19], [sflag:$0x4], $0x6400, s17, s16, $0x38;
	[tilespmem:$0x1A800] =	vst v63  }
0x2ac: {  	s31 =	sadd.s32 $0x754000, s29  }
0x2ad: {  	[hbm4b:s31+s16] =	stream.strided.scatter [tilespmem:s20], [sflag:$0x4], $0x6400, s17, s16, $0x38;
	[tilespmem:$0x1A800] =	vst v63  }
0x2ae: {  	s29 =	simm.s32 $0x0  }
0x2af: {  	[tilespmem:s13], [sflag:$0x2] =	stream.indirect_vreg.gather [hbm4b:s1+s29], $0x80, v23, vm0, $0xb8;
	[tilespmem:$0x1A800] =	vst v63  }
0x2b0: {  	_ =	swait.ge [sflag:s14], $0x800  }
0x2b1: {  	[sflag:s14] =	ssyncset.done $0x0  }
0x2b2: {  	[sflag:s14] =	ssyncadd.s32 $0xFFFFF800  }
0x2b3: {  	_ =	swait.ge [sflag:s22], $0x6400  }
0x2b4: {  	[sflag:s22] =	ssyncset.done $0x0  }
0x2b5: {  	[sflag:s22] =	ssyncadd.s32 $0xFFFF9C00  }
0x2b6: {  	_ =	swait.ge [sflag:s22], $0x6400  }
0x2b7: {  	[sflag:s22] =	ssyncset.done $0x0  }
0x2b8: {  	s0 =	simm.s32 $0x0;
	[sflag:s22] =	ssyncadd.s32 $0xFFFF9C00  }
.LBB2_19:
0x2b9: {  	s2 =	sshra.s32 s0, $0x2  }
0x2ba: {  	v23 =	vld [tilespmem:s2+$0x1A000];
	_ =	sdelay $0x2  }
0x2bb: {  	p0 =	sne.s32 s0, $0xFC0  }
.Ltmp8:
0x2bc: {  	_ = 	snop;
	(pc) =	sbr.rel @p0 .LBB2_19-.Ltmp8, $2  }
0x2bd: {  	_ =	sdelay $0x2  }
0x2be: {  	s0 =	sadd.s32 $0x40, s0;
	[tilespmem:v23+s15+$0x0] =	vst.idx.msk $0xffff, v4  }
0x2bf: {  	s2 =	simm.s32 $0x40;
	s30 =	simm.s32 $0x1A040;
	s31 =	simm.s32 $0x0  }
.LBB2_21:
0x2c0: {  	v23 =	vld [tilespmem:s2+$0xFFFFFFC0];
	_ =	sdelay $0x4  }
0x2c1: {  	v23 =	vtrunc.f32 v23  }
0x2c2: {  	v23 =	vcvt.f32.s32 v23;
	_ =	sdelay $0x1  }
0x2c3: {  	v24 =	vshll.u32 v23, $0xA  }
0x2c4: {  	vm1 =	vlt.s32 v23, $0x32;
	v23 =	vor.u32 v5, v24  }
0x2c5: {  	s0 =	sshll.u32 s31, $0x7;
	v23 =	vsel vm1, v23, v5  }
0x2c6: {  	v49 =	vor.u32 s0, v23;
	_ =	sdelay $0x2  }
0x2c7: {  	v23 =	vor.u32 s29, v23  }
0x2c8: {  	[tilespmem:s30+$0xFFFFFFC0] =	vst v23  }
0x2c9: {  	[tilespmem:v49+s15+$0x0] =	vst.idx.msk vm1, v6  }
0x2ca: {  	v23 =	vld [tilespmem:s2+$0xFFFFFFD0];
	_ =	sdelay $0x4  }
0x2cb: {  	v23 =	vtrunc.f32 v23  }
0x2cc: {  	v23 =	vcvt.f32.s32 v23;
	_ =	sdelay $0x1  }
0x2cd: {  	v50 =	vshll.u32 v23, $0xA  }
0x2ce: {  	vm1 =	vlt.s32 v23, $0x32;
	v23 =	vor.u32 v7, v50  }
0x2cf: {  	v23 =	vsel vm1, v23, v7  }
0x2d0: {  	v51 =	vor.u32 s0, v23;
	_ =	sdelay $0x2  }
0x2d1: {  	v23 =	vor.u32 s29, v23  }
0x2d2: {  	[tilespmem:s30+$0xFFFFFFD0] =	vst v23  }
0x2d3: {  	[tilespmem:v51+s15+$0x0] =	vst.idx.msk vm1, v6  }
0x2d4: {  	v23 =	vld [tilespmem:s2+$0xFFFFFFE0];
	_ =	sdelay $0x4  }
0x2d5: {  	v23 =	vtrunc.f32 v23  }
0x2d6: {  	v23 =	vcvt.f32.s32 v23;
	_ =	sdelay $0x1  }
0x2d7: {  	v52 =	vshll.u32 v23, $0xA  }
0x2d8: {  	vm1 =	vlt.s32 v23, $0x32;
	v23 =	vor.u32 v8, v52  }
0x2d9: {  	v23 =	vsel vm1, v23, v8  }
0x2da: {  	v53 =	vor.u32 s0, v23;
	_ =	sdelay $0x2  }
0x2db: {  	v23 =	vor.u32 s29, v23  }
0x2dc: {  	[tilespmem:s30+$0xFFFFFFE0] =	vst v23  }
0x2dd: {  	[tilespmem:v53+s15+$0x0] =	vst.idx.msk vm1, v6  }
0x2de: {  	v23 =	vld [tilespmem:s2+$0xFFFFFFF0];
	_ =	sdelay $0x4  }
0x2df: {  	v23 =	vtrunc.f32 v23  }
0x2e0: {  	v23 =	vcvt.f32.s32 v23;
	_ =	sdelay $0x1  }
0x2e1: {  	v54 =	vshll.u32 v23, $0xA  }
0x2e2: {  	vm1 =	vlt.s32 v23, $0x32;
	v23 =	vor.u32 v9, v54  }
0x2e3: {  	v23 =	vsel vm1, v23, v9  }
0x2e4: {  	v55 =	vor.u32 s0, v23;
	_ =	sdelay $0x2  }
0x2e5: {  	v23 =	vor.u32 s29, v23  }
0x2e6: {  	[tilespmem:s30+$0xFFFFFFF0] =	vst v23  }
0x2e7: {  	[tilespmem:v55+s15+$0x0] =	vst.idx.msk vm1, v6  }
0x2e8: {  	v23 =	vld [tilespmem:s2+$0x0];
	_ =	sdelay $0x4  }
0x2e9: {  	v23 =	vtrunc.f32 v23  }
0x2ea: {  	v23 =	vcvt.f32.s32 v23;
	_ =	sdelay $0x1  }
0x2eb: {  	v56 =	vshll.u32 v23, $0xA  }
0x2ec: {  	vm1 =	vlt.s32 v23, $0x32;
	v23 =	vor.u32 v10, v56  }
0x2ed: {  	v23 =	vsel vm1, v23, v10  }
0x2ee: {  	v57 =	vor.u32 s0, v23;
	_ =	sdelay $0x2  }
0x2ef: {  	v23 =	vor.u32 s29, v23  }
0x2f0: {  	[tilespmem:s30+$0x0] =	vst v23  }
0x2f1: {  	[tilespmem:v57+s15+$0x0] =	vst.idx.msk vm1, v6  }
0x2f2: {  	v23 =	vld [tilespmem:s2+$0x10];
	_ =	sdelay $0x4  }
0x2f3: {  	v23 =	vtrunc.f32 v23  }
0x2f4: {  	v23 =	vcvt.f32.s32 v23;
	_ =	sdelay $0x1  }
0x2f5: {  	v58 =	vshll.u32 v23, $0xA  }
0x2f6: {  	vm1 =	vlt.s32 v23, $0x32;
	v23 =	vor.u32 v11, v58  }
0x2f7: {  	v23 =	vsel vm1, v23, v11  }
0x2f8: {  	v59 =	vor.u32 s0, v23;
	_ =	sdelay $0x2  }
0x2f9: {  	v23 =	vor.u32 s29, v23  }
0x2fa: {  	[tilespmem:s30+$0x10] =	vst v23  }
0x2fb: {  	[tilespmem:v59+s15+$0x0] =	vst.idx.msk vm1, v6  }
0x2fc: {  	v23 =	vld [tilespmem:s2+$0x20];
	_ =	sdelay $0x4  }
0x2fd: {  	v23 =	vtrunc.f32 v23  }
0x2fe: {  	v23 =	vcvt.f32.s32 v23;
	_ =	sdelay $0x1  }
0x2ff: {  	v60 =	vshll.u32 v23, $0xA  }
0x300: {  	vm1 =	vlt.s32 v23, $0x32;
	v23 =	vor.u32 v12, v60  }
0x301: {  	v23 =	vsel vm1, v23, v12  }
0x302: {  	v61 =	vor.u32 s0, v23;
	_ =	sdelay $0x2  }
0x303: {  	v23 =	vor.u32 s29, v23  }
0x304: {  	[tilespmem:s30+$0x20] =	vst v23  }
0x305: {  	[tilespmem:v61+s15+$0x0] =	vst.idx.msk vm1, v6  }
0x306: {  	v23 =	vld [tilespmem:s2+$0x30];
	_ =	sdelay $0x4  }
0x307: {  	v23 =	vtrunc.f32 v23  }
0x308: {  	v23 =	vcvt.f32.s32 v23;
	_ =	sdelay $0x1  }
0x309: {  	v62 =	vshll.u32 v23, $0xA  }
0x30a: {  	vm1 =	vlt.s32 v23, $0x32;
	v23 =	vor.u32 v13, v62  }
0x30b: {  	v23 =	vsel vm1, v23, v13  }
0x30c: {  	p0 =	sne.s32 s31, $0x7;
	v63 =	vor.u32 s0, v23  }
.Ltmp9:
0x30d: {  	_ = 	snop;
	(pc) =	sbr.rel @p0 .LBB2_21-.Ltmp9, $4  }
0x30e: {  	_ = 	snop  }
0x30f: {  	v23 =	vor.u32 s29, v23  }
0x310: {  	s31 =	sadd.s32 $0x1, s31;
	[tilespmem:s30+$0x30] =	vst v23  }
0x311: {  	s2 =	sadd.s32 $0x80, s2;
	s29 =	sadd.s32 $0x80, s29;
	s30 =	sadd.s32 $0x80, s30;
	[tilespmem:v63+s15+$0x0] =	vst.idx.msk vm1, v6  }
0x312: {  	s0 =	sadd.s32 s10, s26  }
0x313: {  	s0 =	sshrl.u32 s0, $0x3  }
0x314: {  	s26 =	sadd.s32 s3, s0  }
0x315: {  	[hbm4b:s26+s16] =	stream.strided.scatter [tilespmem:s15], [sflag:$0x3], $0x6400, s17, s16, $0x38;
	[tilespmem:$0x1A800] =	vst v63  }
0x316: {  	s0 =	sadd.s32 $0x271000, s26  }
0x317: {  	[hbm4b:s0+s16] =	stream.strided.scatter [tilespmem:s18], [sflag:$0x3], $0x6400, s17, s16, $0x38;
	[tilespmem:$0x1A800] =	vst v63  }
0x318: {  	_ =	swait.ge [sflag:s23], $0x6400  }
0x319: {  	[sflag:s23] =	ssyncset.done $0x0  }
0x31a: {  	[sflag:s23] =	ssyncadd.s32 $0xFFFF9C00  }
0x31b: {  	_ =	swait.ge [sflag:s23], $0x6400  }
0x31c: {  	[sflag:s23] =	ssyncset.done $0x0  }
0x31d: {  	s29 =	simm.s32 $0x0;
	s0 =	simm.s32 $0x0;
	[sflag:s23] =	ssyncadd.s32 $0xFFFF9C00  }
.LBB2_23:
0x31e: {  	s2 =	sshra.s32 s0, $0x2  }
0x31f: {  	v23 =	vld [tilespmem:s2+$0x1A400];
	_ =	sdelay $0x2  }
0x320: {  	p0 =	sne.s32 s0, $0xFC0  }
.Ltmp10:
0x321: {  	_ = 	snop;
	(pc) =	sbr.rel @p0 .LBB2_23-.Ltmp10, $2  }
0x322: {  	_ =	sdelay $0x2  }
0x323: {  	s0 =	sadd.s32 $0x40, s0;
	[tilespmem:v23+s19+$0x0] =	vst.idx.msk $0xffff, v4  }
0x324: {  	s30 =	simm.s32 $0x40;
	s31 =	simm.s32 $0x1A440;
	s2 =	simm.s32 $0x0  }
.LBB2_25:
0x325: {  	v23 =	vld [tilespmem:s30+$0xFFFFFFC0];
	_ =	sdelay $0x4  }
0x326: {  	v23 =	vtrunc.f32 v23  }
0x327: {  	v23 =	vcvt.f32.s32 v23;
	_ =	sdelay $0x1  }
0x328: {  	vm1 =	vgt.s32 v23, $0x32  }
0x329: {  	v24 =	vnsel vm1, $0x32, v23  }
0x32a: {  	v24 =	vshll.u32 v24, $0xA  }
0x32b: {  	s0 =	sshll.u32 s2, $0x7;
	vm1 =	vgt.s32 v23, $0x31;
	v23 =	vadd.s32 v14, v24  }
0x32c: {  	v24 =	vor.u32 s0, v23;
	_ =	sdelay $0x2  }
0x32d: {  	v23 =	vor.u32 s29, v23  }
0x32e: {  	[tilespmem:s31+$0xFFFFFFC0] =	vst v23  }
0x32f: {  	[tilespmem:v24+s19+$0x0] =	vst.idx.msk vm1, v6  }
0x330: {  	v23 =	vld [tilespmem:s30+$0xFFFFFFD0];
	_ =	sdelay $0x4  }
0x331: {  	v23 =	vtrunc.f32 v23  }
0x332: {  	v23 =	vcvt.f32.s32 v23;
	_ =	sdelay $0x1  }
0x333: {  	vm1 =	vgt.s32 v23, $0x32  }
0x334: {  	v57 =	vnsel vm1, $0x32, v23  }
0x335: {  	v24 =	vshll.u32 v57, $0xA  }
0x336: {  	vm1 =	vgt.s32 v23, $0x31;
	v23 =	vadd.s32 v15, v24  }
0x337: {  	v24 =	vor.u32 s0, v23;
	_ =	sdelay $0x2  }
0x338: {  	v23 =	vor.u32 s29, v23  }
0x339: {  	[tilespmem:s31+$0xFFFFFFD0] =	vst v23  }
0x33a: {  	[tilespmem:v24+s19+$0x0] =	vst.idx.msk vm1, v6  }
0x33b: {  	v23 =	vld [tilespmem:s30+$0xFFFFFFE0];
	_ =	sdelay $0x4  }
0x33c: {  	v23 =	vtrunc.f32 v23  }
0x33d: {  	v23 =	vcvt.f32.s32 v23;
	_ =	sdelay $0x1  }
0x33e: {  	vm1 =	vgt.s32 v23, $0x32  }
0x33f: {  	v58 =	vnsel vm1, $0x32, v23  }
0x340: {  	v24 =	vshll.u32 v58, $0xA  }
0x341: {  	vm1 =	vgt.s32 v23, $0x31;
	v23 =	vadd.s32 v16, v24  }
0x342: {  	v24 =	vor.u32 s0, v23;
	_ =	sdelay $0x2  }
0x343: {  	v23 =	vor.u32 s29, v23  }
0x344: {  	[tilespmem:s31+$0xFFFFFFE0] =	vst v23  }
0x345: {  	[tilespmem:v24+s19+$0x0] =	vst.idx.msk vm1, v6  }
0x346: {  	v23 =	vld [tilespmem:s30+$0xFFFFFFF0];
	_ =	sdelay $0x4  }
0x347: {  	v23 =	vtrunc.f32 v23  }
0x348: {  	v23 =	vcvt.f32.s32 v23;
	_ =	sdelay $0x1  }
0x349: {  	vm1 =	vgt.s32 v23, $0x32  }
0x34a: {  	v59 =	vnsel vm1, $0x32, v23  }
0x34b: {  	v24 =	vshll.u32 v59, $0xA  }
0x34c: {  	vm1 =	vgt.s32 v23, $0x31;
	v23 =	vadd.s32 v17, v24  }
0x34d: {  	v24 =	vor.u32 s0, v23;
	_ =	sdelay $0x2  }
0x34e: {  	v23 =	vor.u32 s29, v23  }
0x34f: {  	[tilespmem:s31+$0xFFFFFFF0] =	vst v23  }
0x350: {  	[tilespmem:v24+s19+$0x0] =	vst.idx.msk vm1, v6  }
0x351: {  	v23 =	vld [tilespmem:s30+$0x0];
	_ =	sdelay $0x4  }
0x352: {  	v23 =	vtrunc.f32 v23  }
0x353: {  	v23 =	vcvt.f32.s32 v23;
	_ =	sdelay $0x1  }
0x354: {  	vm1 =	vgt.s32 v23, $0x32  }
0x355: {  	v60 =	vnsel vm1, $0x32, v23  }
0x356: {  	v24 =	vshll.u32 v60, $0xA  }
0x357: {  	vm1 =	vgt.s32 v23, $0x31;
	v23 =	vadd.s32 v18, v24  }
0x358: {  	v24 =	vor.u32 s0, v23;
	_ =	sdelay $0x2  }
0x359: {  	v23 =	vor.u32 s29, v23  }
0x35a: {  	[tilespmem:s31+$0x0] =	vst v23  }
0x35b: {  	[tilespmem:v24+s19+$0x0] =	vst.idx.msk vm1, v6  }
0x35c: {  	v23 =	vld [tilespmem:s30+$0x10];
	_ =	sdelay $0x4  }
0x35d: {  	v23 =	vtrunc.f32 v23  }
0x35e: {  	v23 =	vcvt.f32.s32 v23;
	_ =	sdelay $0x1  }
0x35f: {  	vm1 =	vgt.s32 v23, $0x32  }
0x360: {  	v61 =	vnsel vm1, $0x32, v23  }
0x361: {  	v24 =	vshll.u32 v61, $0xA  }
0x362: {  	vm1 =	vgt.s32 v23, $0x31;
	v23 =	vadd.s32 v19, v24  }
0x363: {  	v24 =	vor.u32 s0, v23;
	_ =	sdelay $0x2  }
0x364: {  	v23 =	vor.u32 s29, v23  }
0x365: {  	[tilespmem:s31+$0x10] =	vst v23  }
0x366: {  	[tilespmem:v24+s19+$0x0] =	vst.idx.msk vm1, v6  }
0x367: {  	v23 =	vld [tilespmem:s30+$0x20];
	_ =	sdelay $0x4  }
0x368: {  	v23 =	vtrunc.f32 v23  }
0x369: {  	v23 =	vcvt.f32.s32 v23;
	_ =	sdelay $0x1  }
0x36a: {  	vm1 =	vgt.s32 v23, $0x32  }
0x36b: {  	v62 =	vnsel vm1, $0x32, v23  }
0x36c: {  	v24 =	vshll.u32 v62, $0xA  }
0x36d: {  	vm1 =	vgt.s32 v23, $0x31;
	v23 =	vadd.s32 v20, v24  }
0x36e: {  	v24 =	vor.u32 s0, v23;
	_ =	sdelay $0x2  }
0x36f: {  	v23 =	vor.u32 s29, v23  }
0x370: {  	[tilespmem:s31+$0x20] =	vst v23  }
0x371: {  	[tilespmem:v24+s19+$0x0] =	vst.idx.msk vm1, v6  }
0x372: {  	v23 =	vld [tilespmem:s30+$0x30];
	_ =	sdelay $0x4  }
0x373: {  	v23 =	vtrunc.f32 v23  }
0x374: {  	v23 =	vcvt.f32.s32 v23;
	_ =	sdelay $0x1  }
0x375: {  	vm1 =	vgt.s32 v23, $0x32  }
0x376: {  	v63 =	vnsel vm1, $0x32, v23  }
0x377: {  	v24 =	vshll.u32 v63, $0xA  }
0x378: {  	vm1 =	vgt.s32 v23, $0x31;
	v23 =	vadd.s32 v21, v24  }
0x379: {  	p0 =	sne.s32 s2, $0x7;
	v24 =	vor.u32 s0, v23  }
.Ltmp11:
0x37a: {  	_ = 	snop;
	(pc) =	sbr.rel @p0 .LBB2_25-.Ltmp11, $4  }
0x37b: {  	_ = 	snop  }
0x37c: {  	v23 =	vor.u32 s29, v23  }
0x37d: {  	s2 =	sadd.s32 $0x1, s2;
	[tilespmem:s31+$0x30] =	vst v23  }
0x37e: {  	s30 =	sadd.s32 $0x80, s30;
	s29 =	sadd.s32 $0x80, s29;
	s31 =	sadd.s32 $0x80, s31;
	[tilespmem:v24+s19+$0x0] =	vst.idx.msk vm1, v6  }
0x37f: {  	s0 =	smin.u32 s28, $0x14  }
0x380: {  	s0 =	sshll.u32 s0, $0x3  }
0x381: {  	s0 =	sadd.s32 $0x20, s0  }
0x382: {  	v23 =	vmov s0  }
0x383: {  	s30 =	sadd.s32 $0x4E2000, s26;
	s25 =	sadd.s32 $0x1, s25;
	v23 =	vshll.u32 v23, $0x9  }
0x384: {  	[hbm4b:s30+s16] =	stream.strided.scatter [tilespmem:s19], [sflag:$0x4], $0x6400, s17, s16, $0x38;
	v23 =	vor.u32 v22, v23;
	[tilespmem:$0x1A800] =	vst v63  }
0x385: {  	p0 =	sne.s32 s25, $0xC;
	v23 =	vor.u32 v3, v23  }
.Ltmp12:
0x386: {  	_ = 	snop;
	(pc) =	sbr.rel @p0 .LBB2_10-.Ltmp12, $4  }
0x387: {  	s31 =	sadd.s32 $0x753000, s26  }
0x388: {  	[hbm4b:s31+s16] =	stream.strided.scatter [tilespmem:s20], [sflag:$0x4], $0x6400, s17, s16, $0x38;
	[tilespmem:$0x1A800] =	vst v63  }
0x389: {  	_ = 	snop  }
0x38a: {  	[tilespmem:s4], [sflag:$0x1] =	stream.indirect_vreg.gather [hbm4b:s1+s4], $0x80, v23, vm0, $0xb8;
	[tilespmem:$0x1A800] =	vst v63  }
0x38b: {  	_ =	swait.ge [sflag:s14], $0x800  }
0x38c: {  	[sflag:s14] =	ssyncset.done $0x0  }
0x38d: {  	[sflag:s14] =	ssyncadd.s32 $0xFFFFF800  }
0x38e: {  	_ =	swait.ge [sflag:s21], $0x800  }
0x38f: {  	[sflag:s21] =	ssyncset.done $0x0  }
0x390: {  	[sflag:s21] =	ssyncadd.s32 $0xFFFFF800  }
0x391: {  	_ =	swait.ge [sflag:s22], $0x6400  }
0x392: {  	[sflag:s22] =	ssyncset.done $0x0  }
0x393: {  	[sflag:s22] =	ssyncadd.s32 $0xFFFF9C00  }
0x394: {  	_ =	swait.ge [sflag:s22], $0x6400  }
0x395: {  	[sflag:s22] =	ssyncset.done $0x0  }
0x396: {  	s24 =	sadd.s32 $0x1, s24;
	[sflag:s22] =	ssyncadd.s32 $0xFFFF9C00  }
0x397: {  	p0 =	sne.s32 s24, s12;
	_ =	swait.ge [sflag:s23], $0x6400  }
.Ltmp13:
0x398: {  	[sflag:s23] =	ssyncset.done $0x0;
	(pc) =	sbr.rel @p0 .LBB2_1-.Ltmp13, $4  }
0x399: {  	[sflag:s23] =	ssyncadd.s32 $0xFFFF9C00  }
0x39a: {  	_ =	swait.ge [sflag:s23], $0x6400  }
0x39b: {  	[sflag:s23] =	ssyncset.done $0x0  }
0x39c: {  	[sflag:s23] =	ssyncadd.s32 $0xFFFF9C00  }
0x39d: {  	_ =	sfence.sel $0x180000  }
0x39e: {  	[bflag:$0x0] =	sbarrier.arrive $0xFFFF  }
0x39f: {  	_ =	strace $0x90000047  }
0x3a0: {  	s0 =	stileid.u32;
	[bflag:$0x2] =	sbarrier.arrive $0xFFFF  }
0x3a1: {  	p0 =	sne.s32 s0, $0x0;
	s0 =	rddreg [dreg:$0x2]  }
0x3a2: {  	s0 =	sadd.s32 @!p0 $0x100000, s0  }
0x3a3: {  	[sflag:s0] =	ssyncadd.tile.s32 @!p0 $0x1;
	_ =	shalt  }
.Lfunc_end2:
_tile_overlayer_lowered:
.L_overlay_start_2:
0x3a4: {  	(tag) =	ssettag $0x2  }
0x3a5: {  	s0 =	rddreg [dreg:$0x0];
	s2 =	stileid.u32  }
0x3a6: {  	s1 =	rddreg [dreg:$0x1];
	p0 =	sne.s32 s2, $0x0  }
0x3a7: {  	s3 =	rddreg [dreg:$0x2];
	[bflag:$0x3] =	sbarrier.arrive $0xFFFF;
	s2 =	simm.s32 @!p0 $0x1C05  }
0x3a8: {  	[timem:s3], [sflag:s2] =	dma.local @!p0 [hbm:s0], s1  }
0x3a9: {  	s0 =	simm.s32 @!p0 $0x5  }
0x3aa: {  	_ =	swait.ge @!p0 [sflag:s0], s1  }
0x3ab: {  	s1 =	ssub.s32 @!p0 $0x0, s1;
	[sflag:s0] =	ssyncset.done @!p0 $0x0  }
0x3ac: {  	[sflag:s0] =	ssyncadd.s32 @!p0 s1  }
0x3ad: {  	[bflag:$0x3] =	sbarrier.arrive $0xFFFF  }
0x3ae: {  	_ =	shalt  }

</sc_bundles>
